<compile_context>
chip_gen: v7x
topology: tpu7x:2x2x1
jax: 0.10.2.dev20260603
libtpu: 0.0.44.dev20260713+nightly
codegen_flags: <defaults>
</compile_context>

<pallas_src>
import dataclasses

import jax
import jax.numpy as jnp
from jax.experimental import pallas as pl
from jax.experimental.pallas import tpu as pltpu
from jax.experimental.pallas import tpu_sc as plsc

_COMPILER_PARAMS = pltpu.CompilerParams()
if "needs_layout_passes" in pltpu.CompilerParams.__dataclass_fields__:
    _COMPILER_PARAMS = dataclasses.replace(
        _COMPILER_PARAMS, needs_layout_passes=False
    )

D = 2048
ROWS = 4 * 4096
RB = 8
LANES = 16


@jax.jit
def _permute_rows(flat, perm):
    mesh = plsc.VectorSubcoreMesh(core_axis_name="core",
                                  subcore_axis_name="subcore")

    @pl.kernel(
        out_type=jax.ShapeDtypeStruct((ROWS, D), jnp.float32),
        mesh=mesh,
        compiler_params=_COMPILER_PARAMS,
        scratch_types=[
            pltpu.VMEM((D,), jnp.int32),
            pltpu.SemaphoreType.DMA,
        ],
    )
    def kern(x_hbm, p_hbm, o_hbm, perm_vmem, sem):
        pltpu.async_copy(p_hbm, perm_vmem, sem).wait()

        def body(in_vmem, out_vmem):
            @plsc.parallel_loop(0, D // 128)
            def _ct(ct):
                for g in range(128 // LANES):
                    base = ct * 128 + g * LANES
                    idx = perm_vmem[pl.ds(base, LANES)]
                    for r in range(RB):
                        r_vec = jnp.full((LANES,), r, jnp.int32)
                        out_vmem[r, pl.ds(base, LANES)] = plsc.load_gather(
                            in_vmem, [r_vec, idx]
                        )

        pltpu.emit_pipeline(
            body,
            grid=(ROWS // RB,),
            in_specs=[pl.BlockSpec((RB, D), index_map=lambda i: (i, 0))],
            out_specs=[pl.BlockSpec((RB, D), index_map=lambda i: (i, 0))],
            core_axis_name=("core", "subcore"),
            dimension_semantics=(pltpu.PARALLEL,),
        )(x_hbm, o_hbm)

    return kern(flat, perm)


def kernel(target, permutation):
    b, s, d = target.shape
    out = _permute_rows(target.reshape(b * s, d), permutation)
    return out.reshape(b, s, d)

# --- scband reference (transcript-rebuilt; emitter-appended) ---
"""Pipeline reference for scband-permutation-28054726377677 (READ-ONLY COPY).

The authoritative reference and input builder live on the scoring server;
editing this copy changes nothing except your own understanding.
"""

import jax, jax.numpy as jnp
import numpy as np

INPUT_DIM = 2048

def setup_inputs(seed: int = 0) -> dict:
    key = jax.random.key(seed)
    k1, k2 = jax.random.split(key)
    target = jax.random.normal(k1, (4, 4096, 2048), dtype=jnp.float32)
    # Fixed (non-trainable) permutation, as created in __init__
    rng = np.random.RandomState(0)
    permutation = jnp.asarray(rng.permutation(INPUT_DIM), dtype=jnp.int32)
    return {"target": target, "permutation": permutation}

def reference(target, permutation):
    # Forward pass (inverse=False): permute over last axis via gather
    return jnp.take(target, permutation, axis=-1)

if __name__ == "__main__":
    import jax
    _d = setup_inputs()
    print(jax.jit(kernel)(*tuple(_d.values())))

</pallas_src>

<mosaic_0001>
#map = affine_map<(d0, d1) -> (0, 0)>
#map1 = affine_map<(d0, d1) -> (0)>
module attributes {stable_mosaic.version = 14 : i64} {
  func.func @kern(%arg0: i32, %arg1: i32, %arg2: memref<16384x2048xf32, #tpu.memory_space<hbm>>, %arg3: memref<2048xi32, #tpu.memory_space<hbm>>, %arg4: memref<16384x2048xf32, #tpu.memory_space<hbm>>, %arg5: memref<2048xi32, #tpu.memory_space<vmem>>, %arg6: memref<!tpu.dma_semaphore, #tpu.memory_space<semaphore_mem>>) attributes {dimension_semantics = [#tpu.dimension_semantics<core_parallel>, #tpu.dimension_semantics<subcore_parallel>], iteration_bounds = array<i64: 2, 16>, scalar_prefetch = 0 : i64, scratch_operands = 2 : i64, tpu.core_type = #tpu.core_type<sc_vector_subcore>, window_params = [{transform_indices = #map}, {transform_indices = #map1}, {transform_indices = #map}]} {
    tpu.enqueue_dma source(%arg3 : memref<2048xi32, #tpu.memory_space<hbm>>) target(%arg5 : memref<2048xi32, #tpu.memory_space<vmem>>) target_semaphore(%arg6 : memref<!tpu.dma_semaphore, #tpu.memory_space<semaphore_mem>>)
    tpu.wait_dma2 semaphore(%arg6 : memref<!tpu.dma_semaphore, #tpu.memory_space<semaphore_mem>>) src(%arg3 : memref<2048xi32, #tpu.memory_space<hbm>>) dst(%arg5 : memref<2048xi32, #tpu.memory_space<vmem>>)
    %mul3A = arith.constant 1 : i32
    %mul3A_0 = arith.muli %arg1, %mul3A : i32
    %add3A = arith.constant 0 : i32
    %add3A_1 = arith.addi %add3A, %mul3A_0 : i32
    %mul3A_2 = arith.constant 16 : i32
    %mul3A_3 = arith.muli %arg0, %mul3A_2 : i32
    %add3A_4 = arith.addi %add3A_1, %mul3A_3 : i32
    %mul3A_5 = arith.constant 64 : i32
    %mul3A_6 = arith.muli %add3A_4, %mul3A_5 : i32
    "tpu.region"() ({
      %run_scoped3A = memref.alloca() : memref<2x8x2048xf32, #tpu.memory_space<vmem>>
      %run_scoped3A_7 = tpu.sem_alloc : memref<2x!tpu.dma_semaphore, #tpu.memory_space<semaphore_mem>>
      %run_scoped3A_8 = memref.alloca() : memref<2x8x2048xf32, #tpu.memory_space<vmem>>
      %run_scoped3A_9 = tpu.sem_alloc : memref<2x!tpu.dma_semaphore, #tpu.memory_space<semaphore_mem>>
      %add3A_10 = arith.constant 0 : i32
      %add3A_11 = arith.addi %add3A_10, %mul3A_6 : i32
      %select_n3A = arith.constant true
      %select_n3A_12 = arith.constant 0 : i32
      %select_n3A_13 = arith.constant -1 : i32
      %select_n3A_14 = arith.select %select_n3A, %select_n3A_13, %select_n3A_12 : i32
      %eq3A = arith.constant -1 : i32
      %eq3A_15 = arith.cmpi eq, %select_n3A_14, %eq3A : i32
      %select_n3A_16 = arith.constant 63 : i32
      %select_n3A_17 = arith.select %eq3A_15, %select_n3A_16, %select_n3A_14 : i32
      %add3A_18 = arith.addi %select_n3A_17, %mul3A_6 : i32
      %select_n3A_19 = arith.constant true
      %select_n3A_20 = arith.constant 0 : i32
      %select_n3A_21 = arith.constant 1 : i32
      %select_n3A_22 = arith.select %select_n3A_19, %select_n3A_21, %select_n3A_20 : i32
      %eq3A_23 = arith.constant 64 : i32
      %eq3A_24 = arith.cmpi eq, %select_n3A_22, %eq3A_23 : i32
      %select_n3A_25 = arith.constant 0 : i32
      %select_n3A_26 = arith.select %eq3A_24, %select_n3A_25, %select_n3A_22 : i32
      %add3A_27 = arith.addi %select_n3A_26, %mul3A_6 : i32
      %add3A_28 = arith.constant 1 : i32
      %add3A_29 = arith.addi %select_n3A_26, %add3A_28 : i32
      %select_n3A_30 = arith.constant true
      %select_n3A_31 = arith.select %select_n3A_30, %add3A_29, %select_n3A_26 : i32
      %eq3A_32 = arith.constant 64 : i32
      %eq3A_33 = arith.cmpi eq, %select_n3A_31, %eq3A_32 : i32
      %select_n3A_34 = arith.constant 0 : i32
      %select_n3A_35 = arith.select %eq3A_33, %select_n3A_34, %select_n3A_31 : i32
      %add3A_36 = arith.addi %select_n3A_35, %mul3A_6 : i32
      "tpu.trace_start"() <{level = 10 : i32, message = "ep_initialize_0"}> : () -> ()
      %rem3A = arith.constant 0 : i32
      %rem3A_37 = arith.constant 2 : i32
      %rem3A_38 = arith.remui %rem3A, %rem3A_37 : i32
      %mul3A_39 = arith.constant 8 : i32
      %mul3A_40 = arith.muli %mul3A_39, %add3A_11 : i32
      %dma_start3A = arith.constant 0 : i32
      %dma_start3A_41 = arith.constant 0 : i32
      %dma_start3A_42 = tpu.memref_slice %run_scoped3A[%rem3A_38, %dma_start3A, %dma_start3A_41] : memref<2x8x2048xf32, #tpu.memory_space<vmem>> -> memref<1x8x2048xf32, #tpu.memory_space<vmem>>
      %dma_start3A_43 = tpu.memref_squeeze %dma_start3A_42 : memref<1x8x2048xf32, #tpu.memory_space<vmem>> -> memref<8x2048xf32, #tpu.memory_space<vmem>>
      %dma_start3A_44 = arith.constant 0 : i32
      %dma_start3A_45 = tpu.memref_slice %arg2[%mul3A_40, %dma_start3A_44] : memref<16384x2048xf32, #tpu.memory_space<hbm>> -> memref<8x2048xf32, #tpu.memory_space<hbm>>
      %dma_start3A_46 = tpu.memref_slice %run_scoped3A_7[%rem3A_38] : memref<2x!tpu.dma_semaphore, #tpu.memory_space<semaphore_mem>> -> memref<1x!tpu.dma_semaphore, #tpu.memory_space<semaphore_mem>>
      %dma_start3A_47 = tpu.memref_squeeze %dma_start3A_46 : memref<1x!tpu.dma_semaphore, #tpu.memory_space<semaphore_mem>> -> memref<!tpu.dma_semaphore, #tpu.memory_space<semaphore_mem>>
      %dma_start3A_48 = arith.constant 0 : i32
      %dma_start3A_49 = arith.constant 0 : i32
      %dma_start3A_50 = tpu.memref_slice %run_scoped3A[%rem3A_38, %dma_start3A_48, %dma_start3A_49] : memref<2x8x2048xf32, #tpu.memory_space<vmem>> -> memref<1x8x2048xf32, #tpu.memory_space<vmem>>
      %dma_start3A_51 = tpu.memref_squeeze %dma_start3A_50 : memref<1x8x2048xf32, #tpu.memory_space<vmem>> -> memref<8x2048xf32, #tpu.memory_space<vmem>>
      %dma_start3A_52 = arith.constant 0 : i32
      %dma_start3A_53 = tpu.memref_slice %arg2[%mul3A_40, %dma_start3A_52] : memref<16384x2048xf32, #tpu.memory_space<hbm>> -> memref<8x2048xf32, #tpu.memory_space<hbm>>
      tpu.enqueue_dma source(%dma_start3A_53 : memref<8x2048xf32, #tpu.memory_space<hbm>>) target(%dma_start3A_51 : memref<8x2048xf32, #tpu.memory_space<vmem>>) target_semaphore(%dma_start3A_47 : memref<!tpu.dma_semaphore, #tpu.memory_space<semaphore_mem>>)
      %add3A_54 = arith.constant 0 : i32
      %add3A_55 = arith.constant 1 : i32
      %add3A_56 = arith.addi %add3A_54, %add3A_55 : i32
      %select_n3A_57 = arith.constant true
      %select_n3A_58 = arith.constant 0 : i32
      %select_n3A_59 = arith.select %select_n3A_57, %add3A_56, %select_n3A_58 : i32
      "tpu.trace_stop"() : () -> ()
      %scan3A = arith.constant 0 : i32
      %scan3A_60 = arith.constant 0 : i32
      %scan3A_61 = arith.constant 0 : i32
      %scan3A_62 = arith.constant 0 : i32
      %scan3A_63 = arith.constant 0 : i32
      %scan3A_64 = arith.constant 64 : i32
      %scan3A_65 = arith.addi %scan3A_63, %scan3A_64 : i32
      %scan3A_66 = arith.constant 1 : i32
      %scan3A_67:5 = scf.for %scan3A_121 = %scan3A_63 to %scan3A_65 step %scan3A_66 iter_args(%scan3A_122 = %select_n3A_59, %scan3A_123 = %scan3A, %scan3A_124 = %scan3A_60, %scan3A_125 = %scan3A_61, %scan3A_126 = %scan3A_62) -> (i32, i32, i32, i32, i32)  : i32 {
        %eq3A_127 = arith.constant 0 : i32
        %eq3A_128 = arith.cmpi eq, %scan3A_121, %eq3A_127 : i32
        %eq3A_129 = arith.constant 63 : i32
        %eq3A_130 = arith.cmpi eq, %scan3A_121, %eq3A_129 : i32
        %add3A_131 = arith.addi %scan3A_126, %mul3A_6 : i32
        %sub3A_132 = arith.constant 1 : i32
        %sub3A_133 = arith.subi %scan3A_126, %sub3A_132 : i32
        %select_n3A_134 = arith.constant true
        %select_n3A_135 = arith.select %select_n3A_134, %sub3A_133, %scan3A_126 : i32
        %eq3A_136 = arith.constant -1 : i32
        %eq3A_137 = arith.cmpi eq, %select_n3A_135, %eq3A_136 : i32
        %select_n3A_138 = arith.constant 63 : i32
        %select_n3A_139 = arith.select %eq3A_137, %select_n3A_138, %select_n3A_135 : i32
        %add3A_140 = arith.addi %select_n3A_139, %mul3A_6 : i32
        %add3A_141 = arith.constant 1 : i32
        %add3A_142 = arith.addi %scan3A_126, %add3A_141 : i32
        %select_n3A_143 = arith.constant true
        %select_n3A_144 = arith.select %select_n3A_143, %add3A_142, %scan3A_126 : i32
        %eq3A_145 = arith.constant 64 : i32
        %eq3A_146 = arith.cmpi eq, %select_n3A_144, %eq3A_145 : i32
        %select_n3A_147 = arith.constant 0 : i32
        %select_n3A_148 = arith.select %eq3A_146, %select_n3A_147, %select_n3A_144 : i32
        %add3A_149 = arith.addi %select_n3A_148, %mul3A_6 : i32
        %add3A_150 = arith.constant 1 : i32
        %add3A_151 = arith.addi %select_n3A_148, %add3A_150 : i32
        %select_n3A_152 = arith.constant true
        %select_n3A_153 = arith.select %select_n3A_152, %add3A_151, %select_n3A_148 : i32
        %eq3A_154 = arith.constant 64 : i32
        %eq3A_155 = arith.cmpi eq, %select_n3A_153, %eq3A_154 : i32
        %select_n3A_156 = arith.constant 0 : i32
        %select_n3A_157 = arith.select %eq3A_155, %select_n3A_156, %select_n3A_153 : i32
        %add3A_158 = arith.addi %select_n3A_157, %mul3A_6 : i32
        %ne3A = arith.cmpi ne, %add3A_131, %add3A_149 : i32
        %or3A = arith.constant false
        %or3A_159 = arith.ori %or3A, %ne3A : i1
        %or3A_160 = arith.constant false
        %or3A_161 = arith.ori %or3A_159, %or3A_160 : i1
        %ge3A = arith.constant 63 : i32
        %ge3A_162 = arith.cmpi sge, %scan3A_121, %ge3A : i32
        %not3A = arith.constant true
        %not3A_163 = arith.xori %ge3A_162, %not3A : i1
        %and3A = arith.andi %or3A_161, %not3A_163 : i1
        %convert_element_type3A = arith.extui %and3A : i1 to i32
        %cond3A = arith.constant 0 : i32
        %cond3A_164 = arith.cmpi ne, %convert_element_type3A, %cond3A : i32
        scf.if %cond3A_164 {
          "tpu.trace_start"() <{level = 10 : i32, message = "ep_copy_in"}> : () -> ()
          %rem3A_275 = arith.constant 2 : i32
          %rem3A_276 = arith.remui %scan3A_122, %rem3A_275 : i32
          %mul3A_277 = arith.constant 8 : i32
          %mul3A_278 = arith.muli %mul3A_277, %add3A_149 : i32
          %dma_start3A_279 = arith.constant 0 : i32
          %dma_start3A_280 = arith.constant 0 : i32
          %dma_start3A_281 = tpu.memref_slice %run_scoped3A[%rem3A_276, %dma_start3A_279, %dma_start3A_280] : memref<2x8x2048xf32, #tpu.memory_space<vmem>> -> memref<1x8x2048xf32, #tpu.memory_space<vmem>>
          %dma_start3A_282 = tpu.memref_squeeze %dma_start3A_281 : memref<1x8x2048xf32, #tpu.memory_space<vmem>> -> memref<8x2048xf32, #tpu.memory_space<vmem>>
          %dma_start3A_283 = arith.constant 0 : i32
          %dma_start3A_284 = tpu.memref_slice %arg2[%mul3A_278, %dma_start3A_283] : memref<16384x2048xf32, #tpu.memory_space<hbm>> -> memref<8x2048xf32, #tpu.memory_space<hbm>>
          %dma_start3A_285 = tpu.memref_slice %run_scoped3A_7[%rem3A_276] : memref<2x!tpu.dma_semaphore, #tpu.memory_space<semaphore_mem>> -> memref<1x!tpu.dma_semaphore, #tpu.memory_space<semaphore_mem>>
          %dma_start3A_286 = tpu.memref_squeeze %dma_start3A_285 : memref<1x!tpu.dma_semaphore, #tpu.memory_space<semaphore_mem>> -> memref<!tpu.dma_semaphore, #tpu.memory_space<semaphore_mem>>
          %dma_start3A_287 = arith.constant 0 : i32
          %dma_start3A_288 = arith.constant 0 : i32
          %dma_start3A_289 = tpu.memref_slice %run_scoped3A[%rem3A_276, %dma_start3A_287, %dma_start3A_288] : memref<2x8x2048xf32, #tpu.memory_space<vmem>> -> memref<1x8x2048xf32, #tpu.memory_space<vmem>>
          %dma_start3A_290 = tpu.memref_squeeze %dma_start3A_289 : memref<1x8x2048xf32, #tpu.memory_space<vmem>> -> memref<8x2048xf32, #tpu.memory_space<vmem>>
          %dma_start3A_291 = arith.constant 0 : i32
          %dma_start3A_292 = tpu.memref_slice %arg2[%mul3A_278, %dma_start3A_291] : memref<16384x2048xf32, #tpu.memory_space<hbm>> -> memref<8x2048xf32, #tpu.memory_space<hbm>>
          tpu.enqueue_dma source(%dma_start3A_292 : memref<8x2048xf32, #tpu.memory_space<hbm>>) target(%dma_start3A_290 : memref<8x2048xf32, #tpu.memory_space<vmem>>) target_semaphore(%dma_start3A_286 : memref<!tpu.dma_semaphore, #tpu.memory_space<semaphore_mem>>)
          "tpu.trace_stop"() : () -> ()
        } else {
        }
        %and3A_165 = arith.constant true
        %and3A_166 = arith.andi %and3A, %and3A_165 : i1
        %add3A_167 = arith.constant 1 : i32
        %add3A_168 = arith.addi %scan3A_122, %add3A_167 : i32
        %select_n3A_169 = arith.select %and3A_166, %add3A_168, %scan3A_122 : i32
        %ne3A_170 = arith.cmpi ne, %add3A_131, %add3A_149 : i32
        %or3A_171 = arith.constant false
        %or3A_172 = arith.ori %or3A_171, %ne3A_170 : i1
        %or3A_173 = arith.constant false
        %or3A_174 = arith.ori %or3A_172, %or3A_173 : i1
        %ge3A_175 = arith.constant 63 : i32
        %ge3A_176 = arith.cmpi sge, %scan3A_121, %ge3A_175 : i32
        %not3A_177 = arith.constant true
        %not3A_178 = arith.xori %ge3A_176, %not3A_177 : i1
        %and3A_179 = arith.andi %or3A_174, %not3A_178 : i1
        %ne3A_180 = arith.cmpi ne, %add3A_131, %add3A_140 : i32
        %or3A_181 = arith.constant false
        %or3A_182 = arith.ori %or3A_181, %ne3A_180 : i1
        %or3A_183 = arith.constant false
        %or3A_184 = arith.ori %or3A_182, %or3A_183 : i1
        %or3A_185 = arith.ori %or3A_184, %eq3A_128 : i1
        %convert_element_type3A_186 = arith.extui %or3A_185 : i1 to i32
        %cond3A_187 = arith.constant 0 : i32
        %cond3A_188 = arith.cmpi ne, %convert_element_type3A_186, %cond3A_187 : i32
        scf.if %cond3A_188 {
          "tpu.trace_start"() <{level = 10 : i32, message = "ep_wait_in"}> : () -> ()
          %mul3A_275 = arith.constant 8 : i32
          %mul3A_276 = arith.muli %mul3A_275, %add3A_131 : i32
          %rem3A_277 = arith.constant 2 : i32
          %rem3A_278 = arith.remui %scan3A_123, %rem3A_277 : i32
          %dma_wait3A_279 = arith.constant 0 : i32
          %dma_wait3A_280 = arith.constant 0 : i32
          %dma_wait3A_281 = tpu.memref_slice %run_scoped3A[%rem3A_278, %dma_wait3A_279, %dma_wait3A_280] : memref<2x8x2048xf32, #tpu.memory_space<vmem>> -> memref<1x8x2048xf32, #tpu.memory_space<vmem>>
          %dma_wait3A_282 = tpu.memref_squeeze %dma_wait3A_281 : memref<1x8x2048xf32, #tpu.memory_space<vmem>> -> memref<8x2048xf32, #tpu.memory_space<vmem>>
          %dma_wait3A_283 = arith.constant 0 : i32
          %dma_wait3A_284 = tpu.memref_slice %arg2[%mul3A_276, %dma_wait3A_283] : memref<16384x2048xf32, #tpu.memory_space<hbm>> -> memref<8x2048xf32, #tpu.memory_space<hbm>>
          %dma_wait3A_285 = tpu.memref_slice %run_scoped3A_7[%rem3A_278] : memref<2x!tpu.dma_semaphore, #tpu.memory_space<semaphore_mem>> -> memref<1x!tpu.dma_semaphore, #tpu.memory_space<semaphore_mem>>
          %dma_wait3A_286 = tpu.memref_squeeze %dma_wait3A_285 : memref<1x!tpu.dma_semaphore, #tpu.memory_space<semaphore_mem>> -> memref<!tpu.dma_semaphore, #tpu.memory_space<semaphore_mem>>
          %dma_wait3A_287 = arith.constant 0 : i32
          %dma_wait3A_288 = arith.constant 0 : i32
          %dma_wait3A_289 = tpu.memref_slice %run_scoped3A[%rem3A_278, %dma_wait3A_287, %dma_wait3A_288] : memref<2x8x2048xf32, #tpu.memory_space<vmem>> -> memref<1x8x2048xf32, #tpu.memory_space<vmem>>
          %dma_wait3A_290 = tpu.memref_squeeze %dma_wait3A_289 : memref<1x8x2048xf32, #tpu.memory_space<vmem>> -> memref<8x2048xf32, #tpu.memory_space<vmem>>
          %dma_wait3A_291 = arith.constant 0 : i32
          %dma_wait3A_292 = tpu.memref_slice %arg2[%mul3A_276, %dma_wait3A_291] : memref<16384x2048xf32, #tpu.memory_space<hbm>> -> memref<8x2048xf32, #tpu.memory_space<hbm>>
          tpu.wait_dma2 semaphore(%dma_wait3A_286 : memref<!tpu.dma_semaphore, #tpu.memory_space<semaphore_mem>>) src(%dma_wait3A_292 : memref<8x2048xf32, #tpu.memory_space<hbm>>) dst(%dma_wait3A_290 : memref<8x2048xf32, #tpu.memory_space<vmem>>)
          "tpu.trace_stop"() : () -> ()
        } else {
        }
        %ne3A_189 = arith.cmpi ne, %add3A_131, %add3A_140 : i32
        %or3A_190 = arith.constant false
        %or3A_191 = arith.ori %or3A_190, %ne3A_189 : i1
        %or3A_192 = arith.constant false
        %or3A_193 = arith.ori %or3A_191, %or3A_192 : i1
        %or3A_194 = arith.ori %or3A_193, %eq3A_128 : i1
        %convert_element_type3A_195 = arith.extui %or3A_194 : i1 to i32
        %cond3A_196 = arith.constant 0 : i32
        %cond3A_197 = arith.cmpi ne, %convert_element_type3A_195, %cond3A_196 : i32
        scf.if %cond3A_197 {
        } else {
        }
        %rem3A_198 = arith.constant 2 : i32
        %rem3A_199 = arith.remui %scan3A_123, %rem3A_198 : i32
        %rem3A_200 = arith.constant 2 : i32
        %rem3A_201 = arith.remui %scan3A_124, %rem3A_200 : i32
        %parallel_loop3A = arith.constant 0 : i32
        %parallel_loop3A_202 = arith.constant 16 : i32
        %parallel_loop3A_203 = arith.constant 1 : i32
        "tpu.trace_start"() <{level = 10 : i32, message = "ep_run_kernel"}> : () -> ()
        scf.for %parallel_loop3A_275 = %parallel_loop3A to %parallel_loop3A_202 step %parallel_loop3A_203  : i32 {
          %parallel_loop3A_276 = arith.constant 128 : i32
          %parallel_loop3A_277 = arith.muli %parallel_loop3A_275, %parallel_loop3A_276 : i32
          %parallel_loop3A_278 = arith.constant 0 : i32
          %parallel_loop3A_279 = arith.addi %parallel_loop3A_277, %parallel_loop3A_278 : i32
          %parallel_loop3A_280 = arith.index_cast %parallel_loop3A_279 : i32 to index
          %parallel_loop3A_281 = tpu.vector_load %arg5[%parallel_loop3A_280] {strides = array<i32>} : memref<2048xi32, #tpu.memory_space<vmem>>, vector<16xi32>,
          %parallel_loop3A_282 = arith.constant 0 : i32
          %parallel_loop3A_283 = vector.broadcast %parallel_loop3A_282 : i32 to vector<16xi32>
          %parallel_loop3A_284 = arith.constant 0 : i32
          %parallel_loop3A_285 = arith.constant 0 : i32
          %parallel_loop3A_286 = tpu.memref_slice %run_scoped3A[%rem3A_199, %parallel_loop3A_284, %parallel_loop3A_285] : memref<2x8x2048xf32, #tpu.memory_space<vmem>> -> memref<1x8x2048xf32, #tpu.memory_space<vmem>>
          %parallel_loop3A_287 = tpu.memref_squeeze %parallel_loop3A_286 : memref<1x8x2048xf32, #tpu.memory_space<vmem>> -> memref<8x2048xf32, #tpu.memory_space<vmem>>
          %parallel_loop3A_288 = tpu.vector_load_idx %parallel_loop3A_287[%parallel_loop3A_283, %parallel_loop3A_281] : memref<8x2048xf32, #tpu.memory_space<vmem>>[vector<16xi32>, vector<16xi32>], vector<16xf32>,
          %parallel_loop3A_289 = arith.constant 0 : i32
          %parallel_loop3A_290 = arith.constant 0 : i32
          %parallel_loop3A_291 = arith.constant 0 : i32
          %parallel_loop3A_292 = tpu.memref_slice %run_scoped3A_8[%rem3A_201, %parallel_loop3A_290, %parallel_loop3A_291] : memref<2x8x2048xf32, #tpu.memory_space<vmem>> -> memref<1x8x2048xf32, #tpu.memory_space<vmem>>
          %parallel_loop3A_293 = tpu.memref_squeeze %parallel_loop3A_292 : memref<1x8x2048xf32, #tpu.memory_space<vmem>> -> memref<8x2048xf32, #tpu.memory_space<vmem>>
          %parallel_loop3A_294 = arith.index_cast %parallel_loop3A_289 : i32 to index
          %parallel_loop3A_295 = arith.index_cast %parallel_loop3A_279 : i32 to index
          %parallel_loop3A_296 = tpu.vector_load %parallel_loop3A_293[%parallel_loop3A_294, %parallel_loop3A_295] {strides = array<i32>} : memref<8x2048xf32, #tpu.memory_space<vmem>>, vector<16xf32>,
          tpu.vector_store %parallel_loop3A_293[%parallel_loop3A_294, %parallel_loop3A_295], %parallel_loop3A_288 {strides = array<i32>} : memref<8x2048xf32, #tpu.memory_space<vmem>>, vector<16xf32>,
          %parallel_loop3A_297 = arith.constant 1 : i32
          %parallel_loop3A_298 = vector.broadcast %parallel_loop3A_297 : i32 to vector<16xi32>
          %parallel_loop3A_299 = arith.constant 0 : i32
          %parallel_loop3A_300 = arith.constant 0 : i32
          %parallel_loop3A_301 = tpu.memref_slice %run_scoped3A[%rem3A_199, %parallel_loop3A_299, %parallel_loop3A_300] : memref<2x8x2048xf32, #tpu.memory_space<vmem>> -> memref<1x8x2048xf32, #tpu.memory_space<vmem>>
          %parallel_loop3A_302 = tpu.memref_squeeze %parallel_loop3A_301 : memref<1x8x2048xf32, #tpu.memory_space<vmem>> -> memref<8x2048xf32, #tpu.memory_space<vmem>>
          %parallel_loop3A_303 = tpu.vector_load_idx %parallel_loop3A_302[%parallel_loop3A_298, %parallel_loop3A_281] : memref<8x2048xf32, #tpu.memory_space<vmem>>[vector<16xi32>, vector<16xi32>], vector<16xf32>,
          %parallel_loop3A_304 = arith.constant 1 : i32
          %parallel_loop3A_305 = arith.constant 0 : i32
          %parallel_loop3A_306 = arith.constant 0 : i32
          %parallel_loop3A_307 = tpu.memref_slice %run_scoped3A_8[%rem3A_201, %parallel_loop3A_305, %parallel_loop3A_306] : memref<2x8x2048xf32, #tpu.memory_space<vmem>> -> memref<1x8x2048xf32, #tpu.memory_space<vmem>>
          %parallel_loop3A_308 = tpu.memref_squeeze %parallel_loop3A_307 : memref<1x8x2048xf32, #tpu.memory_space<vmem>> -> memref<8x2048xf32, #tpu.memory_space<vmem>>
          %parallel_loop3A_309 = arith.index_cast %parallel_loop3A_304 : i32 to index
          %parallel_loop3A_310 = arith.index_cast %parallel_loop3A_279 : i32 to index
          %parallel_loop3A_311 = tpu.vector_load %parallel_loop3A_308[%parallel_loop3A_309, %parallel_loop3A_310] {strides = array<i32>} : memref<8x2048xf32, #tpu.memory_space<vmem>>, vector<16xf32>,
          tpu.vector_store %parallel_loop3A_308[%parallel_loop3A_309, %parallel_loop3A_310], %parallel_loop3A_303 {strides = array<i32>} : memref<8x2048xf32, #tpu.memory_space<vmem>>, vector<16xf32>,
          %parallel_loop3A_312 = arith.constant 2 : i32
          %parallel_loop3A_313 = vector.broadcast %parallel_loop3A_312 : i32 to vector<16xi32>
          %parallel_loop3A_314 = arith.constant 0 : i32
          %parallel_loop3A_315 = arith.constant 0 : i32
          %parallel_loop3A_316 = tpu.memref_slice %run_scoped3A[%rem3A_199, %parallel_loop3A_314, %parallel_loop3A_315] : memref<2x8x2048xf32, #tpu.memory_space<vmem>> -> memref<1x8x2048xf32, #tpu.memory_space<vmem>>
          %parallel_loop3A_317 = tpu.memref_squeeze %parallel_loop3A_316 : memref<1x8x2048xf32, #tpu.memory_space<vmem>> -> memref<8x2048xf32, #tpu.memory_space<vmem>>
          %parallel_loop3A_318 = tpu.vector_load_idx %parallel_loop3A_317[%parallel_loop3A_313, %parallel_loop3A_281] : memref<8x2048xf32, #tpu.memory_space<vmem>>[vector<16xi32>, vector<16xi32>], vector<16xf32>,
          %parallel_loop3A_319 = arith.constant 2 : i32
          %parallel_loop3A_320 = arith.constant 0 : i32
          %parallel_loop3A_321 = arith.constant 0 : i32
          %parallel_loop3A_322 = tpu.memref_slice %run_scoped3A_8[%rem3A_201, %parallel_loop3A_320, %parallel_loop3A_321] : memref<2x8x2048xf32, #tpu.memory_space<vmem>> -> memref<1x8x2048xf32, #tpu.memory_space<vmem>>
          %parallel_loop3A_323 = tpu.memref_squeeze %parallel_loop3A_322 : memref<1x8x2048xf32, #tpu.memory_space<vmem>> -> memref<8x2048xf32, #tpu.memory_space<vmem>>
          %parallel_loop3A_324 = arith.index_cast %parallel_loop3A_319 : i32 to index
          %parallel_loop3A_325 = arith.index_cast %parallel_loop3A_279 : i32 to index
          %parallel_loop3A_326 = tpu.vector_load %parallel_loop3A_323[%parallel_loop3A_324, %parallel_loop3A_325] {strides = array<i32>} : memref<8x2048xf32, #tpu.memory_space<vmem>>, vector<16xf32>,
          tpu.vector_store %parallel_loop3A_323[%parallel_loop3A_324, %parallel_loop3A_325], %parallel_loop3A_318 {strides = array<i32>} : memref<8x2048xf32, #tpu.memory_space<vmem>>, vector<16xf32>,
          %parallel_loop3A_327 = arith.constant 3 : i32
          %parallel_loop3A_328 = vector.broadcast %parallel_loop3A_327 : i32 to vector<16xi32>
          %parallel_loop3A_329 = arith.constant 0 : i32
          %parallel_loop3A_330 = arith.constant 0 : i32
          %parallel_loop3A_331 = tpu.memref_slice %run_scoped3A[%rem3A_199, %parallel_loop3A_329, %parallel_loop3A_330] : memref<2x8x2048xf32, #tpu.memory_space<vmem>> -> memref<1x8x2048xf32, #tpu.memory_space<vmem>>
          %parallel_loop3A_332 = tpu.memref_squeeze %parallel_loop3A_331 : memref<1x8x2048xf32, #tpu.memory_space<vmem>> -> memref<8x2048xf32, #tpu.memory_space<vmem>>
          %parallel_loop3A_333 = tpu.vector_load_idx %parallel_loop3A_332[%parallel_loop3A_328, %parallel_loop3A_281] : memref<8x2048xf32, #tpu.memory_space<vmem>>[vector<16xi32>, vector<16xi32>], vector<16xf32>,
          %parallel_loop3A_334 = arith.constant 3 : i32
          %parallel_loop3A_335 = arith.constant 0 : i32
          %parallel_loop3A_336 = arith.constant 0 : i32
          %parallel_loop3A_337 = tpu.memref_slice %run_scoped3A_8[%rem3A_201, %parallel_loop3A_335, %parallel_loop3A_336] : memref<2x8x2048xf32, #tpu.memory_space<vmem>> -> memref<1x8x2048xf32, #tpu.memory_space<vmem>>
          %parallel_loop3A_338 = tpu.memref_squeeze %parallel_loop3A_337 : memref<1x8x2048xf32, #tpu.memory_space<vmem>> -> memref<8x2048xf32, #tpu.memory_space<vmem>>
          %parallel_loop3A_339 = arith.index_cast %parallel_loop3A_334 : i32 to index
          %parallel_loop3A_340 = arith.index_cast %parallel_loop3A_279 : i32 to index
          %parallel_loop3A_341 = tpu.vector_load %parallel_loop3A_338[%parallel_loop3A_339, %parallel_loop3A_340] {strides = array<i32>} : memref<8x2048xf32, #tpu.memory_space<vmem>>, vector<16xf32>,
          tpu.vector_store %parallel_loop3A_338[%parallel_loop3A_339, %parallel_loop3A_340], %parallel_loop3A_333 {strides = array<i32>} : memref<8x2048xf32, #tpu.memory_space<vmem>>, vector<16xf32>,
          %parallel_loop3A_342 = arith.constant 4 : i32
          %parallel_loop3A_343 = vector.broadcast %parallel_loop3A_342 : i32 to vector<16xi32>
          %parallel_loop3A_344 = arith.constant 0 : i32
          %parallel_loop3A_345 = arith.constant 0 : i32
          %parallel_loop3A_346 = tpu.memref_slice %run_scoped3A[%rem3A_199, %parallel_loop3A_344, %parallel_loop3A_345] : memref<2x8x2048xf32, #tpu.memory_space<vmem>> -> memref<1x8x2048xf32, #tpu.memory_space<vmem>>
          %parallel_loop3A_347 = tpu.memref_squeeze %parallel_loop3A_346 : memref<1x8x2048xf32, #tpu.memory_space<vmem>> -> memref<8x2048xf32, #tpu.memory_space<vmem>>
          %parallel_loop3A_348 = tpu.vector_load_idx %parallel_loop3A_347[%parallel_loop3A_343, %parallel_loop3A_281] : memref<8x2048xf32, #tpu.memory_space<vmem>>[vector<16xi32>, vector<16xi32>], vector<16xf32>,
          %parallel_loop3A_349 = arith.constant 4 : i32
          %parallel_loop3A_350 = arith.constant 0 : i32
          %parallel_loop3A_351 = arith.constant 0 : i32
          %parallel_loop3A_352 = tpu.memref_slice %run_scoped3A_8[%rem3A_201, %parallel_loop3A_350, %parallel_loop3A_351] : memref<2x8x2048xf32, #tpu.memory_space<vmem>> -> memref<1x8x2048xf32, #tpu.memory_space<vmem>>
          %parallel_loop3A_353 = tpu.memref_squeeze %parallel_loop3A_352 : memref<1x8x2048xf32, #tpu.memory_space<vmem>> -> memref<8x2048xf32, #tpu.memory_space<vmem>>
          %parallel_loop3A_354 = arith.index_cast %parallel_loop3A_349 : i32 to index
          %parallel_loop3A_355 = arith.index_cast %parallel_loop3A_279 : i32 to index
          %parallel_loop3A_356 = tpu.vector_load %parallel_loop3A_353[%parallel_loop3A_354, %parallel_loop3A_355] {strides = array<i32>} : memref<8x2048xf32, #tpu.memory_space<vmem>>, vector<16xf32>,
          tpu.vector_store %parallel_loop3A_353[%parallel_loop3A_354, %parallel_loop3A_355], %parallel_loop3A_348 {strides = array<i32>} : memref<8x2048xf32, #tpu.memory_space<vmem>>, vector<16xf32>,
          %parallel_loop3A_357 = arith.constant 5 : i32
          %parallel_loop3A_358 = vector.broadcast %parallel_loop3A_357 : i32 to vector<16xi32>
          %parallel_loop3A_359 = arith.constant 0 : i32
          %parallel_loop3A_360 = arith.constant 0 : i32
          %parallel_loop3A_361 = tpu.memref_slice %run_scoped3A[%rem3A_199, %parallel_loop3A_359, %parallel_loop3A_360] : memref<2x8x2048xf32, #tpu.memory_space<vmem>> -> memref<1x8x2048xf32, #tpu.memory_space<vmem>>
          %parallel_loop3A_362 = tpu.memref_squeeze %parallel_loop3A_361 : memref<1x8x2048xf32, #tpu.memory_space<vmem>> -> memref<8x2048xf32, #tpu.memory_space<vmem>>
          %parallel_loop3A_363 = tpu.vector_load_idx %parallel_loop3A_362[%parallel_loop3A_358, %parallel_loop3A_281] : memref<8x2048xf32, #tpu.memory_space<vmem>>[vector<16xi32>, vector<16xi32>], vector<16xf32>,
          %parallel_loop3A_364 = arith.constant 5 : i32
          %parallel_loop3A_365 = arith.constant 0 : i32
          %parallel_loop3A_366 = arith.constant 0 : i32
          %parallel_loop3A_367 = tpu.memref_slice %run_scoped3A_8[%rem3A_201, %parallel_loop3A_365, %parallel_loop3A_366] : memref<2x8x2048xf32, #tpu.memory_space<vmem>> -> memref<1x8x2048xf32, #tpu.memory_space<vmem>>
          %parallel_loop3A_368 = tpu.memref_squeeze %parallel_loop3A_367 : memref<1x8x2048xf32, #tpu.memory_space<vmem>> -> memref<8x2048xf32, #tpu.memory_space<vmem>>
          %parallel_loop3A_369 = arith.index_cast %parallel_loop3A_364 : i32 to index
          %parallel_loop3A_370 = arith.index_cast %parallel_loop3A_279 : i32 to index
          %parallel_loop3A_371 = tpu.vector_load %parallel_loop3A_368[%parallel_loop3A_369, %parallel_loop3A_370] {strides = array<i32>} : memref<8x2048xf32, #tpu.memory_space<vmem>>, vector<16xf32>,
          tpu.vector_store %parallel_loop3A_368[%parallel_loop3A_369, %parallel_loop3A_370], %parallel_loop3A_363 {strides = array<i32>} : memref<8x2048xf32, #tpu.memory_space<vmem>>, vector<16xf32>,
          %parallel_loop3A_372 = arith.constant 6 : i32
          %parallel_loop3A_373 = vector.broadcast %parallel_loop3A_372 : i32 to vector<16xi32>
          %parallel_loop3A_374 = arith.constant 0 : i32
          %parallel_loop3A_375 = arith.constant 0 : i32
          %parallel_loop3A_376 = tpu.memref_slice %run_scoped3A[%rem3A_199, %parallel_loop3A_374, %parallel_loop3A_375] : memref<2x8x2048xf32, #tpu.memory_space<vmem>> -> memref<1x8x2048xf32, #tpu.memory_space<vmem>>
          %parallel_loop3A_377 = tpu.memref_squeeze %parallel_loop3A_376 : memref<1x8x2048xf32, #tpu.memory_space<vmem>> -> memref<8x2048xf32, #tpu.memory_space<vmem>>
          %parallel_loop3A_378 = tpu.vector_load_idx %parallel_loop3A_377[%parallel_loop3A_373, %parallel_loop3A_281] : memref<8x2048xf32, #tpu.memory_space<vmem>>[vector<16xi32>, vector<16xi32>], vector<16xf32>,
          %parallel_loop3A_379 = arith.constant 6 : i32
          %parallel_loop3A_380 = arith.constant 0 : i32
          %parallel_loop3A_381 = arith.constant 0 : i32
          %parallel_loop3A_382 = tpu.memref_slice %run_scoped3A_8[%rem3A_201, %parallel_loop3A_380, %parallel_loop3A_381] : memref<2x8x2048xf32, #tpu.memory_space<vmem>> -> memref<1x8x2048xf32, #tpu.memory_space<vmem>>
          %parallel_loop3A_383 = tpu.memref_squeeze %parallel_loop3A_382 : memref<1x8x2048xf32, #tpu.memory_space<vmem>> -> memref<8x2048xf32, #tpu.memory_space<vmem>>
          %parallel_loop3A_384 = arith.index_cast %parallel_loop3A_379 : i32 to index
          %parallel_loop3A_385 = arith.index_cast %parallel_loop3A_279 : i32 to index
          %parallel_loop3A_386 = tpu.vector_load %parallel_loop3A_383[%parallel_loop3A_384, %parallel_loop3A_385] {strides = array<i32>} : memref<8x2048xf32, #tpu.memory_space<vmem>>, vector<16xf32>,
          tpu.vector_store %parallel_loop3A_383[%parallel_loop3A_384, %parallel_loop3A_385], %parallel_loop3A_378 {strides = array<i32>} : memref<8x2048xf32, #tpu.memory_space<vmem>>, vector<16xf32>,
          %parallel_loop3A_387 = arith.constant 7 : i32
          %parallel_loop3A_388 = vector.broadcast %parallel_loop3A_387 : i32 to vector<16xi32>
          %parallel_loop3A_389 = arith.constant 0 : i32
          %parallel_loop3A_390 = arith.constant 0 : i32
          %parallel_loop3A_391 = tpu.memref_slice %run_scoped3A[%rem3A_199, %parallel_loop3A_389, %parallel_loop3A_390] : memref<2x8x2048xf32, #tpu.memory_space<vmem>> -> memref<1x8x2048xf32, #tpu.memory_space<vmem>>
          %parallel_loop3A_392 = tpu.memref_squeeze %parallel_loop3A_391 : memref<1x8x2048xf32, #tpu.memory_space<vmem>> -> memref<8x2048xf32, #tpu.memory_space<vmem>>
          %parallel_loop3A_393 = tpu.vector_load_idx %parallel_loop3A_392[%parallel_loop3A_388, %parallel_loop3A_281] : memref<8x2048xf32, #tpu.memory_space<vmem>>[vector<16xi32>, vector<16xi32>], vector<16xf32>,
          %parallel_loop3A_394 = arith.constant 7 : i32
          %parallel_loop3A_395 = arith.constant 0 : i32
          %parallel_loop3A_396 = arith.constant 0 : i32
          %parallel_loop3A_397 = tpu.memref_slice %run_scoped3A_8[%rem3A_201, %parallel_loop3A_395, %parallel_loop3A_396] : memref<2x8x2048xf32, #tpu.memory_space<vmem>> -> memref<1x8x2048xf32, #tpu.memory_space<vmem>>
          %parallel_loop3A_398 = tpu.memref_squeeze %parallel_loop3A_397 : memref<1x8x2048xf32, #tpu.memory_space<vmem>> -> memref<8x2048xf32, #tpu.memory_space<vmem>>
          %parallel_loop3A_399 = arith.index_cast %parallel_loop3A_394 : i32 to index
          %parallel_loop3A_400 = arith.index_cast %parallel_loop3A_279 : i32 to index
          %parallel_loop3A_401 = tpu.vector_load %parallel_loop3A_398[%parallel_loop3A_399, %parallel_loop3A_400] {strides = array<i32>} : memref<8x2048xf32, #tpu.memory_space<vmem>>, vector<16xf32>,
          tpu.vector_store %parallel_loop3A_398[%parallel_loop3A_399, %parallel_loop3A_400], %parallel_loop3A_393 {strides = array<i32>} : memref<8x2048xf32, #tpu.memory_space<vmem>>, vector<16xf32>,
          %parallel_loop3A_402 = arith.constant 128 : i32
          %parallel_loop3A_403 = arith.muli %parallel_loop3A_275, %parallel_loop3A_402 : i32
          %parallel_loop3A_404 = arith.constant 16 : i32
          %parallel_loop3A_405 = arith.addi %parallel_loop3A_403, %parallel_loop3A_404 : i32
          %parallel_loop3A_406 = arith.index_cast %parallel_loop3A_405 : i32 to index
          %parallel_loop3A_407 = tpu.vector_load %arg5[%parallel_loop3A_406] {strides = array<i32>} : memref<2048xi32, #tpu.memory_space<vmem>>, vector<16xi32>,
          %parallel_loop3A_408 = arith.constant 0 : i32
          %parallel_loop3A_409 = vector.broadcast %parallel_loop3A_408 : i32 to vector<16xi32>
          %parallel_loop3A_410 = arith.constant 0 : i32
          %parallel_loop3A_411 = arith.constant 0 : i32
          %parallel_loop3A_412 = tpu.memref_slice %run_scoped3A[%rem3A_199, %parallel_loop3A_410, %parallel_loop3A_411] : memref<2x8x2048xf32, #tpu.memory_space<vmem>> -> memref<1x8x2048xf32, #tpu.memory_space<vmem>>
          %parallel_loop3A_413 = tpu.memref_squeeze %parallel_loop3A_412 : memref<1x8x2048xf32, #tpu.memory_space<vmem>> -> memref<8x2048xf32, #tpu.memory_space<vmem>>
          %parallel_loop3A_414 = tpu.vector_load_idx %parallel_loop3A_413[%parallel_loop3A_409, %parallel_loop3A_407] : memref<8x2048xf32, #tpu.memory_space<vmem>>[vector<16xi32>, vector<16xi32>], vector<16xf32>,
          %parallel_loop3A_415 = arith.constant 0 : i32
          %parallel_loop3A_416 = arith.constant 0 : i32
          %parallel_loop3A_417 = arith.constant 0 : i32
          %parallel_loop3A_418 = tpu.memref_slice %run_scoped3A_8[%rem3A_201, %parallel_loop3A_416, %parallel_loop3A_417] : memref<2x8x2048xf32, #tpu.memory_space<vmem>> -> memref<1x8x2048xf32, #tpu.memory_space<vmem>>
          %parallel_loop3A_419 = tpu.memref_squeeze %parallel_loop3A_418 : memref<1x8x2048xf32, #tpu.memory_space<vmem>> -> memref<8x2048xf32, #tpu.memory_space<vmem>>
          %parallel_loop3A_420 = arith.index_cast %parallel_loop3A_415 : i32 to index
          %parallel_loop3A_421 = arith.index_cast %parallel_loop3A_405 : i32 to index
          %parallel_loop3A_422 = tpu.vector_load %parallel_loop3A_419[%parallel_loop3A_420, %parallel_loop3A_421] {strides = array<i32>} : memref<8x2048xf32, #tpu.memory_space<vmem>>, vector<16xf32>,
          tpu.vector_store %parallel_loop3A_419[%parallel_loop3A_420, %parallel_loop3A_421], %parallel_loop3A_414 {strides = array<i32>} : memref<8x2048xf32, #tpu.memory_space<vmem>>, vector<16xf32>,
          %parallel_loop3A_423 = arith.constant 1 : i32
          %parallel_loop3A_424 = vector.broadcast %parallel_loop3A_423 : i32 to vector<16xi32>
          %parallel_loop3A_425 = arith.constant 0 : i32
          %parallel_loop3A_426 = arith.constant 0 : i32
          %parallel_loop3A_427 = tpu.memref_slice %run_scoped3A[%rem3A_199, %parallel_loop3A_425, %parallel_loop3A_426] : memref<2x8x2048xf32, #tpu.memory_space<vmem>> -> memref<1x8x2048xf32, #tpu.memory_space<vmem>>
          %parallel_loop3A_428 = tpu.memref_squeeze %parallel_loop3A_427 : memref<1x8x2048xf32, #tpu.memory_space<vmem>> -> memref<8x2048xf32, #tpu.memory_space<vmem>>
          %parallel_loop3A_429 = tpu.vector_load_idx %parallel_loop3A_428[%parallel_loop3A_424, %parallel_loop3A_407] : memref<8x2048xf32, #tpu.memory_space<vmem>>[vector<16xi32>, vector<16xi32>], vector<16xf32>,
          %parallel_loop3A_430 = arith.constant 1 : i32
          %parallel_loop3A_431 = arith.constant 0 : i32
          %parallel_loop3A_432 = arith.constant 0 : i32
          %parallel_loop3A_433 = tpu.memref_slice %run_scoped3A_8[%rem3A_201, %parallel_loop3A_431, %parallel_loop3A_432] : memref<2x8x2048xf32, #tpu.memory_space<vmem>> -> memref<1x8x2048xf32, #tpu.memory_space<vmem>>
          %parallel_loop3A_434 = tpu.memref_squeeze %parallel_loop3A_433 : memref<1x8x2048xf32, #tpu.memory_space<vmem>> -> memref<8x2048xf32, #tpu.memory_space<vmem>>
          %parallel_loop3A_435 = arith.index_cast %parallel_loop3A_430 : i32 to index
          %parallel_loop3A_436 = arith.index_cast %parallel_loop3A_405 : i32 to index
          %parallel_loop3A_437 = tpu.vector_load %parallel_loop3A_434[%parallel_loop3A_435, %parallel_loop3A_436] {strides = array<i32>} : memref<8x2048xf32, #tpu.memory_space<vmem>>, vector<16xf32>,
          tpu.vector_store %parallel_loop3A_434[%parallel_loop3A_435, %parallel_loop3A_436], %parallel_loop3A_429 {strides = array<i32>} : memref<8x2048xf32, #tpu.memory_space<vmem>>, vector<16xf32>,
          %parallel_loop3A_438 = arith.constant 2 : i32
          %parallel_loop3A_439 = vector.broadcast %parallel_loop3A_438 : i32 to vector<16xi32>
          %parallel_loop3A_440 = arith.constant 0 : i32
          %parallel_loop3A_441 = arith.constant 0 : i32
          %parallel_loop3A_442 = tpu.memref_slice %run_scoped3A[%rem3A_199, %parallel_loop3A_440, %parallel_loop3A_441] : memref<2x8x2048xf32, #tpu.memory_space<vmem>> -> memref<1x8x2048xf32, #tpu.memory_space<vmem>>
          %parallel_loop3A_443 = tpu.memref_squeeze %parallel_loop3A_442 : memref<1x8x2048xf32, #tpu.memory_space<vmem>> -> memref<8x2048xf32, #tpu.memory_space<vmem>>
          %parallel_loop3A_444 = tpu.vector_load_idx %parallel_loop3A_443[%parallel_loop3A_439, %parallel_loop3A_407] : memref<8x2048xf32, #tpu.memory_space<vmem>>[vector<16xi32>, vector<16xi32>], vector<16xf32>,
          %parallel_loop3A_445 = arith.constant 2 : i32
          %parallel_loop3A_446 = arith.constant 0 : i32
          %parallel_loop3A_447 = arith.constant 0 : i32
          %parallel_loop3A_448 = tpu.memref_slice %run_scoped3A_8[%rem3A_201, %parallel_loop3A_446, %parallel_loop3A_447] : memref<2x8x2048xf32, #tpu.memory_space<vmem>> -> memref<1x8x2048xf32, #tpu.memory_space<vmem>>
          %parallel_loop3A_449 = tpu.memref_squeeze %parallel_loop3A_448 : memref<1x8x2048xf32, #tpu.memory_space<vmem>> -> memref<8x2048xf32, #tpu.memory_space<vmem>>
          %parallel_loop3A_450 = arith.index_cast %parallel_loop3A_445 : i32 to index
          %parallel_loop3A_451 = arith.index_cast %parallel_loop3A_405 : i32 to index
          %parallel_loop3A_452 = tpu.vector_load %parallel_loop3A_449[%parallel_loop3A_450, %parallel_loop3A_451] {strides = array<i32>} : memref<8x2048xf32, #tpu.memory_space<vmem>>, vector<16xf32>,
          tpu.vector_store %parallel_loop3A_449[%parallel_loop3A_450, %parallel_loop3A_451], %parallel_loop3A_444 {strides = array<i32>} : memref<8x2048xf32, #tpu.memory_space<vmem>>, vector<16xf32>,
          %parallel_loop3A_453 = arith.constant 3 : i32
          %parallel_loop3A_454 = vector.broadcast %parallel_loop3A_453 : i32 to vector<16xi32>
          %parallel_loop3A_455 = arith.constant 0 : i32
          %parallel_loop3A_456 = arith.constant 0 : i32
          %parallel_loop3A_457 = tpu.memref_slice %run_scoped3A[%rem3A_199, %parallel_loop3A_455, %parallel_loop3A_456] : memref<2x8x2048xf32, #tpu.memory_space<vmem>> -> memref<1x8x2048xf32, #tpu.memory_space<vmem>>
          %parallel_loop3A_458 = tpu.memref_squeeze %parallel_loop3A_457 : memref<1x8x2048xf32, #tpu.memory_space<vmem>> -> memref<8x2048xf32, #tpu.memory_space<vmem>>
          %parallel_loop3A_459 = tpu.vector_load_idx %parallel_loop3A_458[%parallel_loop3A_454, %parallel_loop3A_407] : memref<8x2048xf32, #tpu.memory_space<vmem>>[vector<16xi32>, vector<16xi32>], vector<16xf32>,
          %parallel_loop3A_460 = arith.constant 3 : i32
          %parallel_loop3A_461 = arith.constant 0 : i32
          %parallel_loop3A_462 = arith.constant 0 : i32
          %parallel_loop3A_463 = tpu.memref_slice %run_scoped3A_8[%rem3A_201, %parallel_loop3A_461, %parallel_loop3A_462] : memref<2x8x2048xf32, #tpu.memory_space<vmem>> -> memref<1x8x2048xf32, #tpu.memory_space<vmem>>
          %parallel_loop3A_464 = tpu.memref_squeeze %parallel_loop3A_463 : memref<1x8x2048xf32, #tpu.memory_space<vmem>> -> memref<8x2048xf32, #tpu.memory_space<vmem>>
          %parallel_loop3A_465 = arith.index_cast %parallel_loop3A_460 : i32 to index
          %parallel_loop3A_466 = arith.index_cast %parallel_loop3A_405 : i32 to index
          %parallel_loop3A_467 = tpu.vector_load %parallel_loop3A_464[%parallel_loop3A_465, %parallel_loop3A_466] {strides = array<i32>} : memref<8x2048xf32, #tpu.memory_space<vmem>>, vector<16xf32>,
          tpu.vector_store %parallel_loop3A_464[%parallel_loop3A_465, %parallel_loop3A_466], %parallel_loop3A_459 {strides = array<i32>} : memref<8x2048xf32, #tpu.memory_space<vmem>>, vector<16xf32>,
          %parallel_loop3A_468 = arith.constant 4 : i32
          %parallel_loop3A_469 = vector.broadcast %parallel_loop3A_468 : i32 to vector<16xi32>
          %parallel_loop3A_470 = arith.constant 0 : i32
          %parallel_loop3A_471 = arith.constant 0 : i32
          %parallel_loop3A_472 = tpu.memref_slice %run_scoped3A[%rem3A_199, %parallel_loop3A_470, %parallel_loop3A_471] : memref<2x8x2048xf32, #tpu.memory_space<vmem>> -> memref<1x8x2048xf32, #tpu.memory_space<vmem>>
          %parallel_loop3A_473 = tpu.memref_squeeze %parallel_loop3A_472 : memref<1x8x2048xf32, #tpu.memory_space<vmem>> -> memref<8x2048xf32, #tpu.memory_space<vmem>>
          %parallel_loop3A_474 = tpu.vector_load_idx %parallel_loop3A_473[%parallel_loop3A_469, %parallel_loop3A_407] : memref<8x2048xf32, #tpu.memory_space<vmem>>[vector<16xi32>, vector<16xi32>], vector<16xf32>,
          %parallel_loop3A_475 = arith.constant 4 : i32
          %parallel_loop3A_476 = arith.constant 0 : i32
          %parallel_loop3A_477 = arith.constant 0 : i32
          %parallel_loop3A_478 = tpu.memref_slice %run_scoped3A_8[%rem3A_201, %parallel_loop3A_476, %parallel_loop3A_477] : memref<2x8x2048xf32, #tpu.memory_space<vmem>> -> memref<1x8x2048xf32, #tpu.memory_space<vmem>>
          %parallel_loop3A_479 = tpu.memref_squeeze %parallel_loop3A_478 : memref<1x8x2048xf32, #tpu.memory_space<vmem>> -> memref<8x2048xf32, #tpu.memory_space<vmem>>
          %parallel_loop3A_480 = arith.index_cast %parallel_loop3A_475 : i32 to index
          %parallel_loop3A_481 = arith.index_cast %parallel_loop3A_405 : i32 to index
          %parallel_loop3A_482 = tpu.vector_load %parallel_loop3A_479[%parallel_loop3A_480, %parallel_loop3A_481] {strides = array<i32>} : memref<8x2048xf32, #tpu.memory_space<vmem>>, vector<16xf32>,
          tpu.vector_store %parallel_loop3A_479[%parallel_loop3A_480, %parallel_loop3A_481], %parallel_loop3A_474 {strides = array<i32>} : memref<8x2048xf32, #tpu.memory_space<vmem>>, vector<16xf32>,
          %parallel_loop3A_483 = arith.constant 5 : i32
          %parallel_loop3A_484 = vector.broadcast %parallel_loop3A_483 : i32 to vector<16xi32>
          %parallel_loop3A_485 = arith.constant 0 : i32
          %parallel_loop3A_486 = arith.constant 0 : i32
          %parallel_loop3A_487 = tpu.memref_slice %run_scoped3A[%rem3A_199, %parallel_loop3A_485, %parallel_loop3A_486] : memref<2x8x2048xf32, #tpu.memory_space<vmem>> -> memref<1x8x2048xf32, #tpu.memory_space<vmem>>
          %parallel_loop3A_488 = tpu.memref_squeeze %parallel_loop3A_487 : memref<1x8x2048xf32, #tpu.memory_space<vmem>> -> memref<8x2048xf32, #tpu.memory_space<vmem>>
          %parallel_loop3A_489 = tpu.vector_load_idx %parallel_loop3A_488[%parallel_loop3A_484, %parallel_loop3A_407] : memref<8x2048xf32, #tpu.memory_space<vmem>>[vector<16xi32>, vector<16xi32>], vector<16xf32>,
          %parallel_loop3A_490 = arith.constant 5 : i32
          %parallel_loop3A_491 = arith.constant 0 : i32
          %parallel_loop3A_492 = arith.constant 0 : i32
          %parallel_loop3A_493 = tpu.memref_slice %run_scoped3A_8[%rem3A_201, %parallel_loop3A_491, %parallel_loop3A_492] : memref<2x8x2048xf32, #tpu.memory_space<vmem>> -> memref<1x8x2048xf32, #tpu.memory_space<vmem>>
          %parallel_loop3A_494 = tpu.memref_squeeze %parallel_loop3A_493 : memref<1x8x2048xf32, #tpu.memory_space<vmem>> -> memref<8x2048xf32, #tpu.memory_space<vmem>>
          %parallel_loop3A_495 = arith.index_cast %parallel_loop3A_490 : i32 to index
          %parallel_loop3A_496 = arith.index_cast %parallel_loop3A_405 : i32 to index
          %parallel_loop3A_497 = tpu.vector_load %parallel_loop3A_494[%parallel_loop3A_495, %parallel_loop3A_496] {strides = array<i32>} : memref<8x2048xf32, #tpu.memory_space<vmem>>, vector<16xf32>,
          tpu.vector_store %parallel_loop3A_494[%parallel_loop3A_495, %parallel_loop3A_496], %parallel_loop3A_489 {strides = array<i32>} : memref<8x2048xf32, #tpu.memory_space<vmem>>, vector<16xf32>,
          %parallel_loop3A_498 = arith.constant 6 : i32
          %parallel_loop3A_499 = vector.broadcast %parallel_loop3A_498 : i32 to vector<16xi32>
          %parallel_loop3A_500 = arith.constant 0 : i32
          %parallel_loop3A_501 = arith.constant 0 : i32
          %parallel_loop3A_502 = tpu.memref_slice %run_scoped3A[%rem3A_199, %parallel_loop3A_500, %parallel_loop3A_501] : memref<2x8x2048xf32, #tpu.memory_space<vmem>> -> memref<1x8x2048xf32, #tpu.memory_space<vmem>>
          %parallel_loop3A_503 = tpu.memref_squeeze %parallel_loop3A_502 : memref<1x8x2048xf32, #tpu.memory_space<vmem>> -> memref<8x2048xf32, #tpu.memory_space<vmem>>
          %parallel_loop3A_504 = tpu.vector_load_idx %parallel_loop3A_503[%parallel_loop3A_499, %parallel_loop3A_407] : memref<8x2048xf32, #tpu.memory_space<vmem>>[vector<16xi32>, vector<16xi32>], vector<16xf32>,
          %parallel_loop3A_505 = arith.constant 6 : i32
          %parallel_loop3A_506 = arith.constant 0 : i32
          %parallel_loop3A_507 = arith.constant 0 : i32
          %parallel_loop3A_508 = tpu.memref_slice %run_scoped3A_8[%rem3A_201, %parallel_loop3A_506, %parallel_loop3A_507] : memref<2x8x2048xf32, #tpu.memory_space<vmem>> -> memref<1x8x2048xf32, #tpu.memory_space<vmem>>
          %parallel_loop3A_509 = tpu.memref_squeeze %parallel_loop3A_508 : memref<1x8x2048xf32, #tpu.memory_space<vmem>> -> memref<8x2048xf32, #tpu.memory_space<vmem>>
          %parallel_loop3A_510 = arith.index_cast %parallel_loop3A_505 : i32 to index
          %parallel_loop3A_511 = arith.index_cast %parallel_loop3A_405 : i32 to index
          %parallel_loop3A_512 = tpu.vector_load %parallel_loop3A_509[%parallel_loop3A_510, %parallel_loop3A_511] {strides = array<i32>} : memref<8x2048xf32, #tpu.memory_space<vmem>>, vector<16xf32>,
          tpu.vector_store %parallel_loop3A_509[%parallel_loop3A_510, %parallel_loop3A_511], %parallel_loop3A_504 {strides = array<i32>} : memref<8x2048xf32, #tpu.memory_space<vmem>>, vector<16xf32>,
          %parallel_loop3A_513 = arith.constant 7 : i32
          %parallel_loop3A_514 = vector.broadcast %parallel_loop3A_513 : i32 to vector<16xi32>
          %parallel_loop3A_515 = arith.constant 0 : i32
          %parallel_loop3A_516 = arith.constant 0 : i32
          %parallel_loop3A_517 = tpu.memref_slice %run_scoped3A[%rem3A_199, %parallel_loop3A_515, %parallel_loop3A_516] : memref<2x8x2048xf32, #tpu.memory_space<vmem>> -> memref<1x8x2048xf32, #tpu.memory_space<vmem>>
          %parallel_loop3A_518 = tpu.memref_squeeze %parallel_loop3A_517 : memref<1x8x2048xf32, #tpu.memory_space<vmem>> -> memref<8x2048xf32, #tpu.memory_space<vmem>>
          %parallel_loop3A_519 = tpu.vector_load_idx %parallel_loop3A_518[%parallel_loop3A_514, %parallel_loop3A_407] : memref<8x2048xf32, #tpu.memory_space<vmem>>[vector<16xi32>, vector<16xi32>], vector<16xf32>,
          %parallel_loop3A_520 = arith.constant 7 : i32
          %parallel_loop3A_521 = arith.constant 0 : i32
          %parallel_loop3A_522 = arith.constant 0 : i32
          %parallel_loop3A_523 = tpu.memref_slice %run_scoped3A_8[%rem3A_201, %parallel_loop3A_521, %parallel_loop3A_522] : memref<2x8x2048xf32, #tpu.memory_space<vmem>> -> memref<1x8x2048xf32, #tpu.memory_space<vmem>>
          %parallel_loop3A_524 = tpu.memref_squeeze %parallel_loop3A_523 : memref<1x8x2048xf32, #tpu.memory_space<vmem>> -> memref<8x2048xf32, #tpu.memory_space<vmem>>
          %parallel_loop3A_525 = arith.index_cast %parallel_loop3A_520 : i32 to index
          %parallel_loop3A_526 = arith.index_cast %parallel_loop3A_405 : i32 to index
          %parallel_loop3A_527 = tpu.vector_load %parallel_loop3A_524[%parallel_loop3A_525, %parallel_loop3A_526] {strides = array<i32>} : memref<8x2048xf32, #tpu.memory_space<vmem>>, vector<16xf32>,
          tpu.vector_store %parallel_loop3A_524[%parallel_loop3A_525, %parallel_loop3A_526], %parallel_loop3A_519 {strides = array<i32>} : memref<8x2048xf32, #tpu.memory_space<vmem>>, vector<16xf32>,
          %parallel_loop3A_528 = arith.constant 128 : i32
          %parallel_loop3A_529 = arith.muli %parallel_loop3A_275, %parallel_loop3A_528 : i32
          %parallel_loop3A_530 = arith.constant 32 : i32
          %parallel_loop3A_531 = arith.addi %parallel_loop3A_529, %parallel_loop3A_530 : i32
          %parallel_loop3A_532 = arith.index_cast %parallel_loop3A_531 : i32 to index
          %parallel_loop3A_533 = tpu.vector_load %arg5[%parallel_loop3A_532] {strides = array<i32>} : memref<2048xi32, #tpu.memory_space<vmem>>, vector<16xi32>,
          %parallel_loop3A_534 = arith.constant 0 : i32
          %parallel_loop3A_535 = vector.broadcast %parallel_loop3A_534 : i32 to vector<16xi32>
          %parallel_loop3A_536 = arith.constant 0 : i32
          %parallel_loop3A_537 = arith.constant 0 : i32
          %parallel_loop3A_538 = tpu.memref_slice %run_scoped3A[%rem3A_199, %parallel_loop3A_536, %parallel_loop3A_537] : memref<2x8x2048xf32, #tpu.memory_space<vmem>> -> memref<1x8x2048xf32, #tpu.memory_space<vmem>>
          %parallel_loop3A_539 = tpu.memref_squeeze %parallel_loop3A_538 : memref<1x8x2048xf32, #tpu.memory_space<vmem>> -> memref<8x2048xf32, #tpu.memory_space<vmem>>
          %parallel_loop3A_540 = tpu.vector_load_idx %parallel_loop3A_539[%parallel_loop3A_535, %parallel_loop3A_533] : memref<8x2048xf32, #tpu.memory_space<vmem>>[vector<16xi32>, vector<16xi32>], vector<16xf32>,
          %parallel_loop3A_541 = arith.constant 0 : i32
          %parallel_loop3A_542 = arith.constant 0 : i32
          %parallel_loop3A_543 = arith.constant 0 : i32
          %parallel_loop3A_544 = tpu.memref_slice %run_scoped3A_8[%rem3A_201, %parallel_loop3A_542, %parallel_loop3A_543] : memref<2x8x2048xf32, #tpu.memory_space<vmem>> -> memref<1x8x2048xf32, #tpu.memory_space<vmem>>
          %parallel_loop3A_545 = tpu.memref_squeeze %parallel_loop3A_544 : memref<1x8x2048xf32, #tpu.memory_space<vmem>> -> memref<8x2048xf32, #tpu.memory_space<vmem>>
          %parallel_loop3A_546 = arith.index_cast %parallel_loop3A_541 : i32 to index
          %parallel_loop3A_547 = arith.index_cast %parallel_loop3A_531 : i32 to index
          %parallel_loop3A_548 = tpu.vector_load %parallel_loop3A_545[%parallel_loop3A_546, %parallel_loop3A_547] {strides = array<i32>} : memref<8x2048xf32, #tpu.memory_space<vmem>>, vector<16xf32>,
          tpu.vector_store %parallel_loop3A_545[%parallel_loop3A_546, %parallel_loop3A_547], %parallel_loop3A_540 {strides = array<i32>} : memref<8x2048xf32, #tpu.memory_space<vmem>>, vector<16xf32>,
          %parallel_loop3A_549 = arith.constant 1 : i32
          %parallel_loop3A_550 = vector.broadcast %parallel_loop3A_549 : i32 to vector<16xi32>
          %parallel_loop3A_551 = arith.constant 0 : i32
          %parallel_loop3A_552 = arith.constant 0 : i32
          %parallel_loop3A_553 = tpu.memref_slice %run_scoped3A[%rem3A_199, %parallel_loop3A_551, %parallel_loop3A_552] : memref<2x8x2048xf32, #tpu.memory_space<vmem>> -> memref<1x8x2048xf32, #tpu.memory_space<vmem>>
          %parallel_loop3A_554 = tpu.memref_squeeze %parallel_loop3A_553 : memref<1x8x2048xf32, #tpu.memory_space<vmem>> -> memref<8x2048xf32, #tpu.memory_space<vmem>>
          %parallel_loop3A_555 = tpu.vector_load_idx %parallel_loop3A_554[%parallel_loop3A_550, %parallel_loop3A_533] : memref<8x2048xf32, #tpu.memory_space<vmem>>[vector<16xi32>, vector<16xi32>], vector<16xf32>,
          %parallel_loop3A_556 = arith.constant 1 : i32
          %parallel_loop3A_557 = arith.constant 0 : i32
          %parallel_loop3A_558 = arith.constant 0 : i32
          %parallel_loop3A_559 = tpu.memref_slice %run_scoped3A_8[%rem3A_201, %parallel_loop3A_557, %parallel_loop3A_558] : memref<2x8x2048xf32, #tpu.memory_space<vmem>> -> memref<1x8x2048xf32, #tpu.memory_space<vmem>>
          %parallel_loop3A_560 = tpu.memref_squeeze %parallel_loop3A_559 : memref<1x8x2048xf32, #tpu.memory_space<vmem>> -> memref<8x2048xf32, #tpu.memory_space<vmem>>
          %parallel_loop3A_561 = arith.index_cast %parallel_loop3A_556 : i32 to index
          %parallel_loop3A_562 = arith.index_cast %parallel_loop3A_531 : i32 to index
          %parallel_loop3A_563 = tpu.vector_load %parallel_loop3A_560[%parallel_loop3A_561, %parallel_loop3A_562] {strides = array<i32>} : memref<8x2048xf32, #tpu.memory_space<vmem>>, vector<16xf32>,
          tpu.vector_store %parallel_loop3A_560[%parallel_loop3A_561, %parallel_loop3A_562], %parallel_loop3A_555 {strides = array<i32>} : memref<8x2048xf32, #tpu.memory_space<vmem>>, vector<16xf32>,
          %parallel_loop3A_564 = arith.constant 2 : i32
          %parallel_loop3A_565 = vector.broadcast %parallel_loop3A_564 : i32 to vector<16xi32>
          %parallel_loop3A_566 = arith.constant 0 : i32
          %parallel_loop3A_567 = arith.constant 0 : i32
          %parallel_loop3A_568 = tpu.memref_slice %run_scoped3A[%rem3A_199, %parallel_loop3A_566, %parallel_loop3A_567] : memref<2x8x2048xf32, #tpu.memory_space<vmem>> -> memref<1x8x2048xf32, #tpu.memory_space<vmem>>
          %parallel_loop3A_569 = tpu.memref_squeeze %parallel_loop3A_568 : memref<1x8x2048xf32, #tpu.memory_space<vmem>> -> memref<8x2048xf32, #tpu.memory_space<vmem>>
          %parallel_loop3A_570 = tpu.vector_load_idx %parallel_loop3A_569[%parallel_loop3A_565, %parallel_loop3A_533] : memref<8x2048xf32, #tpu.memory_space<vmem>>[vector<16xi32>, vector<16xi32>], vector<16xf32>,
          %parallel_loop3A_571 = arith.constant 2 : i32
          %parallel_loop3A_572 = arith.constant 0 : i32
          %parallel_loop3A_573 = arith.constant 0 : i32
          %parallel_loop3A_574 = tpu.memref_slice %run_scoped3A_8[%rem3A_201, %parallel_loop3A_572, %parallel_loop3A_573] : memref<2x8x2048xf32, #tpu.memory_space<vmem>> -> memref<1x8x2048xf32, #tpu.memory_space<vmem>>
          %parallel_loop3A_575 = tpu.memref_squeeze %parallel_loop3A_574 : memref<1x8x2048xf32, #tpu.memory_space<vmem>> -> memref<8x2048xf32, #tpu.memory_space<vmem>>
          %parallel_loop3A_576 = arith.index_cast %parallel_loop3A_571 : i32 to index
          %parallel_loop3A_577 = arith.index_cast %parallel_loop3A_531 : i32 to index
          %parallel_loop3A_578 = tpu.vector_load %parallel_loop3A_575[%parallel_loop3A_576, %parallel_loop3A_577] {strides = array<i32>} : memref<8x2048xf32, #tpu.memory_space<vmem>>, vector<16xf32>,
          tpu.vector_store %parallel_loop3A_575[%parallel_loop3A_576, %parallel_loop3A_577], %parallel_loop3A_570 {strides = array<i32>} : memref<8x2048xf32, #tpu.memory_space<vmem>>, vector<16xf32>,
          %parallel_loop3A_579 = arith.constant 3 : i32
          %parallel_loop3A_580 = vector.broadcast %parallel_loop3A_579 : i32 to vector<16xi32>
          %parallel_loop3A_581 = arith.constant 0 : i32
          %parallel_loop3A_582 = arith.constant 0 : i32
          %parallel_loop3A_583 = tpu.memref_slice %run_scoped3A[%rem3A_199, %parallel_loop3A_581, %parallel_loop3A_582] : memref<2x8x2048xf32, #tpu.memory_space<vmem>> -> memref<1x8x2048xf32, #tpu.memory_space<vmem>>
          %parallel_loop3A_584 = tpu.memref_squeeze %parallel_loop3A_583 : memref<1x8x2048xf32, #tpu.memory_space<vmem>> -> memref<8x2048xf32, #tpu.memory_space<vmem>>
          %parallel_loop3A_585 = tpu.vector_load_idx %parallel_loop3A_584[%parallel_loop3A_580, %parallel_loop3A_533] : memref<8x2048xf32, #tpu.memory_space<vmem>>[vector<16xi32>, vector<16xi32>], vector<16xf32>,
          %parallel_loop3A_586 = arith.constant 3 : i32
          %parallel_loop3A_587 = arith.constant 0 : i32
          %parallel_loop3A_588 = arith.constant 0 : i32
          %parallel_loop3A_589 = tpu.memref_slice %run_scoped3A_8[%rem3A_201, %parallel_loop3A_587, %parallel_loop3A_588] : memref<2x8x2048xf32, #tpu.memory_space<vmem>> -> memref<1x8x2048xf32, #tpu.memory_space<vmem>>
          %parallel_loop3A_590 = tpu.memref_squeeze %parallel_loop3A_589 : memref<1x8x2048xf32, #tpu.memory_space<vmem>> -> memref<8x2048xf32, #tpu.memory_space<vmem>>
          %parallel_loop3A_591 = arith.index_cast %parallel_loop3A_586 : i32 to index
          %parallel_loop3A_592 = arith.index_cast %parallel_loop3A_531 : i32 to index
          %parallel_loop3A_593 = tpu.vector_load %parallel_loop3A_590[%parallel_loop3A_591, %parallel_loop3A_592] {strides = array<i32>} : memref<8x2048xf32, #tpu.memory_space<vmem>>, vector<16xf32>,
          tpu.vector_store %parallel_loop3A_590[%parallel_loop3A_591, %parallel_loop3A_592], %parallel_loop3A_585 {strides = array<i32>} : memref<8x2048xf32, #tpu.memory_space<vmem>>, vector<16xf32>,
          %parallel_loop3A_594 = arith.constant 4 : i32
          %parallel_loop3A_595 = vector.broadcast %parallel_loop3A_594 : i32 to vector<16xi32>
          %parallel_loop3A_596 = arith.constant 0 : i32
          %parallel_loop3A_597 = arith.constant 0 : i32
          %parallel_loop3A_598 = tpu.memref_slice %run_scoped3A[%rem3A_199, %parallel_loop3A_596, %parallel_loop3A_597] : memref<2x8x2048xf32, #tpu.memory_space<vmem>> -> memref<1x8x2048xf32, #tpu.memory_space<vmem>>
          %parallel_loop3A_599 = tpu.memref_squeeze %parallel_loop3A_598 : memref<1x8x2048xf32, #tpu.memory_space<vmem>> -> memref<8x2048xf32, #tpu.memory_space<vmem>>
          %parallel_loop3A_600 = tpu.vector_load_idx %parallel_loop3A_599[%parallel_loop3A_595, %parallel_loop3A_533] : memref<8x2048xf32, #tpu.memory_space<vmem>>[vector<16xi32>, vector<16xi32>], vector<16xf32>,
          %parallel_loop3A_601 = arith.constant 4 : i32
          %parallel_loop3A_602 = arith.constant 0 : i32
          %parallel_loop3A_603 = arith.constant 0 : i32
          %parallel_loop3A_604 = tpu.memref_slice %run_scoped3A_8[%rem3A_201, %parallel_loop3A_602, %parallel_loop3A_603] : memref<2x8x2048xf32, #tpu.memory_space<vmem>> -> memref<1x8x2048xf32, #tpu.memory_space<vmem>>
          %parallel_loop3A_605 = tpu.memref_squeeze %parallel_loop3A_604 : memref<1x8x2048xf32, #tpu.memory_space<vmem>> -> memref<8x2048xf32, #tpu.memory_space<vmem>>
          %parallel_loop3A_606 = arith.index_cast %parallel_loop3A_601 : i32 to index
          %parallel_loop3A_607 = arith.index_cast %parallel_loop3A_531 : i32 to index
          %parallel_loop3A_608 = tpu.vector_load %parallel_loop3A_605[%parallel_loop3A_606, %parallel_loop3A_607] {strides = array<i32>} : memref<8x2048xf32, #tpu.memory_space<vmem>>, vector<16xf32>,
          tpu.vector_store %parallel_loop3A_605[%parallel_loop3A_606, %parallel_loop3A_607], %parallel_loop3A_600 {strides = array<i32>} : memref<8x2048xf32, #tpu.memory_space<vmem>>, vector<16xf32>,
          %parallel_loop3A_609 = arith.constant 5 : i32
          %parallel_loop3A_610 = vector.broadcast %parallel_loop3A_609 : i32 to vector<16xi32>
          %parallel_loop3A_611 = arith.constant 0 : i32
          %parallel_loop3A_612 = arith.constant 0 : i32
          %parallel_loop3A_613 = tpu.memref_slice %run_scoped3A[%rem3A_199, %parallel_loop3A_611, %parallel_loop3A_612] : memref<2x8x2048xf32, #tpu.memory_space<vmem>> -> memref<1x8x2048xf32, #tpu.memory_space<vmem>>
          %parallel_loop3A_614 = tpu.memref_squeeze %parallel_loop3A_613 : memref<1x8x2048xf32, #tpu.memory_space<vmem>> -> memref<8x2048xf32, #tpu.memory_space<vmem>>
          %parallel_loop3A_615 = tpu.vector_load_idx %parallel_loop3A_614[%parallel_loop3A_610, %parallel_loop3A_533] : memref<8x2048xf32, #tpu.memory_space<vmem>>[vector<16xi32>, vector<16xi32>], vector<16xf32>,
          %parallel_loop3A_616 = arith.constant 5 : i32
          %parallel_loop3A_617 = arith.constant 0 : i32
          %parallel_loop3A_618 = arith.constant 0 : i32
          %parallel_loop3A_619 = tpu.memref_slice %run_scoped3A_8[%rem3A_201, %parallel_loop3A_617, %parallel_loop3A_618] : memref<2x8x2048xf32, #tpu.memory_space<vmem>> -> memref<1x8x2048xf32, #tpu.memory_space<vmem>>
          %parallel_loop3A_620 = tpu.memref_squeeze %parallel_loop3A_619 : memref<1x8x2048xf32, #tpu.memory_space<vmem>> -> memref<8x2048xf32, #tpu.memory_space<vmem>>
          %parallel_loop3A_621 = arith.index_cast %parallel_loop3A_616 : i32 to index
          %parallel_loop3A_622 = arith.index_cast %parallel_loop3A_531 : i32 to index
          %parallel_loop3A_623 = tpu.vector_load %parallel_loop3A_620[%parallel_loop3A_621, %parallel_loop3A_622] {strides = array<i32>} : memref<8x2048xf32, #tpu.memory_space<vmem>>, vector<16xf32>,
          tpu.vector_store %parallel_loop3A_620[%parallel_loop3A_621, %parallel_loop3A_622], %parallel_loop3A_615 {strides = array<i32>} : memref<8x2048xf32, #tpu.memory_space<vmem>>, vector<16xf32>,
          %parallel_loop3A_624 = arith.constant 6 : i32
          %parallel_loop3A_625 = vector.broadcast %parallel_loop3A_624 : i32 to vector<16xi32>
          %parallel_loop3A_626 = arith.constant 0 : i32
          %parallel_loop3A_627 = arith.constant 0 : i32
          %parallel_loop3A_628 = tpu.memref_slice %run_scoped3A[%rem3A_199, %parallel_loop3A_626, %parallel_loop3A_627] : memref<2x8x2048xf32, #tpu.memory_space<vmem>> -> memref<1x8x2048xf32, #tpu.memory_space<vmem>>
          %parallel_loop3A_629 = tpu.memref_squeeze %parallel_loop3A_628 : memref<1x8x2048xf32, #tpu.memory_space<vmem>> -> memref<8x2048xf32, #tpu.memory_space<vmem>>
          %parallel_loop3A_630 = tpu.vector_load_idx %parallel_loop3A_629[%parallel_loop3A_625, %parallel_loop3A_533] : memref<8x2048xf32, #tpu.memory_space<vmem>>[vector<16xi32>, vector<16xi32>], vector<16xf32>,
          %parallel_loop3A_631 = arith.constant 6 : i32
          %parallel_loop3A_632 = arith.constant 0 : i32
          %parallel_loop3A_633 = arith.constant 0 : i32
          %parallel_loop3A_634 = tpu.memref_slice %run_scoped3A_8[%rem3A_201, %parallel_loop3A_632, %parallel_loop3A_633] : memref<2x8x2048xf32, #tpu.memory_space<vmem>> -> memref<1x8x2048xf32, #tpu.memory_space<vmem>>
          %parallel_loop3A_635 = tpu.memref_squeeze %parallel_loop3A_634 : memref<1x8x2048xf32, #tpu.memory_space<vmem>> -> memref<8x2048xf32, #tpu.memory_space<vmem>>
          %parallel_loop3A_636 = arith.index_cast %parallel_loop3A_631 : i32 to index
          %parallel_loop3A_637 = arith.index_cast %parallel_loop3A_531 : i32 to index
          %parallel_loop3A_638 = tpu.vector_load %parallel_loop3A_635[%parallel_loop3A_636, %parallel_loop3A_637] {strides = array<i32>} : memref<8x2048xf32, #tpu.memory_space<vmem>>, vector<16xf32>,
          tpu.vector_store %parallel_loop3A_635[%parallel_loop3A_636, %parallel_loop3A_637], %parallel_loop3A_630 {strides = array<i32>} : memref<8x2048xf32, #tpu.memory_space<vmem>>, vector<16xf32>,
          %parallel_loop3A_639 = arith.constant 7 : i32
          %parallel_loop3A_640 = vector.broadcast %parallel_loop3A_639 : i32 to vector<16xi32>
          %parallel_loop3A_641 = arith.constant 0 : i32
          %parallel_loop3A_642 = arith.constant 0 : i32
          %parallel_loop3A_643 = tpu.memref_slice %run_scoped3A[%rem3A_199, %parallel_loop3A_641, %parallel_loop3A_642] : memref<2x8x2048xf32, #tpu.memory_space<vmem>> -> memref<1x8x2048xf32, #tpu.memory_space<vmem>>
          %parallel_loop3A_644 = tpu.memref_squeeze %parallel_loop3A_643 : memref<1x8x2048xf32, #tpu.memory_space<vmem>> -> memref<8x2048xf32, #tpu.memory_space<vmem>>
          %parallel_loop3A_645 = tpu.vector_load_idx %parallel_loop3A_644[%parallel_loop3A_640, %parallel_loop3A_533] : memref<8x2048xf32, #tpu.memory_space<vmem>>[vector<16xi32>, vector<16xi32>], vector<16xf32>,
          %parallel_loop3A_646 = arith.constant 7 : i32
          %parallel_loop3A_647 = arith.constant 0 : i32
          %parallel_loop3A_648 = arith.constant 0 : i32
          %parallel_loop3A_649 = tpu.memref_slice %run_scoped3A_8[%rem3A_201, %parallel_loop3A_647, %parallel_loop3A_648] : memref<2x8x2048xf32, #tpu.memory_space<vmem>> -> memref<1x8x2048xf32, #tpu.memory_space<vmem>>
          %parallel_loop3A_650 = tpu.memref_squeeze %parallel_loop3A_649 : memref<1x8x2048xf32, #tpu.memory_space<vmem>> -> memref<8x2048xf32, #tpu.memory_space<vmem>>
          %parallel_loop3A_651 = arith.index_cast %parallel_loop3A_646 : i32 to index
          %parallel_loop3A_652 = arith.index_cast %parallel_loop3A_531 : i32 to index
          %parallel_loop3A_653 = tpu.vector_load %parallel_loop3A_650[%parallel_loop3A_651, %parallel_loop3A_652] {strides = array<i32>} : memref<8x2048xf32, #tpu.memory_space<vmem>>, vector<16xf32>,
          tpu.vector_store %parallel_loop3A_650[%parallel_loop3A_651, %parallel_loop3A_652], %parallel_loop3A_645 {strides = array<i32>} : memref<8x2048xf32, #tpu.memory_space<vmem>>, vector<16xf32>,
          %parallel_loop3A_654 = arith.constant 128 : i32
          %parallel_loop3A_655 = arith.muli %parallel_loop3A_275, %parallel_loop3A_654 : i32
          %parallel_loop3A_656 = arith.constant 48 : i32
          %parallel_loop3A_657 = arith.addi %parallel_loop3A_655, %parallel_loop3A_656 : i32
          %parallel_loop3A_658 = arith.index_cast %parallel_loop3A_657 : i32 to index
          %parallel_loop3A_659 = tpu.vector_load %arg5[%parallel_loop3A_658] {strides = array<i32>} : memref<2048xi32, #tpu.memory_space<vmem>>, vector<16xi32>,
          %parallel_loop3A_660 = arith.constant 0 : i32
          %parallel_loop3A_661 = vector.broadcast %parallel_loop3A_660 : i32 to vector<16xi32>
          %parallel_loop3A_662 = arith.constant 0 : i32
          %parallel_loop3A_663 = arith.constant 0 : i32
          %parallel_loop3A_664 = tpu.memref_slice %run_scoped3A[%rem3A_199, %parallel_loop3A_662, %parallel_loop3A_663] : memref<2x8x2048xf32, #tpu.memory_space<vmem>> -> memref<1x8x2048xf32, #tpu.memory_space<vmem>>
          %parallel_loop3A_665 = tpu.memref_squeeze %parallel_loop3A_664 : memref<1x8x2048xf32, #tpu.memory_space<vmem>> -> memref<8x2048xf32, #tpu.memory_space<vmem>>
          %parallel_loop3A_666 = tpu.vector_load_idx %parallel_loop3A_665[%parallel_loop3A_661, %parallel_loop3A_659] : memref<8x2048xf32, #tpu.memory_space<vmem>>[vector<16xi32>, vector<16xi32>], vector<16xf32>,
          %parallel_loop3A_667 = arith.constant 0 : i32
          %parallel_loop3A_668 = arith.constant 0 : i32
          %parallel_loop3A_669 = arith.constant 0 : i32
          %parallel_loop3A_670 = tpu.memref_slice %run_scoped3A_8[%rem3A_201, %parallel_loop3A_668, %parallel_loop3A_669] : memref<2x8x2048xf32, #tpu.memory_space<vmem>> -> memref<1x8x2048xf32, #tpu.memory_space<vmem>>
          %parallel_loop3A_671 = tpu.memref_squeeze %parallel_loop3A_670 : memref<1x8x2048xf32, #tpu.memory_space<vmem>> -> memref<8x2048xf32, #tpu.memory_space<vmem>>
          %parallel_loop3A_672 = arith.index_cast %parallel_loop3A_667 : i32 to index
          %parallel_loop3A_673 = arith.index_cast %parallel_loop3A_657 : i32 to index
          %parallel_loop3A_674 = tpu.vector_load %parallel_loop3A_671[%parallel_loop3A_672, %parallel_loop3A_673] {strides = array<i32>} : memref<8x2048xf32, #tpu.memory_space<vmem>>, vector<16xf32>,
          tpu.vector_store %parallel_loop3A_671[%parallel_loop3A_672, %parallel_loop3A_673], %parallel_loop3A_666 {strides = array<i32>} : memref<8x2048xf32, #tpu.memory_space<vmem>>, vector<16xf32>,
          %parallel_loop3A_675 = arith.constant 1 : i32
          %parallel_loop3A_676 = vector.broadcast %parallel_loop3A_675 : i32 to vector<16xi32>
          %parallel_loop3A_677 = arith.constant 0 : i32
          %parallel_loop3A_678 = arith.constant 0 : i32
          %parallel_loop3A_679 = tpu.memref_slice %run_scoped3A[%rem3A_199, %parallel_loop3A_677, %parallel_loop3A_678] : memref<2x8x2048xf32, #tpu.memory_space<vmem>> -> memref<1x8x2048xf32, #tpu.memory_space<vmem>>
          %parallel_loop3A_680 = tpu.memref_squeeze %parallel_loop3A_679 : memref<1x8x2048xf32, #tpu.memory_space<vmem>> -> memref<8x2048xf32, #tpu.memory_space<vmem>>
          %parallel_loop3A_681 = tpu.vector_load_idx %parallel_loop3A_680[%parallel_loop3A_676, %parallel_loop3A_659] : memref<8x2048xf32, #tpu.memory_space<vmem>>[vector<16xi32>, vector<16xi32>], vector<16xf32>,
          %parallel_loop3A_682 = arith.constant 1 : i32
          %parallel_loop3A_683 = arith.constant 0 : i32
          %parallel_loop3A_684 = arith.constant 0 : i32
          %parallel_loop3A_685 = tpu.memref_slice %run_scoped3A_8[%rem3A_201, %parallel_loop3A_683, %parallel_loop3A_684] : memref<2x8x2048xf32, #tpu.memory_space<vmem>> -> memref<1x8x2048xf32, #tpu.memory_space<vmem>>
          %parallel_loop3A_686 = tpu.memref_squeeze %parallel_loop3A_685 : memref<1x8x2048xf32, #tpu.memory_space<vmem>> -> memref<8x2048xf32, #tpu.memory_space<vmem>>
          %parallel_loop3A_687 = arith.index_cast %parallel_loop3A_682 : i32 to index
          %parallel_loop3A_688 = arith.index_cast %parallel_loop3A_657 : i32 to index
          %parallel_loop3A_689 = tpu.vector_load %parallel_loop3A_686[%parallel_loop3A_687, %parallel_loop3A_688] {strides = array<i32>} : memref<8x2048xf32, #tpu.memory_space<vmem>>, vector<16xf32>,
          tpu.vector_store %parallel_loop3A_686[%parallel_loop3A_687, %parallel_loop3A_688], %parallel_loop3A_681 {strides = array<i32>} : memref<8x2048xf32, #tpu.memory_space<vmem>>, vector<16xf32>,
          %parallel_loop3A_690 = arith.constant 2 : i32
          %parallel_loop3A_691 = vector.broadcast %parallel_loop3A_690 : i32 to vector<16xi32>
          %parallel_loop3A_692 = arith.constant 0 : i32
          %parallel_loop3A_693 = arith.constant 0 : i32
          %parallel_loop3A_694 = tpu.memref_slice %run_scoped3A[%rem3A_199, %parallel_loop3A_692, %parallel_loop3A_693] : memref<2x8x2048xf32, #tpu.memory_space<vmem>> -> memref<1x8x2048xf32, #tpu.memory_space<vmem>>
          %parallel_loop3A_695 = tpu.memref_squeeze %parallel_loop3A_694 : memref<1x8x2048xf32, #tpu.memory_space<vmem>> -> memref<8x2048xf32, #tpu.memory_space<vmem>>
          %parallel_loop3A_696 = tpu.vector_load_idx %parallel_loop3A_695[%parallel_loop3A_691, %parallel_loop3A_659] : memref<8x2048xf32, #tpu.memory_space<vmem>>[vector<16xi32>, vector<16xi32>], vector<16xf32>,
          %parallel_loop3A_697 = arith.constant 2 : i32
          %parallel_loop3A_698 = arith.constant 0 : i32
          %parallel_loop3A_699 = arith.constant 0 : i32
          %parallel_loop3A_700 = tpu.memref_slice %run_scoped3A_8[%rem3A_201, %parallel_loop3A_698, %parallel_loop3A_699] : memref<2x8x2048xf32, #tpu.memory_space<vmem>> -> memref<1x8x2048xf32, #tpu.memory_space<vmem>>
          %parallel_loop3A_701 = tpu.memref_squeeze %parallel_loop3A_700 : memref<1x8x2048xf32, #tpu.memory_space<vmem>> -> memref<8x2048xf32, #tpu.memory_space<vmem>>
          %parallel_loop3A_702 = arith.index_cast %parallel_loop3A_697 : i32 to index
          %parallel_loop3A_703 = arith.index_cast %parallel_loop3A_657 : i32 to index
          %parallel_loop3A_704 = tpu.vector_load %parallel_loop3A_701[%parallel_loop3A_702, %parallel_loop3A_703] {strides = array<i32>} : memref<8x2048xf32, #tpu.memory_space<vmem>>, vector<16xf32>,
          tpu.vector_store %parallel_loop3A_701[%parallel_loop3A_702, %parallel_loop3A_703], %parallel_loop3A_696 {strides = array<i32>} : memref<8x2048xf32, #tpu.memory_space<vmem>>, vector<16xf32>,
          %parallel_loop3A_705 = arith.constant 3 : i32
          %parallel_loop3A_706 = vector.broadcast %parallel_loop3A_705 : i32 to vector<16xi32>
          %parallel_loop3A_707 = arith.constant 0 : i32
          %parallel_loop3A_708 = arith.constant 0 : i32
          %parallel_loop3A_709 = tpu.memref_slice %run_scoped3A[%rem3A_199, %parallel_loop3A_707, %parallel_loop3A_708] : memref<2x8x2048xf32, #tpu.memory_space<vmem>> -> memref<1x8x2048xf32, #tpu.memory_space<vmem>>
          %parallel_loop3A_710 = tpu.memref_squeeze %parallel_loop3A_709 : memref<1x8x2048xf32, #tpu.memory_space<vmem>> -> memref<8x2048xf32, #tpu.memory_space<vmem>>
          %parallel_loop3A_711 = tpu.vector_load_idx %parallel_loop3A_710[%parallel_loop3A_706, %parallel_loop3A_659] : memref<8x2048xf32, #tpu.memory_space<vmem>>[vector<16xi32>, vector<16xi32>], vector<16xf32>,
          %parallel_loop3A_712 = arith.constant 3 : i32
          %parallel_loop3A_713 = arith.constant 0 : i32
          %parallel_loop3A_714 = arith.constant 0 : i32
          %parallel_loop3A_715 = tpu.memref_slice %run_scoped3A_8[%rem3A_201, %parallel_loop3A_713, %parallel_loop3A_714] : memref<2x8x2048xf32, #tpu.memory_space<vmem>> -> memref<1x8x2048xf32, #tpu.memory_space<vmem>>
          %parallel_loop3A_716 = tpu.memref_squeeze %parallel_loop3A_715 : memref<1x8x2048xf32, #tpu.memory_space<vmem>> -> memref<8x2048xf32, #tpu.memory_space<vmem>>
          %parallel_loop3A_717 = arith.index_cast %parallel_loop3A_712 : i32 to index
          %parallel_loop3A_718 = arith.index_cast %parallel_loop3A_657 : i32 to index
          %parallel_loop3A_719 = tpu.vector_load %parallel_loop3A_716[%parallel_loop3A_717, %parallel_loop3A_718] {strides = array<i32>} : memref<8x2048xf32, #tpu.memory_space<vmem>>, vector<16xf32>,
          tpu.vector_store %parallel_loop3A_716[%parallel_loop3A_717, %parallel_loop3A_718], %parallel_loop3A_711 {strides = array<i32>} : memref<8x2048xf32, #tpu.memory_space<vmem>>, vector<16xf32>,
          %parallel_loop3A_720 = arith.constant 4 : i32
          %parallel_loop3A_721 = vector.broadcast %parallel_loop3A_720 : i32 to vector<16xi32>
          %parallel_loop3A_722 = arith.constant 0 : i32
          %parallel_loop3A_723 = arith.constant 0 : i32
          %parallel_loop3A_724 = tpu.memref_slice %run_scoped3A[%rem3A_199, %parallel_loop3A_722, %parallel_loop3A_723] : memref<2x8x2048xf32, #tpu.memory_space<vmem>> -> memref<1x8x2048xf32, #tpu.memory_space<vmem>>
          %parallel_loop3A_725 = tpu.memref_squeeze %parallel_loop3A_724 : memref<1x8x2048xf32, #tpu.memory_space<vmem>> -> memref<8x2048xf32, #tpu.memory_space<vmem>>
          %parallel_loop3A_726 = tpu.vector_load_idx %parallel_loop3A_725[%parallel_loop3A_721, %parallel_loop3A_659] : memref<8x2048xf32, #tpu.memory_space<vmem>>[vector<16xi32>, vector<16xi32>], vector<16xf32>,
          %parallel_loop3A_727 = arith.constant 4 : i32
          %parallel_loop3A_728 = arith.constant 0 : i32
          %parallel_loop3A_729 = arith.constant 0 : i32
          %parallel_loop3A_730 = tpu.memref_slice %run_scoped3A_8[%rem3A_201, %parallel_loop3A_728, %parallel_loop3A_729] : memref<2x8x2048xf32, #tpu.memory_space<vmem>> -> memref<1x8x2048xf32, #tpu.memory_space<vmem>>
          %parallel_loop3A_731 = tpu.memref_squeeze %parallel_loop3A_730 : memref<1x8x2048xf32, #tpu.memory_space<vmem>> -> memref<8x2048xf32, #tpu.memory_space<vmem>>
          %parallel_loop3A_732 = arith.index_cast %parallel_loop3A_727 : i32 to index
          %parallel_loop3A_733 = arith.index_cast %parallel_loop3A_657 : i32 to index
          %parallel_loop3A_734 = tpu.vector_load %parallel_loop3A_731[%parallel_loop3A_732, %parallel_loop3A_733] {strides = array<i32>} : memref<8x2048xf32, #tpu.memory_space<vmem>>, vector<16xf32>,
          tpu.vector_store %parallel_loop3A_731[%parallel_loop3A_732, %parallel_loop3A_733], %parallel_loop3A_726 {strides = array<i32>} : memref<8x2048xf32, #tpu.memory_space<vmem>>, vector<16xf32>,
          %parallel_loop3A_735 = arith.constant 5 : i32
          %parallel_loop3A_736 = vector.broadcast %parallel_loop3A_735 : i32 to vector<16xi32>
          %parallel_loop3A_737 = arith.constant 0 : i32
          %parallel_loop3A_738 = arith.constant 0 : i32
          %parallel_loop3A_739 = tpu.memref_slice %run_scoped3A[%rem3A_199, %parallel_loop3A_737, %parallel_loop3A_738] : memref<2x8x2048xf32, #tpu.memory_space<vmem>> -> memref<1x8x2048xf32, #tpu.memory_space<vmem>>
          %parallel_loop3A_740 = tpu.memref_squeeze %parallel_loop3A_739 : memref<1x8x2048xf32, #tpu.memory_space<vmem>> -> memref<8x2048xf32, #tpu.memory_space<vmem>>
          %parallel_loop3A_741 = tpu.vector_load_idx %parallel_loop3A_740[%parallel_loop3A_736, %parallel_loop3A_659] : memref<8x2048xf32, #tpu.memory_space<vmem>>[vector<16xi32>, vector<16xi32>], vector<16xf32>,
          %parallel_loop3A_742 = arith.constant 5 : i32
          %parallel_loop3A_743 = arith.constant 0 : i32
          %parallel_loop3A_744 = arith.constant 0 : i32
          %parallel_loop3A_745 = tpu.memref_slice %run_scoped3A_8[%rem3A_201, %parallel_loop3A_743, %parallel_loop3A_744] : memref<2x8x2048xf32, #tpu.memory_space<vmem>> -> memref<1x8x2048xf32, #tpu.memory_space<vmem>>
          %parallel_loop3A_746 = tpu.memref_squeeze %parallel_loop3A_745 : memref<1x8x2048xf32, #tpu.memory_space<vmem>> -> memref<8x2048xf32, #tpu.memory_space<vmem>>
          %parallel_loop3A_747 = arith.index_cast %parallel_loop3A_742 : i32 to index
          %parallel_loop3A_748 = arith.index_cast %parallel_loop3A_657 : i32 to index
          %parallel_loop3A_749 = tpu.vector_load %parallel_loop3A_746[%parallel_loop3A_747, %parallel_loop3A_748] {strides = array<i32>} : memref<8x2048xf32, #tpu.memory_space<vmem>>, vector<16xf32>,
          tpu.vector_store %parallel_loop3A_746[%parallel_loop3A_747, %parallel_loop3A_748], %parallel_loop3A_741 {strides = array<i32>} : memref<8x2048xf32, #tpu.memory_space<vmem>>, vector<16xf32>,
          %parallel_loop3A_750 = arith.constant 6 : i32
          %parallel_loop3A_751 = vector.broadcast %parallel_loop3A_750 : i32 to vector<16xi32>
          %parallel_loop3A_752 = arith.constant 0 : i32
          %parallel_loop3A_753 = arith.constant 0 : i32
          %parallel_loop3A_754 = tpu.memref_slice %run_scoped3A[%rem3A_199, %parallel_loop3A_752, %parallel_loop3A_753] : memref<2x8x2048xf32, #tpu.memory_space<vmem>> -> memref<1x8x2048xf32, #tpu.memory_space<vmem>>
          %parallel_loop3A_755 = tpu.memref_squeeze %parallel_loop3A_754 : memref<1x8x2048xf32, #tpu.memory_space<vmem>> -> memref<8x2048xf32, #tpu.memory_space<vmem>>
          %parallel_loop3A_756 = tpu.vector_load_idx %parallel_loop3A_755[%parallel_loop3A_751, %parallel_loop3A_659] : memref<8x2048xf32, #tpu.memory_space<vmem>>[vector<16xi32>, vector<16xi32>], vector<16xf32>,
          %parallel_loop3A_757 = arith.constant 6 : i32
          %parallel_loop3A_758 = arith.constant 0 : i32
          %parallel_loop3A_759 = arith.constant 0 : i32
          %parallel_loop3A_760 = tpu.memref_slice %run_scoped3A_8[%rem3A_201, %parallel_loop3A_758, %parallel_loop3A_759] : memref<2x8x2048xf32, #tpu.memory_space<vmem>> -> memref<1x8x2048xf32, #tpu.memory_space<vmem>>
          %parallel_loop3A_761 = tpu.memref_squeeze %parallel_loop3A_760 : memref<1x8x2048xf32, #tpu.memory_space<vmem>> -> memref<8x2048xf32, #tpu.memory_space<vmem>>
          %parallel_loop3A_762 = arith.index_cast %parallel_loop3A_757 : i32 to index
          %parallel_loop3A_763 = arith.index_cast %parallel_loop3A_657 : i32 to index
          %parallel_loop3A_764 = tpu.vector_load %parallel_loop3A_761[%parallel_loop3A_762, %parallel_loop3A_763] {strides = array<i32>} : memref<8x2048xf32, #tpu.memory_space<vmem>>, vector<16xf32>,
          tpu.vector_store %parallel_loop3A_761[%parallel_loop3A_762, %parallel_loop3A_763], %parallel_loop3A_756 {strides = array<i32>} : memref<8x2048xf32, #tpu.memory_space<vmem>>, vector<16xf32>,
          %parallel_loop3A_765 = arith.constant 7 : i32
          %parallel_loop3A_766 = vector.broadcast %parallel_loop3A_765 : i32 to vector<16xi32>
          %parallel_loop3A_767 = arith.constant 0 : i32
          %parallel_loop3A_768 = arith.constant 0 : i32
          %parallel_loop3A_769 = tpu.memref_slice %run_scoped3A[%rem3A_199, %parallel_loop3A_767, %parallel_loop3A_768] : memref<2x8x2048xf32, #tpu.memory_space<vmem>> -> memref<1x8x2048xf32, #tpu.memory_space<vmem>>
          %parallel_loop3A_770 = tpu.memref_squeeze %parallel_loop3A_769 : memref<1x8x2048xf32, #tpu.memory_space<vmem>> -> memref<8x2048xf32, #tpu.memory_space<vmem>>
          %parallel_loop3A_771 = tpu.vector_load_idx %parallel_loop3A_770[%parallel_loop3A_766, %parallel_loop3A_659] : memref<8x2048xf32, #tpu.memory_space<vmem>>[vector<16xi32>, vector<16xi32>], vector<16xf32>,
          %parallel_loop3A_772 = arith.constant 7 : i32
          %parallel_loop3A_773 = arith.constant 0 : i32
          %parallel_loop3A_774 = arith.constant 0 : i32
          %parallel_loop3A_775 = tpu.memref_slice %run_scoped3A_8[%rem3A_201, %parallel_loop3A_773, %parallel_loop3A_774] : memref<2x8x2048xf32, #tpu.memory_space<vmem>> -> memref<1x8x2048xf32, #tpu.memory_space<vmem>>
          %parallel_loop3A_776 = tpu.memref_squeeze %parallel_loop3A_775 : memref<1x8x2048xf32, #tpu.memory_space<vmem>> -> memref<8x2048xf32, #tpu.memory_space<vmem>>
          %parallel_loop3A_777 = arith.index_cast %parallel_loop3A_772 : i32 to index
          %parallel_loop3A_778 = arith.index_cast %parallel_loop3A_657 : i32 to index
          %parallel_loop3A_779 = tpu.vector_load %parallel_loop3A_776[%parallel_loop3A_777, %parallel_loop3A_778] {strides = array<i32>} : memref<8x2048xf32, #tpu.memory_space<vmem>>, vector<16xf32>,
          tpu.vector_store %parallel_loop3A_776[%parallel_loop3A_777, %parallel_loop3A_778], %parallel_loop3A_771 {strides = array<i32>} : memref<8x2048xf32, #tpu.memory_space<vmem>>, vector<16xf32>,
          %parallel_loop3A_780 = arith.constant 128 : i32
          %parallel_loop3A_781 = arith.muli %parallel_loop3A_275, %parallel_loop3A_780 : i32
          %parallel_loop3A_782 = arith.constant 64 : i32
          %parallel_loop3A_783 = arith.addi %parallel_loop3A_781, %parallel_loop3A_782 : i32
          %parallel_loop3A_784 = arith.index_cast %parallel_loop3A_783 : i32 to index
          %parallel_loop3A_785 = tpu.vector_load %arg5[%parallel_loop3A_784] {strides = array<i32>} : memref<2048xi32, #tpu.memory_space<vmem>>, vector<16xi32>,
          %parallel_loop3A_786 = arith.constant 0 : i32
          %parallel_loop3A_787 = vector.broadcast %parallel_loop3A_786 : i32 to vector<16xi32>
          %parallel_loop3A_788 = arith.constant 0 : i32
          %parallel_loop3A_789 = arith.constant 0 : i32
          %parallel_loop3A_790 = tpu.memref_slice %run_scoped3A[%rem3A_199, %parallel_loop3A_788, %parallel_loop3A_789] : memref<2x8x2048xf32, #tpu.memory_space<vmem>> -> memref<1x8x2048xf32, #tpu.memory_space<vmem>>
          %parallel_loop3A_791 = tpu.memref_squeeze %parallel_loop3A_790 : memref<1x8x2048xf32, #tpu.memory_space<vmem>> -> memref<8x2048xf32, #tpu.memory_space<vmem>>
          %parallel_loop3A_792 = tpu.vector_load_idx %parallel_loop3A_791[%parallel_loop3A_787, %parallel_loop3A_785] : memref<8x2048xf32, #tpu.memory_space<vmem>>[vector<16xi32>, vector<16xi32>], vector<16xf32>,
          %parallel_loop3A_793 = arith.constant 0 : i32
          %parallel_loop3A_794 = arith.constant 0 : i32
          %parallel_loop3A_795 = arith.constant 0 : i32
          %parallel_loop3A_796 = tpu.memref_slice %run_scoped3A_8[%rem3A_201, %parallel_loop3A_794, %parallel_loop3A_795] : memref<2x8x2048xf32, #tpu.memory_space<vmem>> -> memref<1x8x2048xf32, #tpu.memory_space<vmem>>
          %parallel_loop3A_797 = tpu.memref_squeeze %parallel_loop3A_796 : memref<1x8x2048xf32, #tpu.memory_space<vmem>> -> memref<8x2048xf32, #tpu.memory_space<vmem>>
          %parallel_loop3A_798 = arith.index_cast %parallel_loop3A_793 : i32 to index
          %parallel_loop3A_799 = arith.index_cast %parallel_loop3A_783 : i32 to index
          %parallel_loop3A_800 = tpu.vector_load %parallel_loop3A_797[%parallel_loop3A_798, %parallel_loop3A_799] {strides = array<i32>} : memref<8x2048xf32, #tpu.memory_space<vmem>>, vector<16xf32>,
          tpu.vector_store %parallel_loop3A_797[%parallel_loop3A_798, %parallel_loop3A_799], %parallel_loop3A_792 {strides = array<i32>} : memref<8x2048xf32, #tpu.memory_space<vmem>>, vector<16xf32>,
          %parallel_loop3A_801 = arith.constant 1 : i32
          %parallel_loop3A_802 = vector.broadcast %parallel_loop3A_801 : i32 to vector<16xi32>
          %parallel_loop3A_803 = arith.constant 0 : i32
          %parallel_loop3A_804 = arith.constant 0 : i32
          %parallel_loop3A_805 = tpu.memref_slice %run_scoped3A[%rem3A_199, %parallel_loop3A_803, %parallel_loop3A_804] : memref<2x8x2048xf32, #tpu.memory_space<vmem>> -> memref<1x8x2048xf32, #tpu.memory_space<vmem>>
          %parallel_loop3A_806 = tpu.memref_squeeze %parallel_loop3A_805 : memref<1x8x2048xf32, #tpu.memory_space<vmem>> -> memref<8x2048xf32, #tpu.memory_space<vmem>>
          %parallel_loop3A_807 = tpu.vector_load_idx %parallel_loop3A_806[%parallel_loop3A_802, %parallel_loop3A_785] : memref<8x2048xf32, #tpu.memory_space<vmem>>[vector<16xi32>, vector<16xi32>], vector<16xf32>,
          %parallel_loop3A_808 = arith.constant 1 : i32
          %parallel_loop3A_809 = arith.constant 0 : i32
          %parallel_loop3A_810 = arith.constant 0 : i32
          %parallel_loop3A_811 = tpu.memref_slice %run_scoped3A_8[%rem3A_201, %parallel_loop3A_809, %parallel_loop3A_810] : memref<2x8x2048xf32, #tpu.memory_space<vmem>> -> memref<1x8x2048xf32, #tpu.memory_space<vmem>>
          %parallel_loop3A_812 = tpu.memref_squeeze %parallel_loop3A_811 : memref<1x8x2048xf32, #tpu.memory_space<vmem>> -> memref<8x2048xf32, #tpu.memory_space<vmem>>
          %parallel_loop3A_813 = arith.index_cast %parallel_loop3A_808 : i32 to index
          %parallel_loop3A_814 = arith.index_cast %parallel_loop3A_783 : i32 to index
          %parallel_loop3A_815 = tpu.vector_load %parallel_loop3A_812[%parallel_loop3A_813, %parallel_loop3A_814] {strides = array<i32>} : memref<8x2048xf32, #tpu.memory_space<vmem>>, vector<16xf32>,
          tpu.vector_store %parallel_loop3A_812[%parallel_loop3A_813, %parallel_loop3A_814], %parallel_loop3A_807 {strides = array<i32>} : memref<8x2048xf32, #tpu.memory_space<vmem>>, vector<16xf32>,
          %parallel_loop3A_816 = arith.constant 2 : i32
          %parallel_loop3A_817 = vector.broadcast %parallel_loop3A_816 : i32 to vector<16xi32>
          %parallel_loop3A_818 = arith.constant 0 : i32
          %parallel_loop3A_819 = arith.constant 0 : i32
          %parallel_loop3A_820 = tpu.memref_slice %run_scoped3A[%rem3A_199, %parallel_loop3A_818, %parallel_loop3A_819] : memref<2x8x2048xf32, #tpu.memory_space<vmem>> -> memref<1x8x2048xf32, #tpu.memory_space<vmem>>
          %parallel_loop3A_821 = tpu.memref_squeeze %parallel_loop3A_820 : memref<1x8x2048xf32, #tpu.memory_space<vmem>> -> memref<8x2048xf32, #tpu.memory_space<vmem>>
          %parallel_loop3A_822 = tpu.vector_load_idx %parallel_loop3A_821[%parallel_loop3A_817, %parallel_loop3A_785] : memref<8x2048xf32, #tpu.memory_space<vmem>>[vector<16xi32>, vector<16xi32>], vector<16xf32>,
          %parallel_loop3A_823 = arith.constant 2 : i32
          %parallel_loop3A_824 = arith.constant 0 : i32
          %parallel_loop3A_825 = arith.constant 0 : i32
          %parallel_loop3A_826 = tpu.memref_slice %run_scoped3A_8[%rem3A_201, %parallel_loop3A_824, %parallel_loop3A_825] : memref<2x8x2048xf32, #tpu.memory_space<vmem>> -> memref<1x8x2048xf32, #tpu.memory_space<vmem>>
          %parallel_loop3A_827 = tpu.memref_squeeze %parallel_loop3A_826 : memref<1x8x2048xf32, #tpu.memory_space<vmem>> -> memref<8x2048xf32, #tpu.memory_space<vmem>>
          %parallel_loop3A_828 = arith.index_cast %parallel_loop3A_823 : i32 to index
          %parallel_loop3A_829 = arith.index_cast %parallel_loop3A_783 : i32 to index
          %parallel_loop3A_830 = tpu.vector_load %parallel_loop3A_827[%parallel_loop3A_828, %parallel_loop3A_829] {strides = array<i32>} : memref<8x2048xf32, #tpu.memory_space<vmem>>, vector<16xf32>,
          tpu.vector_store %parallel_loop3A_827[%parallel_loop3A_828, %parallel_loop3A_829], %parallel_loop3A_822 {strides = array<i32>} : memref<8x2048xf32, #tpu.memory_space<vmem>>, vector<16xf32>,
          %parallel_loop3A_831 = arith.constant 3 : i32
          %parallel_loop3A_832 = vector.broadcast %parallel_loop3A_831 : i32 to vector<16xi32>
          %parallel_loop3A_833 = arith.constant 0 : i32
          %parallel_loop3A_834 = arith.constant 0 : i32
          %parallel_loop3A_835 = tpu.memref_slice %run_scoped3A[%rem3A_199, %parallel_loop3A_833, %parallel_loop3A_834] : memref<2x8x2048xf32, #tpu.memory_space<vmem>> -> memref<1x8x2048xf32, #tpu.memory_space<vmem>>
          %parallel_loop3A_836 = tpu.memref_squeeze %parallel_loop3A_835 : memref<1x8x2048xf32, #tpu.memory_space<vmem>> -> memref<8x2048xf32, #tpu.memory_space<vmem>>
          %parallel_loop3A_837 = tpu.vector_load_idx %parallel_loop3A_836[%parallel_loop3A_832, %parallel_loop3A_785] : memref<8x2048xf32, #tpu.memory_space<vmem>>[vector<16xi32>, vector<16xi32>], vector<16xf32>,
          %parallel_loop3A_838 = arith.constant 3 : i32
          %parallel_loop3A_839 = arith.constant 0 : i32
          %parallel_loop3A_840 = arith.constant 0 : i32
          %parallel_loop3A_841 = tpu.memref_slice %run_scoped3A_8[%rem3A_201, %parallel_loop3A_839, %parallel_loop3A_840] : memref<2x8x2048xf32, #tpu.memory_space<vmem>> -> memref<1x8x2048xf32, #tpu.memory_space<vmem>>
          %parallel_loop3A_842 = tpu.memref_squeeze %parallel_loop3A_841 : memref<1x8x2048xf32, #tpu.memory_space<vmem>> -> memref<8x2048xf32, #tpu.memory_space<vmem>>
          %parallel_loop3A_843 = arith.index_cast %parallel_loop3A_838 : i32 to index
          %parallel_loop3A_844 = arith.index_cast %parallel_loop3A_783 : i32 to index
          %parallel_loop3A_845 = tpu.vector_load %parallel_loop3A_842[%parallel_loop3A_843, %parallel_loop3A_844] {strides = array<i32>} : memref<8x2048xf32, #tpu.memory_space<vmem>>, vector<16xf32>,
          tpu.vector_store %parallel_loop3A_842[%parallel_loop3A_843, %parallel_loop3A_844], %parallel_loop3A_837 {strides = array<i32>} : memref<8x2048xf32, #tpu.memory_space<vmem>>, vector<16xf32>,
          %parallel_loop3A_846 = arith.constant 4 : i32
          %parallel_loop3A_847 = vector.broadcast %parallel_loop3A_846 : i32 to vector<16xi32>
          %parallel_loop3A_848 = arith.constant 0 : i32
          %parallel_loop3A_849 = arith.constant 0 : i32
          %parallel_loop3A_850 = tpu.memref_slice %run_scoped3A[%rem3A_199, %parallel_loop3A_848, %parallel_loop3A_849] : memref<2x8x2048xf32, #tpu.memory_space<vmem>> -> memref<1x8x2048xf32, #tpu.memory_space<vmem>>
          %parallel_loop3A_851 = tpu.memref_squeeze %parallel_loop3A_850 : memref<1x8x2048xf32, #tpu.memory_space<vmem>> -> memref<8x2048xf32, #tpu.memory_space<vmem>>
          %parallel_loop3A_852 = tpu.vector_load_idx %parallel_loop3A_851[%parallel_loop3A_847, %parallel_loop3A_785] : memref<8x2048xf32, #tpu.memory_space<vmem>>[vector<16xi32>, vector<16xi32>], vector<16xf32>,
          %parallel_loop3A_853 = arith.constant 4 : i32
          %parallel_loop3A_854 = arith.constant 0 : i32
          %parallel_loop3A_855 = arith.constant 0 : i32
          %parallel_loop3A_856 = tpu.memref_slice %run_scoped3A_8[%rem3A_201, %parallel_loop3A_854, %parallel_loop3A_855] : memref<2x8x2048xf32, #tpu.memory_space<vmem>> -> memref<1x8x2048xf32, #tpu.memory_space<vmem>>
          %parallel_loop3A_857 = tpu.memref_squeeze %parallel_loop3A_856 : memref<1x8x2048xf32, #tpu.memory_space<vmem>> -> memref<8x2048xf32, #tpu.memory_space<vmem>>
          %parallel_loop3A_858 = arith.index_cast %parallel_loop3A_853 : i32 to index
          %parallel_loop3A_859 = arith.index_cast %parallel_loop3A_783 : i32 to index
          %parallel_loop3A_860 = tpu.vector_load %parallel_loop3A_857[%parallel_loop3A_858, %parallel_loop3A_859] {strides = array<i32>} : memref<8x2048xf32, #tpu.memory_space<vmem>>, vector<16xf32>,
          tpu.vector_store %parallel_loop3A_857[%parallel_loop3A_858, %parallel_loop3A_859], %parallel_loop3A_852 {strides = array<i32>} : memref<8x2048xf32, #tpu.memory_space<vmem>>, vector<16xf32>,
          %parallel_loop3A_861 = arith.constant 5 : i32
          %parallel_loop3A_862 = vector.broadcast %parallel_loop3A_861 : i32 to vector<16xi32>
          %parallel_loop3A_863 = arith.constant 0 : i32
          %parallel_loop3A_864 = arith.constant 0 : i32
          %parallel_loop3A_865 = tpu.memref_slice %run_scoped3A[%rem3A_199, %parallel_loop3A_863, %parallel_loop3A_864] : memref<2x8x2048xf32, #tpu.memory_space<vmem>> -> memref<1x8x2048xf32, #tpu.memory_space<vmem>>
          %parallel_loop3A_866 = tpu.memref_squeeze %parallel_loop3A_865 : memref<1x8x2048xf32, #tpu.memory_space<vmem>> -> memref<8x2048xf32, #tpu.memory_space<vmem>>
          %parallel_loop3A_867 = tpu.vector_load_idx %parallel_loop3A_866[%parallel_loop3A_862, %parallel_loop3A_785] : memref<8x2048xf32, #tpu.memory_space<vmem>>[vector<16xi32>, vector<16xi32>], vector<16xf32>,
          %parallel_loop3A_868 = arith.constant 5 : i32
          %parallel_loop3A_869 = arith.constant 0 : i32
          %parallel_loop3A_870 = arith.constant 0 : i32
          %parallel_loop3A_871 = tpu.memref_slice %run_scoped3A_8[%rem3A_201, %parallel_loop3A_869, %parallel_loop3A_870] : memref<2x8x2048xf32, #tpu.memory_space<vmem>> -> memref<1x8x2048xf32, #tpu.memory_space<vmem>>
          %parallel_loop3A_872 = tpu.memref_squeeze %parallel_loop3A_871 : memref<1x8x2048xf32, #tpu.memory_space<vmem>> -> memref<8x2048xf32, #tpu.memory_space<vmem>>
          %parallel_loop3A_873 = arith.index_cast %parallel_loop3A_868 : i32 to index
          %parallel_loop3A_874 = arith.index_cast %parallel_loop3A_783 : i32 to index
          %parallel_loop3A_875 = tpu.vector_load %parallel_loop3A_872[%parallel_loop3A_873, %parallel_loop3A_874] {strides = array<i32>} : memref<8x2048xf32, #tpu.memory_space<vmem>>, vector<16xf32>,
          tpu.vector_store %parallel_loop3A_872[%parallel_loop3A_873, %parallel_loop3A_874], %parallel_loop3A_867 {strides = array<i32>} : memref<8x2048xf32, #tpu.memory_space<vmem>>, vector<16xf32>,
          %parallel_loop3A_876 = arith.constant 6 : i32
          %parallel_loop3A_877 = vector.broadcast %parallel_loop3A_876 : i32 to vector<16xi32>
          %parallel_loop3A_878 = arith.constant 0 : i32
          %parallel_loop3A_879 = arith.constant 0 : i32
          %parallel_loop3A_880 = tpu.memref_slice %run_scoped3A[%rem3A_199, %parallel_loop3A_878, %parallel_loop3A_879] : memref<2x8x2048xf32, #tpu.memory_space<vmem>> -> memref<1x8x2048xf32, #tpu.memory_space<vmem>>
          %parallel_loop3A_881 = tpu.memref_squeeze %parallel_loop3A_880 : memref<1x8x2048xf32, #tpu.memory_space<vmem>> -> memref<8x2048xf32, #tpu.memory_space<vmem>>
          %parallel_loop3A_882 = tpu.vector_load_idx %parallel_loop3A_881[%parallel_loop3A_877, %parallel_loop3A_785] : memref<8x2048xf32, #tpu.memory_space<vmem>>[vector<16xi32>, vector<16xi32>], vector<16xf32>,
          %parallel_loop3A_883 = arith.constant 6 : i32
          %parallel_loop3A_884 = arith.constant 0 : i32
          %parallel_loop3A_885 = arith.constant 0 : i32
          %parallel_loop3A_886 = tpu.memref_slice %run_scoped3A_8[%rem3A_201, %parallel_loop3A_884, %parallel_loop3A_885] : memref<2x8x2048xf32, #tpu.memory_space<vmem>> -> memref<1x8x2048xf32, #tpu.memory_space<vmem>>
          %parallel_loop3A_887 = tpu.memref_squeeze %parallel_loop3A_886 : memref<1x8x2048xf32, #tpu.memory_space<vmem>> -> memref<8x2048xf32, #tpu.memory_space<vmem>>
          %parallel_loop3A_888 = arith.index_cast %parallel_loop3A_883 : i32 to index
          %parallel_loop3A_889 = arith.index_cast %parallel_loop3A_783 : i32 to index
          %parallel_loop3A_890 = tpu.vector_load %parallel_loop3A_887[%parallel_loop3A_888, %parallel_loop3A_889] {strides = array<i32>} : memref<8x2048xf32, #tpu.memory_space<vmem>>, vector<16xf32>,
          tpu.vector_store %parallel_loop3A_887[%parallel_loop3A_888, %parallel_loop3A_889], %parallel_loop3A_882 {strides = array<i32>} : memref<8x2048xf32, #tpu.memory_space<vmem>>, vector<16xf32>,
          %parallel_loop3A_891 = arith.constant 7 : i32
          %parallel_loop3A_892 = vector.broadcast %parallel_loop3A_891 : i32 to vector<16xi32>
          %parallel_loop3A_893 = arith.constant 0 : i32
          %parallel_loop3A_894 = arith.constant 0 : i32
          %parallel_loop3A_895 = tpu.memref_slice %run_scoped3A[%rem3A_199, %parallel_loop3A_893, %parallel_loop3A_894] : memref<2x8x2048xf32, #tpu.memory_space<vmem>> -> memref<1x8x2048xf32, #tpu.memory_space<vmem>>
          %parallel_loop3A_896 = tpu.memref_squeeze %parallel_loop3A_895 : memref<1x8x2048xf32, #tpu.memory_space<vmem>> -> memref<8x2048xf32, #tpu.memory_space<vmem>>
          %parallel_loop3A_897 = tpu.vector_load_idx %parallel_loop3A_896[%parallel_loop3A_892, %parallel_loop3A_785] : memref<8x2048xf32, #tpu.memory_space<vmem>>[vector<16xi32>, vector<16xi32>], vector<16xf32>,
          %parallel_loop3A_898 = arith.constant 7 : i32
          %parallel_loop3A_899 = arith.constant 0 : i32
          %parallel_loop3A_900 = arith.constant 0 : i32
          %parallel_loop3A_901 = tpu.memref_slice %run_scoped3A_8[%rem3A_201, %parallel_loop3A_899, %parallel_loop3A_900] : memref<2x8x2048xf32, #tpu.memory_space<vmem>> -> memref<1x8x2048xf32, #tpu.memory_space<vmem>>
          %parallel_loop3A_902 = tpu.memref_squeeze %parallel_loop3A_901 : memref<1x8x2048xf32, #tpu.memory_space<vmem>> -> memref<8x2048xf32, #tpu.memory_space<vmem>>
          %parallel_loop3A_903 = arith.index_cast %parallel_loop3A_898 : i32 to index
          %parallel_loop3A_904 = arith.index_cast %parallel_loop3A_783 : i32 to index
          %parallel_loop3A_905 = tpu.vector_load %parallel_loop3A_902[%parallel_loop3A_903, %parallel_loop3A_904] {strides = array<i32>} : memref<8x2048xf32, #tpu.memory_space<vmem>>, vector<16xf32>,
          tpu.vector_store %parallel_loop3A_902[%parallel_loop3A_903, %parallel_loop3A_904], %parallel_loop3A_897 {strides = array<i32>} : memref<8x2048xf32, #tpu.memory_space<vmem>>, vector<16xf32>,
          %parallel_loop3A_906 = arith.constant 128 : i32
          %parallel_loop3A_907 = arith.muli %parallel_loop3A_275, %parallel_loop3A_906 : i32
          %parallel_loop3A_908 = arith.constant 80 : i32
          %parallel_loop3A_909 = arith.addi %parallel_loop3A_907, %parallel_loop3A_908 : i32
          %parallel_loop3A_910 = arith.index_cast %parallel_loop3A_909 : i32 to index
          %parallel_loop3A_911 = tpu.vector_load %arg5[%parallel_loop3A_910] {strides = array<i32>} : memref<2048xi32, #tpu.memory_space<vmem>>, vector<16xi32>,
          %parallel_loop3A_912 = arith.constant 0 : i32
          %parallel_loop3A_913 = vector.broadcast %parallel_loop3A_912 : i32 to vector<16xi32>
          %parallel_loop3A_914 = arith.constant 0 : i32
          %parallel_loop3A_915 = arith.constant 0 : i32
          %parallel_loop3A_916 = tpu.memref_slice %run_scoped3A[%rem3A_199, %parallel_loop3A_914, %parallel_loop3A_915] : memref<2x8x2048xf32, #tpu.memory_space<vmem>> -> memref<1x8x2048xf32, #tpu.memory_space<vmem>>
          %parallel_loop3A_917 = tpu.memref_squeeze %parallel_loop3A_916 : memref<1x8x2048xf32, #tpu.memory_space<vmem>> -> memref<8x2048xf32, #tpu.memory_space<vmem>>
          %parallel_loop3A_918 = tpu.vector_load_idx %parallel_loop3A_917[%parallel_loop3A_913, %parallel_loop3A_911] : memref<8x2048xf32, #tpu.memory_space<vmem>>[vector<16xi32>, vector<16xi32>], vector<16xf32>,
          %parallel_loop3A_919 = arith.constant 0 : i32
          %parallel_loop3A_920 = arith.constant 0 : i32
          %parallel_loop3A_921 = arith.constant 0 : i32
          %parallel_loop3A_922 = tpu.memref_slice %run_scoped3A_8[%rem3A_201, %parallel_loop3A_920, %parallel_loop3A_921] : memref<2x8x2048xf32, #tpu.memory_space<vmem>> -> memref<1x8x2048xf32, #tpu.memory_space<vmem>>
          %parallel_loop3A_923 = tpu.memref_squeeze %parallel_loop3A_922 : memref<1x8x2048xf32, #tpu.memory_space<vmem>> -> memref<8x2048xf32, #tpu.memory_space<vmem>>
          %parallel_loop3A_924 = arith.index_cast %parallel_loop3A_919 : i32 to index
          %parallel_loop3A_925 = arith.index_cast %parallel_loop3A_909 : i32 to index
          %parallel_loop3A_926 = tpu.vector_load %parallel_loop3A_923[%parallel_loop3A_924, %parallel_loop3A_925] {strides = array<i32>} : memref<8x2048xf32, #tpu.memory_space<vmem>>, vector<16xf32>,
          tpu.vector_store %parallel_loop3A_923[%parallel_loop3A_924, %parallel_loop3A_925], %parallel_loop3A_918 {strides = array<i32>} : memref<8x2048xf32, #tpu.memory_space<vmem>>, vector<16xf32>,
          %parallel_loop3A_927 = arith.constant 1 : i32
          %parallel_loop3A_928 = vector.broadcast %parallel_loop3A_927 : i32 to vector<16xi32>
          %parallel_loop3A_929 = arith.constant 0 : i32
          %parallel_loop3A_930 = arith.constant 0 : i32
          %parallel_loop3A_931 = tpu.memref_slice %run_scoped3A[%rem3A_199, %parallel_loop3A_929, %parallel_loop3A_930] : memref<2x8x2048xf32, #tpu.memory_space<vmem>> -> memref<1x8x2048xf32, #tpu.memory_space<vmem>>
          %parallel_loop3A_932 = tpu.memref_squeeze %parallel_loop3A_931 : memref<1x8x2048xf32, #tpu.memory_space<vmem>> -> memref<8x2048xf32, #tpu.memory_space<vmem>>
          %parallel_loop3A_933 = tpu.vector_load_idx %parallel_loop3A_932[%parallel_loop3A_928, %parallel_loop3A_911] : memref<8x2048xf32, #tpu.memory_space<vmem>>[vector<16xi32>, vector<16xi32>], vector<16xf32>,
          %parallel_loop3A_934 = arith.constant 1 : i32
          %parallel_loop3A_935 = arith.constant 0 : i32
          %parallel_loop3A_936 = arith.constant 0 : i32
          %parallel_loop3A_937 = tpu.memref_slice %run_scoped3A_8[%rem3A_201, %parallel_loop3A_935, %parallel_loop3A_936] : memref<2x8x2048xf32, #tpu.memory_space<vmem>> -> memref<1x8x2048xf32, #tpu.memory_space<vmem>>
          %parallel_loop3A_938 = tpu.memref_squeeze %parallel_loop3A_937 : memref<1x8x2048xf32, #tpu.memory_space<vmem>> -> memref<8x2048xf32, #tpu.memory_space<vmem>>
          %parallel_loop3A_939 = arith.index_cast %parallel_loop3A_934 : i32 to index
          %parallel_loop3A_940 = arith.index_cast %parallel_loop3A_909 : i32 to index
          %parallel_loop3A_941 = tpu.vector_load %parallel_loop3A_938[%parallel_loop3A_939, %parallel_loop3A_940] {strides = array<i32>} : memref<8x2048xf32, #tpu.memory_space<vmem>>, vector<16xf32>,
          tpu.vector_store %parallel_loop3A_938[%parallel_loop3A_939, %parallel_loop3A_940], %parallel_loop3A_933 {strides = array<i32>} : memref<8x2048xf32, #tpu.memory_space<vmem>>, vector<16xf32>,
          %parallel_loop3A_942 = arith.constant 2 : i32
          %parallel_loop3A_943 = vector.broadcast %parallel_loop3A_942 : i32 to vector<16xi32>
          %parallel_loop3A_944 = arith.constant 0 : i32
          %parallel_loop3A_945 = arith.constant 0 : i32
          %parallel_loop3A_946 = tpu.memref_slice %run_scoped3A[%rem3A_199, %parallel_loop3A_944, %parallel_loop3A_945] : memref<2x8x2048xf32, #tpu.memory_space<vmem>> -> memref<1x8x2048xf32, #tpu.memory_space<vmem>>
          %parallel_loop3A_947 = tpu.memref_squeeze %parallel_loop3A_946 : memref<1x8x2048xf32, #tpu.memory_space<vmem>> -> memref<8x2048xf32, #tpu.memory_space<vmem>>
          %parallel_loop3A_948 = tpu.vector_load_idx %parallel_loop3A_947[%parallel_loop3A_943, %parallel_loop3A_911] : memref<8x2048xf32, #tpu.memory_space<vmem>>[vector<16xi32>, vector<16xi32>], vector<16xf32>,
          %parallel_loop3A_949 = arith.constant 2 : i32
          %parallel_loop3A_950 = arith.constant 0 : i32
          %parallel_loop3A_951 = arith.constant 0 : i32
          %parallel_loop3A_952 = tpu.memref_slice %run_scoped3A_8[%rem3A_201, %parallel_loop3A_950, %parallel_loop3A_951] : memref<2x8x2048xf32, #tpu.memory_space<vmem>> -> memref<1x8x2048xf32, #tpu.memory_space<vmem>>
          %parallel_loop3A_953 = tpu.memref_squeeze %parallel_loop3A_952 : memref<1x8x2048xf32, #tpu.memory_space<vmem>> -> memref<8x2048xf32, #tpu.memory_space<vmem>>
          %parallel_loop3A_954 = arith.index_cast %parallel_loop3A_949 : i32 to index
          %parallel_loop3A_955 = arith.index_cast %parallel_loop3A_909 : i32 to index
          %parallel_loop3A_956 = tpu.vector_load %parallel_loop3A_953[%parallel_loop3A_954, %parallel_loop3A_955] {strides = array<i32>} : memref<8x2048xf32, #tpu.memory_space<vmem>>, vector<16xf32>,
          tpu.vector_store %parallel_loop3A_953[%parallel_loop3A_954, %parallel_loop3A_955], %parallel_loop3A_948 {strides = array<i32>} : memref<8x2048xf32, #tpu.memory_space<vmem>>, vector<16xf32>,
          %parallel_loop3A_957 = arith.constant 3 : i32
          %parallel_loop3A_958 = vector.broadcast %parallel_loop3A_957 : i32 to vector<16xi32>
          %parallel_loop3A_959 = arith.constant 0 : i32
          %parallel_loop3A_960 = arith.constant 0 : i32
          %parallel_loop3A_961 = tpu.memref_slice %run_scoped3A[%rem3A_199, %parallel_loop3A_959, %parallel_loop3A_960] : memref<2x8x2048xf32, #tpu.memory_space<vmem>> -> memref<1x8x2048xf32, #tpu.memory_space<vmem>>
          %parallel_loop3A_962 = tpu.memref_squeeze %parallel_loop3A_961 : memref<1x8x2048xf32, #tpu.memory_space<vmem>> -> memref<8x2048xf32, #tpu.memory_space<vmem>>
          %parallel_loop3A_963 = tpu.vector_load_idx %parallel_loop3A_962[%parallel_loop3A_958, %parallel_loop3A_911] : memref<8x2048xf32, #tpu.memory_space<vmem>>[vector<16xi32>, vector<16xi32>], vector<16xf32>,
          %parallel_loop3A_964 = arith.constant 3 : i32
          %parallel_loop3A_965 = arith.constant 0 : i32
          %parallel_loop3A_966 = arith.constant 0 : i32
          %parallel_loop3A_967 = tpu.memref_slice %run_scoped3A_8[%rem3A_201, %parallel_loop3A_965, %parallel_loop3A_966] : memref<2x8x2048xf32, #tpu.memory_space<vmem>> -> memref<1x8x2048xf32, #tpu.memory_space<vmem>>
          %parallel_loop3A_968 = tpu.memref_squeeze %parallel_loop3A_967 : memref<1x8x2048xf32, #tpu.memory_space<vmem>> -> memref<8x2048xf32, #tpu.memory_space<vmem>>
          %parallel_loop3A_969 = arith.index_cast %parallel_loop3A_964 : i32 to index
          %parallel_loop3A_970 = arith.index_cast %parallel_loop3A_909 : i32 to index
          %parallel_loop3A_971 = tpu.vector_load %parallel_loop3A_968[%parallel_loop3A_969, %parallel_loop3A_970] {strides = array<i32>} : memref<8x2048xf32, #tpu.memory_space<vmem>>, vector<16xf32>,
          tpu.vector_store %parallel_loop3A_968[%parallel_loop3A_969, %parallel_loop3A_970], %parallel_loop3A_963 {strides = array<i32>} : memref<8x2048xf32, #tpu.memory_space<vmem>>, vector<16xf32>,
          %parallel_loop3A_972 = arith.constant 4 : i32
          %parallel_loop3A_973 = vector.broadcast %parallel_loop3A_972 : i32 to vector<16xi32>
          %parallel_loop3A_974 = arith.constant 0 : i32
          %parallel_loop3A_975 = arith.constant 0 : i32
          %parallel_loop3A_976 = tpu.memref_slice %run_scoped3A[%rem3A_199, %parallel_loop3A_974, %parallel_loop3A_975] : memref<2x8x2048xf32, #tpu.memory_space<vmem>> -> memref<1x8x2048xf32, #tpu.memory_space<vmem>>
          %parallel_loop3A_977 = tpu.memref_squeeze %parallel_loop3A_976 : memref<1x8x2048xf32, #tpu.memory_space<vmem>> -> memref<8x2048xf32, #tpu.memory_space<vmem>>
          %parallel_loop3A_978 = tpu.vector_load_idx %parallel_loop3A_977[%parallel_loop3A_973, %parallel_loop3A_911] : memref<8x2048xf32, #tpu.memory_space<vmem>>[vector<16xi32>, vector<16xi32>], vector<16xf32>,
          %parallel_loop3A_979 = arith.constant 4 : i32
          %parallel_loop3A_980 = arith.constant 0 : i32
          %parallel_loop3A_981 = arith.constant 0 : i32
          %parallel_loop3A_982 = tpu.memref_slice %run_scoped3A_8[%rem3A_201, %parallel_loop3A_980, %parallel_loop3A_981] : memref<2x8x2048xf32, #tpu.memory_space<vmem>> -> memref<1x8x2048xf32, #tpu.memory_space<vmem>>
          %parallel_loop3A_983 = tpu.memref_squeeze %parallel_loop3A_982 : memref<1x8x2048xf32, #tpu.memory_space<vmem>> -> memref<8x2048xf32, #tpu.memory_space<vmem>>
          %parallel_loop3A_984 = arith.index_cast %parallel_loop3A_979 : i32 to index
          %parallel_loop3A_985 = arith.index_cast %parallel_loop3A_909 : i32 to index
          %parallel_loop3A_986 = tpu.vector_load %parallel_loop3A_983[%parallel_loop3A_984, %parallel_loop3A_985] {strides = array<i32>} : memref<8x2048xf32, #tpu.memory_space<vmem>>, vector<16xf32>,
          tpu.vector_store %parallel_loop3A_983[%parallel_loop3A_984, %parallel_loop3A_985], %parallel_loop3A_978 {strides = array<i32>} : memref<8x2048xf32, #tpu.memory_space<vmem>>, vector<16xf32>,
          %parallel_loop3A_987 = arith.constant 5 : i32
          %parallel_loop3A_988 = vector.broadcast %parallel_loop3A_987 : i32 to vector<16xi32>
          %parallel_loop3A_989 = arith.constant 0 : i32
          %parallel_loop3A_990 = arith.constant 0 : i32
          %parallel_loop3A_991 = tpu.memref_slice %run_scoped3A[%rem3A_199, %parallel_loop3A_989, %parallel_loop3A_990] : memref<2x8x2048xf32, #tpu.memory_space<vmem>> -> memref<1x8x2048xf32, #tpu.memory_space<vmem>>
          %parallel_loop3A_992 = tpu.memref_squeeze %parallel_loop3A_991 : memref<1x8x2048xf32, #tpu.memory_space<vmem>> -> memref<8x2048xf32, #tpu.memory_space<vmem>>
          %parallel_loop3A_993 = tpu.vector_load_idx %parallel_loop3A_992[%parallel_loop3A_988, %parallel_loop3A_911] : memref<8x2048xf32, #tpu.memory_space<vmem>>[vector<16xi32>, vector<16xi32>], vector<16xf32>,
          %parallel_loop3A_994 = arith.constant 5 : i32
          %parallel_loop3A_995 = arith.constant 0 : i32
          %parallel_loop3A_996 = arith.constant 0 : i32
          %parallel_loop3A_997 = tpu.memref_slice %run_scoped3A_8[%rem3A_201, %parallel_loop3A_995, %parallel_loop3A_996] : memref<2x8x2048xf32, #tpu.memory_space<vmem>> -> memref<1x8x2048xf32, #tpu.memory_space<vmem>>
          %parallel_loop3A_998 = tpu.memref_squeeze %parallel_loop3A_997 : memref<1x8x2048xf32, #tpu.memory_space<vmem>> -> memref<8x2048xf32, #tpu.memory_space<vmem>>
          %parallel_loop3A_999 = arith.index_cast %parallel_loop3A_994 : i32 to index
          %parallel_loop3A_1000 = arith.index_cast %parallel_loop3A_909 : i32 to index
          %parallel_loop3A_1001 = tpu.vector_load %parallel_loop3A_998[%parallel_loop3A_999, %parallel_loop3A_1000] {strides = array<i32>} : memref<8x2048xf32, #tpu.memory_space<vmem>>, vector<16xf32>,
          tpu.vector_store %parallel_loop3A_998[%parallel_loop3A_999, %parallel_loop3A_1000], %parallel_loop3A_993 {strides = array<i32>} : memref<8x2048xf32, #tpu.memory_space<vmem>>, vector<16xf32>,
          %parallel_loop3A_1002 = arith.constant 6 : i32
          %parallel_loop3A_1003 = vector.broadcast %parallel_loop3A_1002 : i32 to vector<16xi32>
          %parallel_loop3A_1004 = arith.constant 0 : i32
          %parallel_loop3A_1005 = arith.constant 0 : i32
          %parallel_loop3A_1006 = tpu.memref_slice %run_scoped3A[%rem3A_199, %parallel_loop3A_1004, %parallel_loop3A_1005] : memref<2x8x2048xf32, #tpu.memory_space<vmem>> -> memref<1x8x2048xf32, #tpu.memory_space<vmem>>
          %parallel_loop3A_1007 = tpu.memref_squeeze %parallel_loop3A_1006 : memref<1x8x2048xf32, #tpu.memory_space<vmem>> -> memref<8x2048xf32, #tpu.memory_space<vmem>>
          %parallel_loop3A_1008 = tpu.vector_load_idx %parallel_loop3A_1007[%parallel_loop3A_1003, %parallel_loop3A_911] : memref<8x2048xf32, #tpu.memory_space<vmem>>[vector<16xi32>, vector<16xi32>], vector<16xf32>,
          %parallel_loop3A_1009 = arith.constant 6 : i32
          %parallel_loop3A_1010 = arith.constant 0 : i32
          %parallel_loop3A_1011 = arith.constant 0 : i32
          %parallel_loop3A_1012 = tpu.memref_slice %run_scoped3A_8[%rem3A_201, %parallel_loop3A_1010, %parallel_loop3A_1011] : memref<2x8x2048xf32, #tpu.memory_space<vmem>> -> memref<1x8x2048xf32, #tpu.memory_space<vmem>>
          %parallel_loop3A_1013 = tpu.memref_squeeze %parallel_loop3A_1012 : memref<1x8x2048xf32, #tpu.memory_space<vmem>> -> memref<8x2048xf32, #tpu.memory_space<vmem>>
          %parallel_loop3A_1014 = arith.index_cast %parallel_loop3A_1009 : i32 to index
          %parallel_loop3A_1015 = arith.index_cast %parallel_loop3A_909 : i32 to index
          %parallel_loop3A_1016 = tpu.vector_load %parallel_loop3A_1013[%parallel_loop3A_1014, %parallel_loop3A_1015] {strides = array<i32>} : memref<8x2048xf32, #tpu.memory_space<vmem>>, vector<16xf32>,
          tpu.vector_store %parallel_loop3A_1013[%parallel_loop3A_1014, %parallel_loop3A_1015], %parallel_loop3A_1008 {strides = array<i32>} : memref<8x2048xf32, #tpu.memory_space<vmem>>, vector<16xf32>,
          %parallel_loop3A_1017 = arith.constant 7 : i32
          %parallel_loop3A_1018 = vector.broadcast %parallel_loop3A_1017 : i32 to vector<16xi32>
          %parallel_loop3A_1019 = arith.constant 0 : i32
          %parallel_loop3A_1020 = arith.constant 0 : i32
          %parallel_loop3A_1021 = tpu.memref_slice %run_scoped3A[%rem3A_199, %parallel_loop3A_1019, %parallel_loop3A_1020] : memref<2x8x2048xf32, #tpu.memory_space<vmem>> -> memref<1x8x2048xf32, #tpu.memory_space<vmem>>
          %parallel_loop3A_1022 = tpu.memref_squeeze %parallel_loop3A_1021 : memref<1x8x2048xf32, #tpu.memory_space<vmem>> -> memref<8x2048xf32, #tpu.memory_space<vmem>>
          %parallel_loop3A_1023 = tpu.vector_load_idx %parallel_loop3A_1022[%parallel_loop3A_1018, %parallel_loop3A_911] : memref<8x2048xf32, #tpu.memory_space<vmem>>[vector<16xi32>, vector<16xi32>], vector<16xf32>,
          %parallel_loop3A_1024 = arith.constant 7 : i32
          %parallel_loop3A_1025 = arith.constant 0 : i32
          %parallel_loop3A_1026 = arith.constant 0 : i32
          %parallel_loop3A_1027 = tpu.memref_slice %run_scoped3A_8[%rem3A_201, %parallel_loop3A_1025, %parallel_loop3A_1026] : memref<2x8x2048xf32, #tpu.memory_space<vmem>> -> memref<1x8x2048xf32, #tpu.memory_space<vmem>>
          %parallel_loop3A_1028 = tpu.memref_squeeze %parallel_loop3A_1027 : memref<1x8x2048xf32, #tpu.memory_space<vmem>> -> memref<8x2048xf32, #tpu.memory_space<vmem>>
          %parallel_loop3A_1029 = arith.index_cast %parallel_loop3A_1024 : i32 to index
          %parallel_loop3A_1030 = arith.index_cast %parallel_loop3A_909 : i32 to index
          %parallel_loop3A_1031 = tpu.vector_load %parallel_loop3A_1028[%parallel_loop3A_1029, %parallel_loop3A_1030] {strides = array<i32>} : memref<8x2048xf32, #tpu.memory_space<vmem>>, vector<16xf32>,
          tpu.vector_store %parallel_loop3A_1028[%parallel_loop3A_1029, %parallel_loop3A_1030], %parallel_loop3A_1023 {strides = array<i32>} : memref<8x2048xf32, #tpu.memory_space<vmem>>, vector<16xf32>,
          %parallel_loop3A_1032 = arith.constant 128 : i32
          %parallel_loop3A_1033 = arith.muli %parallel_loop3A_275, %parallel_loop3A_1032 : i32
          %parallel_loop3A_1034 = arith.constant 96 : i32
          %parallel_loop3A_1035 = arith.addi %parallel_loop3A_1033, %parallel_loop3A_1034 : i32
          %parallel_loop3A_1036 = arith.index_cast %parallel_loop3A_1035 : i32 to index
          %parallel_loop3A_1037 = tpu.vector_load %arg5[%parallel_loop3A_1036] {strides = array<i32>} : memref<2048xi32, #tpu.memory_space<vmem>>, vector<16xi32>,
          %parallel_loop3A_1038 = arith.constant 0 : i32
          %parallel_loop3A_1039 = vector.broadcast %parallel_loop3A_1038 : i32 to vector<16xi32>
          %parallel_loop3A_1040 = arith.constant 0 : i32
          %parallel_loop3A_1041 = arith.constant 0 : i32
          %parallel_loop3A_1042 = tpu.memref_slice %run_scoped3A[%rem3A_199, %parallel_loop3A_1040, %parallel_loop3A_1041] : memref<2x8x2048xf32, #tpu.memory_space<vmem>> -> memref<1x8x2048xf32, #tpu.memory_space<vmem>>
          %parallel_loop3A_1043 = tpu.memref_squeeze %parallel_loop3A_1042 : memref<1x8x2048xf32, #tpu.memory_space<vmem>> -> memref<8x2048xf32, #tpu.memory_space<vmem>>
          %parallel_loop3A_1044 = tpu.vector_load_idx %parallel_loop3A_1043[%parallel_loop3A_1039, %parallel_loop3A_1037] : memref<8x2048xf32, #tpu.memory_space<vmem>>[vector<16xi32>, vector<16xi32>], vector<16xf32>,
          %parallel_loop3A_1045 = arith.constant 0 : i32
          %parallel_loop3A_1046 = arith.constant 0 : i32
          %parallel_loop3A_1047 = arith.constant 0 : i32
          %parallel_loop3A_1048 = tpu.memref_slice %run_scoped3A_8[%rem3A_201, %parallel_loop3A_1046, %parallel_loop3A_1047] : memref<2x8x2048xf32, #tpu.memory_space<vmem>> -> memref<1x8x2048xf32, #tpu.memory_space<vmem>>
          %parallel_loop3A_1049 = tpu.memref_squeeze %parallel_loop3A_1048 : memref<1x8x2048xf32, #tpu.memory_space<vmem>> -> memref<8x2048xf32, #tpu.memory_space<vmem>>
          %parallel_loop3A_1050 = arith.index_cast %parallel_loop3A_1045 : i32 to index
          %parallel_loop3A_1051 = arith.index_cast %parallel_loop3A_1035 : i32 to index
          %parallel_loop3A_1052 = tpu.vector_load %parallel_loop3A_1049[%parallel_loop3A_1050, %parallel_loop3A_1051] {strides = array<i32>} : memref<8x2048xf32, #tpu.memory_space<vmem>>, vector<16xf32>,
          tpu.vector_store %parallel_loop3A_1049[%parallel_loop3A_1050, %parallel_loop3A_1051], %parallel_loop3A_1044 {strides = array<i32>} : memref<8x2048xf32, #tpu.memory_space<vmem>>, vector<16xf32>,
          %parallel_loop3A_1053 = arith.constant 1 : i32
          %parallel_loop3A_1054 = vector.broadcast %parallel_loop3A_1053 : i32 to vector<16xi32>
          %parallel_loop3A_1055 = arith.constant 0 : i32
          %parallel_loop3A_1056 = arith.constant 0 : i32
          %parallel_loop3A_1057 = tpu.memref_slice %run_scoped3A[%rem3A_199, %parallel_loop3A_1055, %parallel_loop3A_1056] : memref<2x8x2048xf32, #tpu.memory_space<vmem>> -> memref<1x8x2048xf32, #tpu.memory_space<vmem>>
          %parallel_loop3A_1058 = tpu.memref_squeeze %parallel_loop3A_1057 : memref<1x8x2048xf32, #tpu.memory_space<vmem>> -> memref<8x2048xf32, #tpu.memory_space<vmem>>
          %parallel_loop3A_1059 = tpu.vector_load_idx %parallel_loop3A_1058[%parallel_loop3A_1054, %parallel_loop3A_1037] : memref<8x2048xf32, #tpu.memory_space<vmem>>[vector<16xi32>, vector<16xi32>], vector<16xf32>,
          %parallel_loop3A_1060 = arith.constant 1 : i32
          %parallel_loop3A_1061 = arith.constant 0 : i32
          %parallel_loop3A_1062 = arith.constant 0 : i32
          %parallel_loop3A_1063 = tpu.memref_slice %run_scoped3A_8[%rem3A_201, %parallel_loop3A_1061, %parallel_loop3A_1062] : memref<2x8x2048xf32, #tpu.memory_space<vmem>> -> memref<1x8x2048xf32, #tpu.memory_space<vmem>>
          %parallel_loop3A_1064 = tpu.memref_squeeze %parallel_loop3A_1063 : memref<1x8x2048xf32, #tpu.memory_space<vmem>> -> memref<8x2048xf32, #tpu.memory_space<vmem>>
          %parallel_loop3A_1065 = arith.index_cast %parallel_loop3A_1060 : i32 to index
          %parallel_loop3A_1066 = arith.index_cast %parallel_loop3A_1035 : i32 to index
          %parallel_loop3A_1067 = tpu.vector_load %parallel_loop3A_1064[%parallel_loop3A_1065, %parallel_loop3A_1066] {strides = array<i32>} : memref<8x2048xf32, #tpu.memory_space<vmem>>, vector<16xf32>,
          tpu.vector_store %parallel_loop3A_1064[%parallel_loop3A_1065, %parallel_loop3A_1066], %parallel_loop3A_1059 {strides = array<i32>} : memref<8x2048xf32, #tpu.memory_space<vmem>>, vector<16xf32>,
          %parallel_loop3A_1068 = arith.constant 2 : i32
          %parallel_loop3A_1069 = vector.broadcast %parallel_loop3A_1068 : i32 to vector<16xi32>
          %parallel_loop3A_1070 = arith.constant 0 : i32
          %parallel_loop3A_1071 = arith.constant 0 : i32
          %parallel_loop3A_1072 = tpu.memref_slice %run_scoped3A[%rem3A_199, %parallel_loop3A_1070, %parallel_loop3A_1071] : memref<2x8x2048xf32, #tpu.memory_space<vmem>> -> memref<1x8x2048xf32, #tpu.memory_space<vmem>>
          %parallel_loop3A_1073 = tpu.memref_squeeze %parallel_loop3A_1072 : memref<1x8x2048xf32, #tpu.memory_space<vmem>> -> memref<8x2048xf32, #tpu.memory_space<vmem>>
          %parallel_loop3A_1074 = tpu.vector_load_idx %parallel_loop3A_1073[%parallel_loop3A_1069, %parallel_loop3A_1037] : memref<8x2048xf32, #tpu.memory_space<vmem>>[vector<16xi32>, vector<16xi32>], vector<16xf32>,
          %parallel_loop3A_1075 = arith.constant 2 : i32
          %parallel_loop3A_1076 = arith.constant 0 : i32
          %parallel_loop3A_1077 = arith.constant 0 : i32
          %parallel_loop3A_1078 = tpu.memref_slice %run_scoped3A_8[%rem3A_201, %parallel_loop3A_1076, %parallel_loop3A_1077] : memref<2x8x2048xf32, #tpu.memory_space<vmem>> -> memref<1x8x2048xf32, #tpu.memory_space<vmem>>
          %parallel_loop3A_1079 = tpu.memref_squeeze %parallel_loop3A_1078 : memref<1x8x2048xf32, #tpu.memory_space<vmem>> -> memref<8x2048xf32, #tpu.memory_space<vmem>>
          %parallel_loop3A_1080 = arith.index_cast %parallel_loop3A_1075 : i32 to index
          %parallel_loop3A_1081 = arith.index_cast %parallel_loop3A_1035 : i32 to index
          %parallel_loop3A_1082 = tpu.vector_load %parallel_loop3A_1079[%parallel_loop3A_1080, %parallel_loop3A_1081] {strides = array<i32>} : memref<8x2048xf32, #tpu.memory_space<vmem>>, vector<16xf32>,
          tpu.vector_store %parallel_loop3A_1079[%parallel_loop3A_1080, %parallel_loop3A_1081], %parallel_loop3A_1074 {strides = array<i32>} : memref<8x2048xf32, #tpu.memory_space<vmem>>, vector<16xf32>,
          %parallel_loop3A_1083 = arith.constant 3 : i32
          %parallel_loop3A_1084 = vector.broadcast %parallel_loop3A_1083 : i32 to vector<16xi32>
          %parallel_loop3A_1085 = arith.constant 0 : i32
          %parallel_loop3A_1086 = arith.constant 0 : i32
          %parallel_loop3A_1087 = tpu.memref_slice %run_scoped3A[%rem3A_199, %parallel_loop3A_1085, %parallel_loop3A_1086] : memref<2x8x2048xf32, #tpu.memory_space<vmem>> -> memref<1x8x2048xf32, #tpu.memory_space<vmem>>
          %parallel_loop3A_1088 = tpu.memref_squeeze %parallel_loop3A_1087 : memref<1x8x2048xf32, #tpu.memory_space<vmem>> -> memref<8x2048xf32, #tpu.memory_space<vmem>>
          %parallel_loop3A_1089 = tpu.vector_load_idx %parallel_loop3A_1088[%parallel_loop3A_1084, %parallel_loop3A_1037] : memref<8x2048xf32, #tpu.memory_space<vmem>>[vector<16xi32>, vector<16xi32>], vector<16xf32>,
          %parallel_loop3A_1090 = arith.constant 3 : i32
          %parallel_loop3A_1091 = arith.constant 0 : i32
          %parallel_loop3A_1092 = arith.constant 0 : i32
          %parallel_loop3A_1093 = tpu.memref_slice %run_scoped3A_8[%rem3A_201, %parallel_loop3A_1091, %parallel_loop3A_1092] : memref<2x8x2048xf32, #tpu.memory_space<vmem>> -> memref<1x8x2048xf32, #tpu.memory_space<vmem>>
          %parallel_loop3A_1094 = tpu.memref_squeeze %parallel_loop3A_1093 : memref<1x8x2048xf32, #tpu.memory_space<vmem>> -> memref<8x2048xf32, #tpu.memory_space<vmem>>
          %parallel_loop3A_1095 = arith.index_cast %parallel_loop3A_1090 : i32 to index
          %parallel_loop3A_1096 = arith.index_cast %parallel_loop3A_1035 : i32 to index
          %parallel_loop3A_1097 = tpu.vector_load %parallel_loop3A_1094[%parallel_loop3A_1095, %parallel_loop3A_1096] {strides = array<i32>} : memref<8x2048xf32, #tpu.memory_space<vmem>>, vector<16xf32>,
          tpu.vector_store %parallel_loop3A_1094[%parallel_loop3A_1095, %parallel_loop3A_1096], %parallel_loop3A_1089 {strides = array<i32>} : memref<8x2048xf32, #tpu.memory_space<vmem>>, vector<16xf32>,
          %parallel_loop3A_1098 = arith.constant 4 : i32
          %parallel_loop3A_1099 = vector.broadcast %parallel_loop3A_1098 : i32 to vector<16xi32>
          %parallel_loop3A_1100 = arith.constant 0 : i32
          %parallel_loop3A_1101 = arith.constant 0 : i32
          %parallel_loop3A_1102 = tpu.memref_slice %run_scoped3A[%rem3A_199, %parallel_loop3A_1100, %parallel_loop3A_1101] : memref<2x8x2048xf32, #tpu.memory_space<vmem>> -> memref<1x8x2048xf32, #tpu.memory_space<vmem>>
          %parallel_loop3A_1103 = tpu.memref_squeeze %parallel_loop3A_1102 : memref<1x8x2048xf32, #tpu.memory_space<vmem>> -> memref<8x2048xf32, #tpu.memory_space<vmem>>
          %parallel_loop3A_1104 = tpu.vector_load_idx %parallel_loop3A_1103[%parallel_loop3A_1099, %parallel_loop3A_1037] : memref<8x2048xf32, #tpu.memory_space<vmem>>[vector<16xi32>, vector<16xi32>], vector<16xf32>,
          %parallel_loop3A_1105 = arith.constant 4 : i32
          %parallel_loop3A_1106 = arith.constant 0 : i32
          %parallel_loop3A_1107 = arith.constant 0 : i32
          %parallel_loop3A_1108 = tpu.memref_slice %run_scoped3A_8[%rem3A_201, %parallel_loop3A_1106, %parallel_loop3A_1107] : memref<2x8x2048xf32, #tpu.memory_space<vmem>> -> memref<1x8x2048xf32, #tpu.memory_space<vmem>>
          %parallel_loop3A_1109 = tpu.memref_squeeze %parallel_loop3A_1108 : memref<1x8x2048xf32, #tpu.memory_space<vmem>> -> memref<8x2048xf32, #tpu.memory_space<vmem>>
          %parallel_loop3A_1110 = arith.index_cast %parallel_loop3A_1105 : i32 to index
          %parallel_loop3A_1111 = arith.index_cast %parallel_loop3A_1035 : i32 to index
          %parallel_loop3A_1112 = tpu.vector_load %parallel_loop3A_1109[%parallel_loop3A_1110, %parallel_loop3A_1111] {strides = array<i32>} : memref<8x2048xf32, #tpu.memory_space<vmem>>, vector<16xf32>,
          tpu.vector_store %parallel_loop3A_1109[%parallel_loop3A_1110, %parallel_loop3A_1111], %parallel_loop3A_1104 {strides = array<i32>} : memref<8x2048xf32, #tpu.memory_space<vmem>>, vector<16xf32>,
          %parallel_loop3A_1113 = arith.constant 5 : i32
          %parallel_loop3A_1114 = vector.broadcast %parallel_loop3A_1113 : i32 to vector<16xi32>
          %parallel_loop3A_1115 = arith.constant 0 : i32
          %parallel_loop3A_1116 = arith.constant 0 : i32
          %parallel_loop3A_1117 = tpu.memref_slice %run_scoped3A[%rem3A_199, %parallel_loop3A_1115, %parallel_loop3A_1116] : memref<2x8x2048xf32, #tpu.memory_space<vmem>> -> memref<1x8x2048xf32, #tpu.memory_space<vmem>>
          %parallel_loop3A_1118 = tpu.memref_squeeze %parallel_loop3A_1117 : memref<1x8x2048xf32, #tpu.memory_space<vmem>> -> memref<8x2048xf32, #tpu.memory_space<vmem>>
          %parallel_loop3A_1119 = tpu.vector_load_idx %parallel_loop3A_1118[%parallel_loop3A_1114, %parallel_loop3A_1037] : memref<8x2048xf32, #tpu.memory_space<vmem>>[vector<16xi32>, vector<16xi32>], vector<16xf32>,
          %parallel_loop3A_1120 = arith.constant 5 : i32
          %parallel_loop3A_1121 = arith.constant 0 : i32
          %parallel_loop3A_1122 = arith.constant 0 : i32
          %parallel_loop3A_1123 = tpu.memref_slice %run_scoped3A_8[%rem3A_201, %parallel_loop3A_1121, %parallel_loop3A_1122] : memref<2x8x2048xf32, #tpu.memory_space<vmem>> -> memref<1x8x2048xf32, #tpu.memory_space<vmem>>
          %parallel_loop3A_1124 = tpu.memref_squeeze %parallel_loop3A_1123 : memref<1x8x2048xf32, #tpu.memory_space<vmem>> -> memref<8x2048xf32, #tpu.memory_space<vmem>>
          %parallel_loop3A_1125 = arith.index_cast %parallel_loop3A_1120 : i32 to index
          %parallel_loop3A_1126 = arith.index_cast %parallel_loop3A_1035 : i32 to index
          %parallel_loop3A_1127 = tpu.vector_load %parallel_loop3A_1124[%parallel_loop3A_1125, %parallel_loop3A_1126] {strides = array<i32>} : memref<8x2048xf32, #tpu.memory_space<vmem>>, vector<16xf32>,
          tpu.vector_store %parallel_loop3A_1124[%parallel_loop3A_1125, %parallel_loop3A_1126], %parallel_loop3A_1119 {strides = array<i32>} : memref<8x2048xf32, #tpu.memory_space<vmem>>, vector<16xf32>,
          %parallel_loop3A_1128 = arith.constant 6 : i32
          %parallel_loop3A_1129 = vector.broadcast %parallel_loop3A_1128 : i32 to vector<16xi32>
          %parallel_loop3A_1130 = arith.constant 0 : i32
          %parallel_loop3A_1131 = arith.constant 0 : i32
          %parallel_loop3A_1132 = tpu.memref_slice %run_scoped3A[%rem3A_199, %parallel_loop3A_1130, %parallel_loop3A_1131] : memref<2x8x2048xf32, #tpu.memory_space<vmem>> -> memref<1x8x2048xf32, #tpu.memory_space<vmem>>
          %parallel_loop3A_1133 = tpu.memref_squeeze %parallel_loop3A_1132 : memref<1x8x2048xf32, #tpu.memory_space<vmem>> -> memref<8x2048xf32, #tpu.memory_space<vmem>>
          %parallel_loop3A_1134 = tpu.vector_load_idx %parallel_loop3A_1133[%parallel_loop3A_1129, %parallel_loop3A_1037] : memref<8x2048xf32, #tpu.memory_space<vmem>>[vector<16xi32>, vector<16xi32>], vector<16xf32>,
          %parallel_loop3A_1135 = arith.constant 6 : i32
          %parallel_loop3A_1136 = arith.constant 0 : i32
          %parallel_loop3A_1137 = arith.constant 0 : i32
          %parallel_loop3A_1138 = tpu.memref_slice %run_scoped3A_8[%rem3A_201, %parallel_loop3A_1136, %parallel_loop3A_1137] : memref<2x8x2048xf32, #tpu.memory_space<vmem>> -> memref<1x8x2048xf32, #tpu.memory_space<vmem>>
          %parallel_loop3A_1139 = tpu.memref_squeeze %parallel_loop3A_1138 : memref<1x8x2048xf32, #tpu.memory_space<vmem>> -> memref<8x2048xf32, #tpu.memory_space<vmem>>
          %parallel_loop3A_1140 = arith.index_cast %parallel_loop3A_1135 : i32 to index
          %parallel_loop3A_1141 = arith.index_cast %parallel_loop3A_1035 : i32 to index
          %parallel_loop3A_1142 = tpu.vector_load %parallel_loop3A_1139[%parallel_loop3A_1140, %parallel_loop3A_1141] {strides = array<i32>} : memref<8x2048xf32, #tpu.memory_space<vmem>>, vector<16xf32>,
          tpu.vector_store %parallel_loop3A_1139[%parallel_loop3A_1140, %parallel_loop3A_1141], %parallel_loop3A_1134 {strides = array<i32>} : memref<8x2048xf32, #tpu.memory_space<vmem>>, vector<16xf32>,
          %parallel_loop3A_1143 = arith.constant 7 : i32
          %parallel_loop3A_1144 = vector.broadcast %parallel_loop3A_1143 : i32 to vector<16xi32>
          %parallel_loop3A_1145 = arith.constant 0 : i32
          %parallel_loop3A_1146 = arith.constant 0 : i32
          %parallel_loop3A_1147 = tpu.memref_slice %run_scoped3A[%rem3A_199, %parallel_loop3A_1145, %parallel_loop3A_1146] : memref<2x8x2048xf32, #tpu.memory_space<vmem>> -> memref<1x8x2048xf32, #tpu.memory_space<vmem>>
          %parallel_loop3A_1148 = tpu.memref_squeeze %parallel_loop3A_1147 : memref<1x8x2048xf32, #tpu.memory_space<vmem>> -> memref<8x2048xf32, #tpu.memory_space<vmem>>
          %parallel_loop3A_1149 = tpu.vector_load_idx %parallel_loop3A_1148[%parallel_loop3A_1144, %parallel_loop3A_1037] : memref<8x2048xf32, #tpu.memory_space<vmem>>[vector<16xi32>, vector<16xi32>], vector<16xf32>,
          %parallel_loop3A_1150 = arith.constant 7 : i32
          %parallel_loop3A_1151 = arith.constant 0 : i32
          %parallel_loop3A_1152 = arith.constant 0 : i32
          %parallel_loop3A_1153 = tpu.memref_slice %run_scoped3A_8[%rem3A_201, %parallel_loop3A_1151, %parallel_loop3A_1152] : memref<2x8x2048xf32, #tpu.memory_space<vmem>> -> memref<1x8x2048xf32, #tpu.memory_space<vmem>>
          %parallel_loop3A_1154 = tpu.memref_squeeze %parallel_loop3A_1153 : memref<1x8x2048xf32, #tpu.memory_space<vmem>> -> memref<8x2048xf32, #tpu.memory_space<vmem>>
          %parallel_loop3A_1155 = arith.index_cast %parallel_loop3A_1150 : i32 to index
          %parallel_loop3A_1156 = arith.index_cast %parallel_loop3A_1035 : i32 to index
          %parallel_loop3A_1157 = tpu.vector_load %parallel_loop3A_1154[%parallel_loop3A_1155, %parallel_loop3A_1156] {strides = array<i32>} : memref<8x2048xf32, #tpu.memory_space<vmem>>, vector<16xf32>,
          tpu.vector_store %parallel_loop3A_1154[%parallel_loop3A_1155, %parallel_loop3A_1156], %parallel_loop3A_1149 {strides = array<i32>} : memref<8x2048xf32, #tpu.memory_space<vmem>>, vector<16xf32>,
          %parallel_loop3A_1158 = arith.constant 128 : i32
          %parallel_loop3A_1159 = arith.muli %parallel_loop3A_275, %parallel_loop3A_1158 : i32
          %parallel_loop3A_1160 = arith.constant 112 : i32
          %parallel_loop3A_1161 = arith.addi %parallel_loop3A_1159, %parallel_loop3A_1160 : i32
          %parallel_loop3A_1162 = arith.index_cast %parallel_loop3A_1161 : i32 to index
          %parallel_loop3A_1163 = tpu.vector_load %arg5[%parallel_loop3A_1162] {strides = array<i32>} : memref<2048xi32, #tpu.memory_space<vmem>>, vector<16xi32>,
          %parallel_loop3A_1164 = arith.constant 0 : i32
          %parallel_loop3A_1165 = vector.broadcast %parallel_loop3A_1164 : i32 to vector<16xi32>
          %parallel_loop3A_1166 = arith.constant 0 : i32
          %parallel_loop3A_1167 = arith.constant 0 : i32
          %parallel_loop3A_1168 = tpu.memref_slice %run_scoped3A[%rem3A_199, %parallel_loop3A_1166, %parallel_loop3A_1167] : memref<2x8x2048xf32, #tpu.memory_space<vmem>> -> memref<1x8x2048xf32, #tpu.memory_space<vmem>>
          %parallel_loop3A_1169 = tpu.memref_squeeze %parallel_loop3A_1168 : memref<1x8x2048xf32, #tpu.memory_space<vmem>> -> memref<8x2048xf32, #tpu.memory_space<vmem>>
          %parallel_loop3A_1170 = tpu.vector_load_idx %parallel_loop3A_1169[%parallel_loop3A_1165, %parallel_loop3A_1163] : memref<8x2048xf32, #tpu.memory_space<vmem>>[vector<16xi32>, vector<16xi32>], vector<16xf32>,
          %parallel_loop3A_1171 = arith.constant 0 : i32
          %parallel_loop3A_1172 = arith.constant 0 : i32
          %parallel_loop3A_1173 = arith.constant 0 : i32
          %parallel_loop3A_1174 = tpu.memref_slice %run_scoped3A_8[%rem3A_201, %parallel_loop3A_1172, %parallel_loop3A_1173] : memref<2x8x2048xf32, #tpu.memory_space<vmem>> -> memref<1x8x2048xf32, #tpu.memory_space<vmem>>
          %parallel_loop3A_1175 = tpu.memref_squeeze %parallel_loop3A_1174 : memref<1x8x2048xf32, #tpu.memory_space<vmem>> -> memref<8x2048xf32, #tpu.memory_space<vmem>>
          %parallel_loop3A_1176 = arith.index_cast %parallel_loop3A_1171 : i32 to index
          %parallel_loop3A_1177 = arith.index_cast %parallel_loop3A_1161 : i32 to index
          %parallel_loop3A_1178 = tpu.vector_load %parallel_loop3A_1175[%parallel_loop3A_1176, %parallel_loop3A_1177] {strides = array<i32>} : memref<8x2048xf32, #tpu.memory_space<vmem>>, vector<16xf32>,
          tpu.vector_store %parallel_loop3A_1175[%parallel_loop3A_1176, %parallel_loop3A_1177], %parallel_loop3A_1170 {strides = array<i32>} : memref<8x2048xf32, #tpu.memory_space<vmem>>, vector<16xf32>,
          %parallel_loop3A_1179 = arith.constant 1 : i32
          %parallel_loop3A_1180 = vector.broadcast %parallel_loop3A_1179 : i32 to vector<16xi32>
          %parallel_loop3A_1181 = arith.constant 0 : i32
          %parallel_loop3A_1182 = arith.constant 0 : i32
          %parallel_loop3A_1183 = tpu.memref_slice %run_scoped3A[%rem3A_199, %parallel_loop3A_1181, %parallel_loop3A_1182] : memref<2x8x2048xf32, #tpu.memory_space<vmem>> -> memref<1x8x2048xf32, #tpu.memory_space<vmem>>
          %parallel_loop3A_1184 = tpu.memref_squeeze %parallel_loop3A_1183 : memref<1x8x2048xf32, #tpu.memory_space<vmem>> -> memref<8x2048xf32, #tpu.memory_space<vmem>>
          %parallel_loop3A_1185 = tpu.vector_load_idx %parallel_loop3A_1184[%parallel_loop3A_1180, %parallel_loop3A_1163] : memref<8x2048xf32, #tpu.memory_space<vmem>>[vector<16xi32>, vector<16xi32>], vector<16xf32>,
          %parallel_loop3A_1186 = arith.constant 1 : i32
          %parallel_loop3A_1187 = arith.constant 0 : i32
          %parallel_loop3A_1188 = arith.constant 0 : i32
          %parallel_loop3A_1189 = tpu.memref_slice %run_scoped3A_8[%rem3A_201, %parallel_loop3A_1187, %parallel_loop3A_1188] : memref<2x8x2048xf32, #tpu.memory_space<vmem>> -> memref<1x8x2048xf32, #tpu.memory_space<vmem>>
          %parallel_loop3A_1190 = tpu.memref_squeeze %parallel_loop3A_1189 : memref<1x8x2048xf32, #tpu.memory_space<vmem>> -> memref<8x2048xf32, #tpu.memory_space<vmem>>
          %parallel_loop3A_1191 = arith.index_cast %parallel_loop3A_1186 : i32 to index
          %parallel_loop3A_1192 = arith.index_cast %parallel_loop3A_1161 : i32 to index
          %parallel_loop3A_1193 = tpu.vector_load %parallel_loop3A_1190[%parallel_loop3A_1191, %parallel_loop3A_1192] {strides = array<i32>} : memref<8x2048xf32, #tpu.memory_space<vmem>>, vector<16xf32>,
          tpu.vector_store %parallel_loop3A_1190[%parallel_loop3A_1191, %parallel_loop3A_1192], %parallel_loop3A_1185 {strides = array<i32>} : memref<8x2048xf32, #tpu.memory_space<vmem>>, vector<16xf32>,
          %parallel_loop3A_1194 = arith.constant 2 : i32
          %parallel_loop3A_1195 = vector.broadcast %parallel_loop3A_1194 : i32 to vector<16xi32>
          %parallel_loop3A_1196 = arith.constant 0 : i32
          %parallel_loop3A_1197 = arith.constant 0 : i32
          %parallel_loop3A_1198 = tpu.memref_slice %run_scoped3A[%rem3A_199, %parallel_loop3A_1196, %parallel_loop3A_1197] : memref<2x8x2048xf32, #tpu.memory_space<vmem>> -> memref<1x8x2048xf32, #tpu.memory_space<vmem>>
          %parallel_loop3A_1199 = tpu.memref_squeeze %parallel_loop3A_1198 : memref<1x8x2048xf32, #tpu.memory_space<vmem>> -> memref<8x2048xf32, #tpu.memory_space<vmem>>
          %parallel_loop3A_1200 = tpu.vector_load_idx %parallel_loop3A_1199[%parallel_loop3A_1195, %parallel_loop3A_1163] : memref<8x2048xf32, #tpu.memory_space<vmem>>[vector<16xi32>, vector<16xi32>], vector<16xf32>,
          %parallel_loop3A_1201 = arith.constant 2 : i32
          %parallel_loop3A_1202 = arith.constant 0 : i32
          %parallel_loop3A_1203 = arith.constant 0 : i32
          %parallel_loop3A_1204 = tpu.memref_slice %run_scoped3A_8[%rem3A_201, %parallel_loop3A_1202, %parallel_loop3A_1203] : memref<2x8x2048xf32, #tpu.memory_space<vmem>> -> memref<1x8x2048xf32, #tpu.memory_space<vmem>>
          %parallel_loop3A_1205 = tpu.memref_squeeze %parallel_loop3A_1204 : memref<1x8x2048xf32, #tpu.memory_space<vmem>> -> memref<8x2048xf32, #tpu.memory_space<vmem>>
          %parallel_loop3A_1206 = arith.index_cast %parallel_loop3A_1201 : i32 to index
          %parallel_loop3A_1207 = arith.index_cast %parallel_loop3A_1161 : i32 to index
          %parallel_loop3A_1208 = tpu.vector_load %parallel_loop3A_1205[%parallel_loop3A_1206, %parallel_loop3A_1207] {strides = array<i32>} : memref<8x2048xf32, #tpu.memory_space<vmem>>, vector<16xf32>,
          tpu.vector_store %parallel_loop3A_1205[%parallel_loop3A_1206, %parallel_loop3A_1207], %parallel_loop3A_1200 {strides = array<i32>} : memref<8x2048xf32, #tpu.memory_space<vmem>>, vector<16xf32>,
          %parallel_loop3A_1209 = arith.constant 3 : i32
          %parallel_loop3A_1210 = vector.broadcast %parallel_loop3A_1209 : i32 to vector<16xi32>
          %parallel_loop3A_1211 = arith.constant 0 : i32
          %parallel_loop3A_1212 = arith.constant 0 : i32
          %parallel_loop3A_1213 = tpu.memref_slice %run_scoped3A[%rem3A_199, %parallel_loop3A_1211, %parallel_loop3A_1212] : memref<2x8x2048xf32, #tpu.memory_space<vmem>> -> memref<1x8x2048xf32, #tpu.memory_space<vmem>>
          %parallel_loop3A_1214 = tpu.memref_squeeze %parallel_loop3A_1213 : memref<1x8x2048xf32, #tpu.memory_space<vmem>> -> memref<8x2048xf32, #tpu.memory_space<vmem>>
          %parallel_loop3A_1215 = tpu.vector_load_idx %parallel_loop3A_1214[%parallel_loop3A_1210, %parallel_loop3A_1163] : memref<8x2048xf32, #tpu.memory_space<vmem>>[vector<16xi32>, vector<16xi32>], vector<16xf32>,
          %parallel_loop3A_1216 = arith.constant 3 : i32
          %parallel_loop3A_1217 = arith.constant 0 : i32
          %parallel_loop3A_1218 = arith.constant 0 : i32
          %parallel_loop3A_1219 = tpu.memref_slice %run_scoped3A_8[%rem3A_201, %parallel_loop3A_1217, %parallel_loop3A_1218] : memref<2x8x2048xf32, #tpu.memory_space<vmem>> -> memref<1x8x2048xf32, #tpu.memory_space<vmem>>
          %parallel_loop3A_1220 = tpu.memref_squeeze %parallel_loop3A_1219 : memref<1x8x2048xf32, #tpu.memory_space<vmem>> -> memref<8x2048xf32, #tpu.memory_space<vmem>>
          %parallel_loop3A_1221 = arith.index_cast %parallel_loop3A_1216 : i32 to index
          %parallel_loop3A_1222 = arith.index_cast %parallel_loop3A_1161 : i32 to index
          %parallel_loop3A_1223 = tpu.vector_load %parallel_loop3A_1220[%parallel_loop3A_1221, %parallel_loop3A_1222] {strides = array<i32>} : memref<8x2048xf32, #tpu.memory_space<vmem>>, vector<16xf32>,
          tpu.vector_store %parallel_loop3A_1220[%parallel_loop3A_1221, %parallel_loop3A_1222], %parallel_loop3A_1215 {strides = array<i32>} : memref<8x2048xf32, #tpu.memory_space<vmem>>, vector<16xf32>,
          %parallel_loop3A_1224 = arith.constant 4 : i32
          %parallel_loop3A_1225 = vector.broadcast %parallel_loop3A_1224 : i32 to vector<16xi32>
          %parallel_loop3A_1226 = arith.constant 0 : i32
          %parallel_loop3A_1227 = arith.constant 0 : i32
          %parallel_loop3A_1228 = tpu.memref_slice %run_scoped3A[%rem3A_199, %parallel_loop3A_1226, %parallel_loop3A_1227] : memref<2x8x2048xf32, #tpu.memory_space<vmem>> -> memref<1x8x2048xf32, #tpu.memory_space<vmem>>
          %parallel_loop3A_1229 = tpu.memref_squeeze %parallel_loop3A_1228 : memref<1x8x2048xf32, #tpu.memory_space<vmem>> -> memref<8x2048xf32, #tpu.memory_space<vmem>>
          %parallel_loop3A_1230 = tpu.vector_load_idx %parallel_loop3A_1229[%parallel_loop3A_1225, %parallel_loop3A_1163] : memref<8x2048xf32, #tpu.memory_space<vmem>>[vector<16xi32>, vector<16xi32>], vector<16xf32>,
          %parallel_loop3A_1231 = arith.constant 4 : i32
          %parallel_loop3A_1232 = arith.constant 0 : i32
          %parallel_loop3A_1233 = arith.constant 0 : i32
          %parallel_loop3A_1234 = tpu.memref_slice %run_scoped3A_8[%rem3A_201, %parallel_loop3A_1232, %parallel_loop3A_1233] : memref<2x8x2048xf32, #tpu.memory_space<vmem>> -> memref<1x8x2048xf32, #tpu.memory_space<vmem>>
          %parallel_loop3A_1235 = tpu.memref_squeeze %parallel_loop3A_1234 : memref<1x8x2048xf32, #tpu.memory_space<vmem>> -> memref<8x2048xf32, #tpu.memory_space<vmem>>
          %parallel_loop3A_1236 = arith.index_cast %parallel_loop3A_1231 : i32 to index
          %parallel_loop3A_1237 = arith.index_cast %parallel_loop3A_1161 : i32 to index
          %parallel_loop3A_1238 = tpu.vector_load %parallel_loop3A_1235[%parallel_loop3A_1236, %parallel_loop3A_1237] {strides = array<i32>} : memref<8x2048xf32, #tpu.memory_space<vmem>>, vector<16xf32>,
          tpu.vector_store %parallel_loop3A_1235[%parallel_loop3A_1236, %parallel_loop3A_1237], %parallel_loop3A_1230 {strides = array<i32>} : memref<8x2048xf32, #tpu.memory_space<vmem>>, vector<16xf32>,
          %parallel_loop3A_1239 = arith.constant 5 : i32
          %parallel_loop3A_1240 = vector.broadcast %parallel_loop3A_1239 : i32 to vector<16xi32>
          %parallel_loop3A_1241 = arith.constant 0 : i32
          %parallel_loop3A_1242 = arith.constant 0 : i32
          %parallel_loop3A_1243 = tpu.memref_slice %run_scoped3A[%rem3A_199, %parallel_loop3A_1241, %parallel_loop3A_1242] : memref<2x8x2048xf32, #tpu.memory_space<vmem>> -> memref<1x8x2048xf32, #tpu.memory_space<vmem>>
          %parallel_loop3A_1244 = tpu.memref_squeeze %parallel_loop3A_1243 : memref<1x8x2048xf32, #tpu.memory_space<vmem>> -> memref<8x2048xf32, #tpu.memory_space<vmem>>
          %parallel_loop3A_1245 = tpu.vector_load_idx %parallel_loop3A_1244[%parallel_loop3A_1240, %parallel_loop3A_1163] : memref<8x2048xf32, #tpu.memory_space<vmem>>[vector<16xi32>, vector<16xi32>], vector<16xf32>,
          %parallel_loop3A_1246 = arith.constant 5 : i32
          %parallel_loop3A_1247 = arith.constant 0 : i32
          %parallel_loop3A_1248 = arith.constant 0 : i32
          %parallel_loop3A_1249 = tpu.memref_slice %run_scoped3A_8[%rem3A_201, %parallel_loop3A_1247, %parallel_loop3A_1248] : memref<2x8x2048xf32, #tpu.memory_space<vmem>> -> memref<1x8x2048xf32, #tpu.memory_space<vmem>>
          %parallel_loop3A_1250 = tpu.memref_squeeze %parallel_loop3A_1249 : memref<1x8x2048xf32, #tpu.memory_space<vmem>> -> memref<8x2048xf32, #tpu.memory_space<vmem>>
          %parallel_loop3A_1251 = arith.index_cast %parallel_loop3A_1246 : i32 to index
          %parallel_loop3A_1252 = arith.index_cast %parallel_loop3A_1161 : i32 to index
          %parallel_loop3A_1253 = tpu.vector_load %parallel_loop3A_1250[%parallel_loop3A_1251, %parallel_loop3A_1252] {strides = array<i32>} : memref<8x2048xf32, #tpu.memory_space<vmem>>, vector<16xf32>,
          tpu.vector_store %parallel_loop3A_1250[%parallel_loop3A_1251, %parallel_loop3A_1252], %parallel_loop3A_1245 {strides = array<i32>} : memref<8x2048xf32, #tpu.memory_space<vmem>>, vector<16xf32>,
          %parallel_loop3A_1254 = arith.constant 6 : i32
          %parallel_loop3A_1255 = vector.broadcast %parallel_loop3A_1254 : i32 to vector<16xi32>
          %parallel_loop3A_1256 = arith.constant 0 : i32
          %parallel_loop3A_1257 = arith.constant 0 : i32
          %parallel_loop3A_1258 = tpu.memref_slice %run_scoped3A[%rem3A_199, %parallel_loop3A_1256, %parallel_loop3A_1257] : memref<2x8x2048xf32, #tpu.memory_space<vmem>> -> memref<1x8x2048xf32, #tpu.memory_space<vmem>>
          %parallel_loop3A_1259 = tpu.memref_squeeze %parallel_loop3A_1258 : memref<1x8x2048xf32, #tpu.memory_space<vmem>> -> memref<8x2048xf32, #tpu.memory_space<vmem>>
          %parallel_loop3A_1260 = tpu.vector_load_idx %parallel_loop3A_1259[%parallel_loop3A_1255, %parallel_loop3A_1163] : memref<8x2048xf32, #tpu.memory_space<vmem>>[vector<16xi32>, vector<16xi32>], vector<16xf32>,
          %parallel_loop3A_1261 = arith.constant 6 : i32
          %parallel_loop3A_1262 = arith.constant 0 : i32
          %parallel_loop3A_1263 = arith.constant 0 : i32
          %parallel_loop3A_1264 = tpu.memref_slice %run_scoped3A_8[%rem3A_201, %parallel_loop3A_1262, %parallel_loop3A_1263] : memref<2x8x2048xf32, #tpu.memory_space<vmem>> -> memref<1x8x2048xf32, #tpu.memory_space<vmem>>
          %parallel_loop3A_1265 = tpu.memref_squeeze %parallel_loop3A_1264 : memref<1x8x2048xf32, #tpu.memory_space<vmem>> -> memref<8x2048xf32, #tpu.memory_space<vmem>>
          %parallel_loop3A_1266 = arith.index_cast %parallel_loop3A_1261 : i32 to index
          %parallel_loop3A_1267 = arith.index_cast %parallel_loop3A_1161 : i32 to index
          %parallel_loop3A_1268 = tpu.vector_load %parallel_loop3A_1265[%parallel_loop3A_1266, %parallel_loop3A_1267] {strides = array<i32>} : memref<8x2048xf32, #tpu.memory_space<vmem>>, vector<16xf32>,
          tpu.vector_store %parallel_loop3A_1265[%parallel_loop3A_1266, %parallel_loop3A_1267], %parallel_loop3A_1260 {strides = array<i32>} : memref<8x2048xf32, #tpu.memory_space<vmem>>, vector<16xf32>,
          %parallel_loop3A_1269 = arith.constant 7 : i32
          %parallel_loop3A_1270 = vector.broadcast %parallel_loop3A_1269 : i32 to vector<16xi32>
          %parallel_loop3A_1271 = arith.constant 0 : i32
          %parallel_loop3A_1272 = arith.constant 0 : i32
          %parallel_loop3A_1273 = tpu.memref_slice %run_scoped3A[%rem3A_199, %parallel_loop3A_1271, %parallel_loop3A_1272] : memref<2x8x2048xf32, #tpu.memory_space<vmem>> -> memref<1x8x2048xf32, #tpu.memory_space<vmem>>
          %parallel_loop3A_1274 = tpu.memref_squeeze %parallel_loop3A_1273 : memref<1x8x2048xf32, #tpu.memory_space<vmem>> -> memref<8x2048xf32, #tpu.memory_space<vmem>>
          %parallel_loop3A_1275 = tpu.vector_load_idx %parallel_loop3A_1274[%parallel_loop3A_1270, %parallel_loop3A_1163] : memref<8x2048xf32, #tpu.memory_space<vmem>>[vector<16xi32>, vector<16xi32>], vector<16xf32>,
          %parallel_loop3A_1276 = arith.constant 7 : i32
          %parallel_loop3A_1277 = arith.constant 0 : i32
          %parallel_loop3A_1278 = arith.constant 0 : i32
          %parallel_loop3A_1279 = tpu.memref_slice %run_scoped3A_8[%rem3A_201, %parallel_loop3A_1277, %parallel_loop3A_1278] : memref<2x8x2048xf32, #tpu.memory_space<vmem>> -> memref<1x8x2048xf32, #tpu.memory_space<vmem>>
          %parallel_loop3A_1280 = tpu.memref_squeeze %parallel_loop3A_1279 : memref<1x8x2048xf32, #tpu.memory_space<vmem>> -> memref<8x2048xf32, #tpu.memory_space<vmem>>
          %parallel_loop3A_1281 = arith.index_cast %parallel_loop3A_1276 : i32 to index
          %parallel_loop3A_1282 = arith.index_cast %parallel_loop3A_1161 : i32 to index
          %parallel_loop3A_1283 = tpu.vector_load %parallel_loop3A_1280[%parallel_loop3A_1281, %parallel_loop3A_1282] {strides = array<i32>} : memref<8x2048xf32, #tpu.memory_space<vmem>>, vector<16xf32>,
          tpu.vector_store %parallel_loop3A_1280[%parallel_loop3A_1281, %parallel_loop3A_1282], %parallel_loop3A_1275 {strides = array<i32>} : memref<8x2048xf32, #tpu.memory_space<vmem>>, vector<16xf32>,
        } {sc.loop_unroll_factor = 1 : i64, sc.parallel_access}
        "tpu.trace_stop"() : () -> ()
        %ne3A_204 = arith.cmpi ne, %add3A_131, %add3A_149 : i32
        %or3A_205 = arith.constant false
        %or3A_206 = arith.ori %or3A_205, %ne3A_204 : i1
        %or3A_207 = arith.constant false
        %or3A_208 = arith.ori %or3A_206, %or3A_207 : i1
        %or3A_209 = arith.ori %or3A_208, %eq3A_130 : i1
        %convert_element_type3A_210 = arith.extui %or3A_209 : i1 to i32
        %cond3A_211 = arith.constant 0 : i32
        %cond3A_212 = arith.cmpi ne, %convert_element_type3A_210, %cond3A_211 : i32
        scf.if %cond3A_212 {
        } else {
        }
        %and3A_213 = arith.constant false
        %and3A_214 = arith.andi %or3A_209, %and3A_213 : i1
        %ne3A_215 = arith.cmpi ne, %add3A_131, %add3A_149 : i32
        %or3A_216 = arith.constant false
        %or3A_217 = arith.ori %or3A_216, %ne3A_215 : i1
        %or3A_218 = arith.constant false
        %or3A_219 = arith.ori %or3A_217, %or3A_218 : i1
        %or3A_220 = arith.ori %or3A_219, %eq3A_130 : i1
        %convert_element_type3A_221 = arith.extui %or3A_220 : i1 to i32
        %cond3A_222 = arith.constant 0 : i32
        %cond3A_223 = arith.cmpi ne, %convert_element_type3A_221, %cond3A_222 : i32
        scf.if %cond3A_223 {
          "tpu.trace_start"() <{level = 10 : i32, message = "ep_copy_out"}> : () -> ()
          %rem3A_275 = arith.constant 2 : i32
          %rem3A_276 = arith.remui %scan3A_124, %rem3A_275 : i32
          %mul3A_277 = arith.constant 8 : i32
          %mul3A_278 = arith.muli %mul3A_277, %add3A_131 : i32
          %dma_start3A_279 = arith.constant 0 : i32
          %dma_start3A_280 = arith.constant 0 : i32
          %dma_start3A_281 = tpu.memref_slice %run_scoped3A_8[%rem3A_276, %dma_start3A_279, %dma_start3A_280] : memref<2x8x2048xf32, #tpu.memory_space<vmem>> -> memref<1x8x2048xf32, #tpu.memory_space<vmem>>
          %dma_start3A_282 = tpu.memref_squeeze %dma_start3A_281 : memref<1x8x2048xf32, #tpu.memory_space<vmem>> -> memref<8x2048xf32, #tpu.memory_space<vmem>>
          %dma_start3A_283 = arith.constant 0 : i32
          %dma_start3A_284 = tpu.memref_slice %arg4[%mul3A_278, %dma_start3A_283] : memref<16384x2048xf32, #tpu.memory_space<hbm>> -> memref<8x2048xf32, #tpu.memory_space<hbm>>
          %dma_start3A_285 = tpu.memref_slice %run_scoped3A_9[%rem3A_276] : memref<2x!tpu.dma_semaphore, #tpu.memory_space<semaphore_mem>> -> memref<1x!tpu.dma_semaphore, #tpu.memory_space<semaphore_mem>>
          %dma_start3A_286 = tpu.memref_squeeze %dma_start3A_285 : memref<1x!tpu.dma_semaphore, #tpu.memory_space<semaphore_mem>> -> memref<!tpu.dma_semaphore, #tpu.memory_space<semaphore_mem>>
          %dma_start3A_287 = arith.constant 0 : i32
          %dma_start3A_288 = tpu.memref_slice %arg4[%mul3A_278, %dma_start3A_287] : memref<16384x2048xf32, #tpu.memory_space<hbm>> -> memref<8x2048xf32, #tpu.memory_space<hbm>>
          %dma_start3A_289 = arith.constant 0 : i32
          %dma_start3A_290 = arith.constant 0 : i32
          %dma_start3A_291 = tpu.memref_slice %run_scoped3A_8[%rem3A_276, %dma_start3A_289, %dma_start3A_290] : memref<2x8x2048xf32, #tpu.memory_space<vmem>> -> memref<1x8x2048xf32, #tpu.memory_space<vmem>>
          %dma_start3A_292 = tpu.memref_squeeze %dma_start3A_291 : memref<1x8x2048xf32, #tpu.memory_space<vmem>> -> memref<8x2048xf32, #tpu.memory_space<vmem>>
          tpu.enqueue_dma source(%dma_start3A_292 : memref<8x2048xf32, #tpu.memory_space<vmem>>) target(%dma_start3A_288 : memref<8x2048xf32, #tpu.memory_space<hbm>>) target_semaphore(%dma_start3A_286 : memref<!tpu.dma_semaphore, #tpu.memory_space<semaphore_mem>>)
          "tpu.trace_stop"() : () -> ()
        } else {
        }
        %and3A_224 = arith.constant true
        %and3A_225 = arith.andi %or3A_220, %and3A_224 : i1
        %add3A_226 = arith.constant 1 : i32
        %add3A_227 = arith.addi %scan3A_124, %add3A_226 : i32
        %select_n3A_228 = arith.select %and3A_225, %add3A_227, %scan3A_124 : i32
        %ne3A_229 = arith.cmpi ne, %add3A_131, %add3A_140 : i32
        %or3A_230 = arith.constant false
        %or3A_231 = arith.ori %or3A_230, %ne3A_229 : i1
        %or3A_232 = arith.constant false
        %or3A_233 = arith.ori %or3A_231, %or3A_232 : i1
        %not3A_234 = arith.constant true
        %not3A_235 = arith.xori %eq3A_128, %not3A_234 : i1
        %and3A_236 = arith.andi %or3A_233, %not3A_235 : i1
        %convert_element_type3A_237 = arith.extui %and3A_236 : i1 to i32
        %cond3A_238 = arith.constant 0 : i32
        %cond3A_239 = arith.cmpi ne, %convert_element_type3A_237, %cond3A_238 : i32
        scf.if %cond3A_239 {
        } else {
        }
        %and3A_240 = arith.constant false
        %and3A_241 = arith.andi %and3A_236, %and3A_240 : i1
        %ne3A_242 = arith.cmpi ne, %add3A_131, %add3A_140 : i32
        %or3A_243 = arith.constant false
        %or3A_244 = arith.ori %or3A_243, %ne3A_242 : i1
        %or3A_245 = arith.constant false
        %or3A_246 = arith.ori %or3A_244, %or3A_245 : i1
        %not3A_247 = arith.constant true
        %not3A_248 = arith.xori %eq3A_128, %not3A_247 : i1
        %and3A_249 = arith.andi %or3A_246, %not3A_248 : i1
        %convert_element_type3A_250 = arith.extui %and3A_249 : i1 to i32
        %cond3A_251 = arith.constant 0 : i32
        %cond3A_252 = arith.cmpi ne, %convert_element_type3A_250, %cond3A_251 : i32
        scf.if %cond3A_252 {
          "tpu.trace_start"() <{level = 10 : i32, message = "ep_wait_out"}> : () -> ()
          %rem3A_275 = arith.constant 2 : i32
          %rem3A_276 = arith.remui %scan3A_125, %rem3A_275 : i32
          %mul3A_277 = arith.constant 8 : i32
          %mul3A_278 = arith.muli %mul3A_277, %add3A_140 : i32
          %dma_wait3A_279 = arith.constant 0 : i32
          %dma_wait3A_280 = arith.constant 0 : i32
          %dma_wait3A_281 = tpu.memref_slice %run_scoped3A_8[%rem3A_276, %dma_wait3A_279, %dma_wait3A_280] : memref<2x8x2048xf32, #tpu.memory_space<vmem>> -> memref<1x8x2048xf32, #tpu.memory_space<vmem>>
          %dma_wait3A_282 = tpu.memref_squeeze %dma_wait3A_281 : memref<1x8x2048xf32, #tpu.memory_space<vmem>> -> memref<8x2048xf32, #tpu.memory_space<vmem>>
          %dma_wait3A_283 = arith.constant 0 : i32
          %dma_wait3A_284 = tpu.memref_slice %arg4[%mul3A_278, %dma_wait3A_283] : memref<16384x2048xf32, #tpu.memory_space<hbm>> -> memref<8x2048xf32, #tpu.memory_space<hbm>>
          %dma_wait3A_285 = tpu.memref_slice %run_scoped3A_9[%rem3A_276] : memref<2x!tpu.dma_semaphore, #tpu.memory_space<semaphore_mem>> -> memref<1x!tpu.dma_semaphore, #tpu.memory_space<semaphore_mem>>
          %dma_wait3A_286 = tpu.memref_squeeze %dma_wait3A_285 : memref<1x!tpu.dma_semaphore, #tpu.memory_space<semaphore_mem>> -> memref<!tpu.dma_semaphore, #tpu.memory_space<semaphore_mem>>
          %dma_wait3A_287 = arith.constant 0 : i32
          %dma_wait3A_288 = tpu.memref_slice %arg4[%mul3A_278, %dma_wait3A_287] : memref<16384x2048xf32, #tpu.memory_space<hbm>> -> memref<8x2048xf32, #tpu.memory_space<hbm>>
          %dma_wait3A_289 = arith.constant 0 : i32
          %dma_wait3A_290 = arith.constant 0 : i32
          %dma_wait3A_291 = tpu.memref_slice %run_scoped3A_8[%rem3A_276, %dma_wait3A_289, %dma_wait3A_290] : memref<2x8x2048xf32, #tpu.memory_space<vmem>> -> memref<1x8x2048xf32, #tpu.memory_space<vmem>>
          %dma_wait3A_292 = tpu.memref_squeeze %dma_wait3A_291 : memref<1x8x2048xf32, #tpu.memory_space<vmem>> -> memref<8x2048xf32, #tpu.memory_space<vmem>>
          tpu.wait_dma2 semaphore(%dma_wait3A_286 : memref<!tpu.dma_semaphore, #tpu.memory_space<semaphore_mem>>) src(%dma_wait3A_292 : memref<8x2048xf32, #tpu.memory_space<vmem>>) dst(%dma_wait3A_288 : memref<8x2048xf32, #tpu.memory_space<hbm>>)
          "tpu.trace_stop"() : () -> ()
        } else {
        }
        %and3A_253 = arith.constant true
        %and3A_254 = arith.andi %and3A_249, %and3A_253 : i1
        %add3A_255 = arith.constant 1 : i32
        %add3A_256 = arith.addi %scan3A_125, %add3A_255 : i32
        %select_n3A_257 = arith.select %and3A_254, %add3A_256, %scan3A_125 : i32
        %ne3A_258 = arith.cmpi ne, %add3A_131, %add3A_149 : i32
        %or3A_259 = arith.constant false
        %or3A_260 = arith.ori %or3A_259, %ne3A_258 : i1
        %or3A_261 = arith.constant false
        %or3A_262 = arith.ori %or3A_260, %or3A_261 : i1
        %or3A_263 = arith.ori %or3A_262, %eq3A_130 : i1
        %add3A_264 = arith.constant 1 : i32
        %add3A_265 = arith.addi %scan3A_123, %add3A_264 : i32
        %select_n3A_266 = arith.select %or3A_263, %add3A_265, %scan3A_123 : i32
        %add3A_267 = arith.constant 1 : i32
        %add3A_268 = arith.addi %scan3A_126, %add3A_267 : i32
        %select_n3A_269 = arith.constant true
        %select_n3A_270 = arith.select %select_n3A_269, %add3A_268, %scan3A_126 : i32
        %eq3A_271 = arith.constant 64 : i32
        %eq3A_272 = arith.cmpi eq, %select_n3A_270, %eq3A_271 : i32
        %select_n3A_273 = arith.constant 0 : i32
        %select_n3A_274 = arith.select %eq3A_272, %select_n3A_273, %select_n3A_270 : i32
        scf.yield %select_n3A_169, %select_n3A_266, %select_n3A_228, %select_n3A_257, %select_n3A_274 : i32, i32, i32, i32, i32
      }
      %scan3A_68 = arith.constant 64 : i32
      %sub3A = arith.constant 1 : i32
      %sub3A_69 = arith.subi %scan3A_67#4, %sub3A : i32
      %select_n3A_70 = arith.constant true
      %select_n3A_71 = arith.select %select_n3A_70, %sub3A_69, %scan3A_67#4 : i32
      %eq3A_72 = arith.constant -1 : i32
      %eq3A_73 = arith.cmpi eq, %select_n3A_71, %eq3A_72 : i32
      %select_n3A_74 = arith.constant 63 : i32
      %select_n3A_75 = arith.select %eq3A_73, %select_n3A_74, %select_n3A_71 : i32
      %add3A_76 = arith.addi %select_n3A_75, %mul3A_6 : i32
      %sub3A_77 = arith.constant 1 : i32
      %sub3A_78 = arith.subi %select_n3A_75, %sub3A_77 : i32
      %select_n3A_79 = arith.constant true
      %select_n3A_80 = arith.select %select_n3A_79, %sub3A_78, %select_n3A_75 : i32
      %eq3A_81 = arith.constant -1 : i32
      %eq3A_82 = arith.cmpi eq, %select_n3A_80, %eq3A_81 : i32
      %select_n3A_83 = arith.constant 63 : i32
      %select_n3A_84 = arith.select %eq3A_82, %select_n3A_83, %select_n3A_80 : i32
      %add3A_85 = arith.addi %select_n3A_84, %mul3A_6 : i32
      %add3A_86 = arith.constant 1 : i32
      %add3A_87 = arith.addi %select_n3A_75, %add3A_86 : i32
      %select_n3A_88 = arith.constant true
      %select_n3A_89 = arith.select %select_n3A_88, %add3A_87, %select_n3A_75 : i32
      %eq3A_90 = arith.constant 64 : i32
      %eq3A_91 = arith.cmpi eq, %select_n3A_89, %eq3A_90 : i32
      %select_n3A_92 = arith.constant 0 : i32
      %select_n3A_93 = arith.select %eq3A_91, %select_n3A_92, %select_n3A_89 : i32
      %add3A_94 = arith.addi %select_n3A_93, %mul3A_6 : i32
      %add3A_95 = arith.constant 1 : i32
      %add3A_96 = arith.addi %select_n3A_93, %add3A_95 : i32
      %select_n3A_97 = arith.constant true
      %select_n3A_98 = arith.select %select_n3A_97, %add3A_96, %select_n3A_93 : i32
      %eq3A_99 = arith.constant 64 : i32
      %eq3A_100 = arith.cmpi eq, %select_n3A_98, %eq3A_99 : i32
      %select_n3A_101 = arith.constant 0 : i32
      %select_n3A_102 = arith.select %eq3A_100, %select_n3A_101, %select_n3A_98 : i32
      %add3A_103 = arith.addi %select_n3A_102, %mul3A_6 : i32
      "tpu.trace_start"() <{level = 10 : i32, message = "ep_finalize"}> : () -> ()
      %rem3A_104 = arith.constant 2 : i32
      %rem3A_105 = arith.remui %scan3A_67#3, %rem3A_104 : i32
      %mul3A_106 = arith.constant 8 : i32
      %mul3A_107 = arith.muli %mul3A_106, %add3A_76 : i32
      %dma_wait3A = arith.constant 0 : i32
      %dma_wait3A_108 = arith.constant 0 : i32
      %dma_wait3A_109 = tpu.memref_slice %run_scoped3A_8[%rem3A_105, %dma_wait3A, %dma_wait3A_108] : memref<2x8x2048xf32, #tpu.memory_space<vmem>> -> memref<1x8x2048xf32, #tpu.memory_space<vmem>>
      %dma_wait3A_110 = tpu.memref_squeeze %dma_wait3A_109 : memref<1x8x2048xf32, #tpu.memory_space<vmem>> -> memref<8x2048xf32, #tpu.memory_space<vmem>>
      %dma_wait3A_111 = arith.constant 0 : i32
      %dma_wait3A_112 = tpu.memref_slice %arg4[%mul3A_107, %dma_wait3A_111] : memref<16384x2048xf32, #tpu.memory_space<hbm>> -> memref<8x2048xf32, #tpu.memory_space<hbm>>
      %dma_wait3A_113 = tpu.memref_slice %run_scoped3A_9[%rem3A_105] : memref<2x!tpu.dma_semaphore, #tpu.memory_space<semaphore_mem>> -> memref<1x!tpu.dma_semaphore, #tpu.memory_space<semaphore_mem>>
      %dma_wait3A_114 = tpu.memref_squeeze %dma_wait3A_113 : memref<1x!tpu.dma_semaphore, #tpu.memory_space<semaphore_mem>> -> memref<!tpu.dma_semaphore, #tpu.memory_space<semaphore_mem>>
      %dma_wait3A_115 = arith.constant 0 : i32
      %dma_wait3A_116 = tpu.memref_slice %arg4[%mul3A_107, %dma_wait3A_115] : memref<16384x2048xf32, #tpu.memory_space<hbm>> -> memref<8x2048xf32, #tpu.memory_space<hbm>>
      %dma_wait3A_117 = arith.constant 0 : i32
      %dma_wait3A_118 = arith.constant 0 : i32
      %dma_wait3A_119 = tpu.memref_slice %run_scoped3A_8[%rem3A_105, %dma_wait3A_117, %dma_wait3A_118] : memref<2x8x2048xf32, #tpu.memory_space<vmem>> -> memref<1x8x2048xf32, #tpu.memory_space<vmem>>
      %dma_wait3A_120 = tpu.memref_squeeze %dma_wait3A_119 : memref<1x8x2048xf32, #tpu.memory_space<vmem>> -> memref<8x2048xf32, #tpu.memory_space<vmem>>
      tpu.wait_dma2 semaphore(%dma_wait3A_114 : memref<!tpu.dma_semaphore, #tpu.memory_space<semaphore_mem>>) src(%dma_wait3A_120 : memref<8x2048xf32, #tpu.memory_space<vmem>>) dst(%dma_wait3A_116 : memref<8x2048xf32, #tpu.memory_space<hbm>>)
      "tpu.trace_stop"() : () -> ()
      tpu.yield
    }) : () -> ()
    return
  }
}

</mosaic_0001>

<sc_bundles>
// kernel: _permute_rows.3.cloned.1.call-start
scs
__scs_entry_jumppad:
0x0: {  	(pc) =	sbr.rel $0x88, $3  }
0x1: {  	(tag) =	ssettag $0x0;
	lr =	simm.s32 $0x1  }
0x2: {  	[smem:$0x3F9F] =	sst lr;
	_ =	strace $0xD0000000  }
0x3: {  	_ = 	snop  }
0x4: {  	_ = 	snop  }
0x5: {  	_ = 	snop  }
0x6: {  	_ = 	snop  }
0x7: {  	_ = 	snop  }
__scs_overlays_trampoline_lowered:
0x8: {  	[smem:$0x3FAE] =	sst s0  }
0x9: {  	[smem:$0x3FAF] =	sst s1  }
0xa: {  	[smem:$0x3FB0] =	sst s2  }
0xb: {  	[smem:$0x3FB1] =	sst s3  }
0xc: {  	[smem:$0x3FB2] =	sst s4  }
0xd: {  	[smem:$0x3FB3] =	sst s5  }
0xe: {  	[smem:$0x3FB4] =	sst s6  }
0xf: {  	[smem:$0x3FB5] =	sst s7  }
0x10: {  	[smem:$0x3FB6] =	sst s8  }
0x11: {  	[smem:$0x3FB7] =	sst s9;
	s0 =	simm.s32 @!p0 $0x0  }
0x12: {  	s1 =	sld [smem:$0x3F9D];
	s0 =	simm.s32 @p0 $0x1  }
0x13: {  	[smem:$0x3FB8] =	sst s0;
	s0 =	simm.s32 @!p1 $0x0  }
0x14: {  	s2 =	sld [smem:$0x3F9C];
	s0 =	simm.s32 @p1 $0x1  }
0x15: {  	[smem:$0x3FB9] =	sst s0;
	s0 =	simm.s32 @!p2 $0x0  }
0x16: {  	s3 =	sld [smem:$0x3FDB];
	s0 =	simm.s32 @p2 $0x1  }
0x17: {  	s4 =	simm.s32 $0x1BF5;
	[smem:$0x3FBB] =	sst s0  }
0x18: {  	s0 =	sld [smem:$0x3F9E];
	_ =	swait.ge [sflag:s4], $0x0  }
0x19: {  	s7 =	sld [smem:$0x3F9F]  }
0x1a: {  	s8 =	sadd.s32 $0xFFFFE003, lr  }
0x1b: {  	s9 =	sadd.s32 $0xFFFFFEF7, lr;
	s5 =	simm.s32 $0xFFFFFFFF;
	p2 =	slt.u32 s8, $0xFFFFF086  }
0x1c: {  	p1 =	slt.u32 s9, $0xF7A;
	s5 =	simm.s32 @!p2 $0x0  }
0x1d: {  	s5 =	simm.s32 @p1 $0x1;
	p0 =	seq.s32 s7, s2  }
0x1e: {  	s7 =	smul.u32 @!p0 $0xF7A, s2;
	p2 =	seq.s32 @!p0 s5, $0x0  }
0x1f: {  	s9 =	smul.u32 $0xF7A, s1;
	s8 =	simm.s32 @!p0 $0x1BF5;
	p2 =	por !p2, p0  }
0x20: {  	[sflag:s8] =	ssyncset.s32 @!p0 $0xFFFFF086;
	s6 =	sadd.s32 @!p0 s3, s7;
	s7 =	simm.s32 @!p0 $0x108  }
0x21: {  	s3 =	sadd.s32 s3, s9;
	s6 =	sadd.s32 @!p0 $0x88, s6;
	s7 =	simm.s32 @p2 $0x1082  }
0x22: {  	[simem:s7], [sflag:s8] =	dma.local @!p0 [hbm:s6], $0xF7A  }
0x23: {  	s9 =	sor.u32 $0xD0000000, s2;
	s6 =	simm.s32 $0x108;
	_ =	swait.ge @!p0 [sflag:s8], $0x0  }
0x24: {  	s3 =	sadd.s32 $0x88, s3;
	s6 =	simm.s32 @!p1 $0x1082;
	[sflag:s4] =	ssyncset.s32 $0xFFFFF086  }
0x25: {  	[simem:s6], [sflag:s4] =	dma.local [hbm:s3], $0xF7A  }
0x26: {  	[smem:$0x3F9F] =	sst s1;
	(tag) =	ssettag s2;
	_ =	strace s9  }
0x27: {  	s1 =	sld [smem:$0x3FAF]  }
0x28: {  	s2 =	sld [smem:$0x3FB0]  }
0x29: {  	s4 =	sld [smem:$0x3FB2]  }
0x2a: {  	p0 =	seq.s32 s5, $0x0;
	s5 =	sld [smem:$0x3FB3]  }
0x2b: {  	s6 =	sld [smem:$0x3FB4]  }
0x2c: {  	s7 =	sld [smem:$0x3FB5]  }
0x2d: {  	s3 =	simm.s32 $0x108;
	s8 =	sld [smem:$0x3FB6]  }
0x2e: {  	s3 =	simm.s32 @!p0 $0x1082;
	s9 =	sld [smem:$0x3FB7]  }
0x2f: {  	lr =	sadd.s32 s0, s3;
	s0 =	sld [smem:$0x3FAE]  }
0x30: {  	s3 =	sld [smem:$0x3FB1]  }
0x31: {  	[smem:$0x3FBA] =	sst s10  }
0x32: {  	s10 =	sld [smem:$0x3FB8];
	_ =	sdelay $0x3  }
0x33: {  	p0 =	seq.s32 s10, $0x1;
	s10 =	sld [smem:$0x3FBA];
	_ =	sdelay $0x3  }
0x34: {  	[smem:$0x3FBA] =	sst s10  }
0x35: {  	s10 =	sld [smem:$0x3FB9];
	_ =	sdelay $0x3  }
0x36: {  	p1 =	seq.s32 s10, $0x1;
	s10 =	sld [smem:$0x3FBA];
	_ =	sdelay $0x3  }
0x37: {  	[smem:$0x3FBA] =	sst s10  }
0x38: {  	s10 =	sld [smem:$0x3FBB]  }
0x39: {  	_ = 	snop;
	(pc) =	sbr.ind lr, $3  }
0x3a: {  	_ = 	snop  }
0x3b: {  	_ = 	snop  }
0x3c: {  	p2 =	seq.s32 s10, $0x1;
	s10 =	sld [smem:$0x3FBA]  }
0x3d: {  	_ =	shalt  }
0x3e: {  	_ =	shalt  }
0x3f: {  	_ =	shalt  }
0x40: {  	_ =	shalt  }
0x41: {  	_ =	shalt  }
0x42: {  	_ =	shalt  }
0x43: {  	_ =	shalt  }
0x44: {  	_ =	shalt  }
0x45: {  	_ =	shalt  }
0x46: {  	_ =	shalt  }
0x47: {  	_ =	shalt  }
0x48: {  	_ =	shalt  }
0x49: {  	_ =	shalt  }
0x4a: {  	_ =	shalt  }
0x4b: {  	_ =	shalt  }
0x4c: {  	_ =	shalt  }
0x4d: {  	_ =	shalt  }
0x4e: {  	_ =	shalt  }
0x4f: {  	_ =	shalt  }
0x50: {  	_ =	shalt  }
0x51: {  	_ =	shalt  }
0x52: {  	_ =	shalt  }
0x53: {  	_ =	shalt  }
0x54: {  	_ =	shalt  }
0x55: {  	_ =	shalt  }
0x56: {  	_ =	shalt  }
0x57: {  	_ =	shalt  }
0x58: {  	_ =	shalt  }
0x59: {  	_ =	shalt  }
0x5a: {  	_ =	shalt  }
0x5b: {  	_ =	shalt  }
0x5c: {  	_ =	shalt  }
0x5d: {  	_ =	shalt  }
0x5e: {  	_ =	shalt  }
0x5f: {  	_ =	shalt  }
0x60: {  	_ =	shalt  }
0x61: {  	_ =	shalt  }
0x62: {  	_ =	shalt  }
0x63: {  	_ =	shalt  }
0x64: {  	_ =	shalt  }
0x65: {  	_ =	shalt  }
0x66: {  	_ =	shalt  }
0x67: {  	_ =	shalt  }
0x68: {  	_ =	shalt  }
0x69: {  	_ =	shalt  }
0x6a: {  	_ =	shalt  }
0x6b: {  	_ =	shalt  }
0x6c: {  	_ =	shalt  }
0x6d: {  	_ =	shalt  }
0x6e: {  	_ =	shalt  }
0x6f: {  	_ =	shalt  }
0x70: {  	_ =	shalt  }
0x71: {  	_ =	shalt  }
0x72: {  	_ =	shalt  }
0x73: {  	_ =	shalt  }
0x74: {  	_ =	shalt  }
0x75: {  	_ =	shalt  }
0x76: {  	_ =	shalt  }
0x77: {  	_ =	shalt  }
0x78: {  	_ =	shalt  }
0x79: {  	_ =	shalt  }
0x7a: {  	_ =	shalt  }
0x7b: {  	_ =	shalt  }
0x7c: {  	_ =	shalt  }
0x7d: {  	_ =	shalt  }
0x7e: {  	_ =	shalt  }
0x7f: {  	_ =	shalt  }
0x80: {  	_ =	shalt  }
0x81: {  	_ =	shalt  }
0x82: {  	_ =	shalt  }
0x83: {  	_ =	shalt  }
0x84: {  	_ =	shalt  }
0x85: {  	_ =	shalt  }
0x86: {  	_ =	shalt  }
0x87: {  	_ =	shalt  }
.Lfunc_end0:
.L_simem_size_0:
called_computation_lowered:
.L_overlay_start_0:
0x88: {  	s2 =	sld [smem:$0x3FD9]  }
0x89: {  	s3 =	sld [smem:$0x3FFE];
	_ =	sdelay $0x1  }
0x8a: {  	s1 =	srdreg.scid  }
0x8b: {  	s0 =	sand.u32 $0x1, s1  }
0x8c: {  	s18 =	sshll.u32 s0, $0xA;
	s2 =	sadd.s32 s3, s2  }
0x8d: {  	s2 =	sadd.s32 s2, s18  }
0x8e: {  	[smem:$0x3FC6] =	sst s2  }
0x8f: {  	_ = 	snop  }
0x90: {  	s2 =	sld [smem:$0x3FC9]  }
0x91: {  	s19 =	sld [smem:$0x3FC8]  }
0x92: {  	s4 =	sld [smem:$0x3FD0];
	(tm) =	ssettm $0x1  }
0x93: {  	s5 =	sld [smem:$0x3FFB];
	_ =	sdelay $0x3  }
0x94: {  	_ =	strace s5  }
0x95: {  	s5 =	sld [smem:$0x3FFC];
	_ =	sdelay $0x3  }
0x96: {  	_ =	strace s5  }
0x97: {  	s5 =	sld [smem:$0x3FFD];
	_ =	sdelay $0x3  }
0x98: {  	_ =	strace s5  }
0x99: {  	_ =	strace $0x8FFFFFFF  }
0x9a: {  	s20 =	sld [smem:$0x3FDB];
	_ =	sdelay $0x1  }
0x9b: {  	s6 =	simm.s32 $_scs_section_size  }
0x9c: {  	s7 =	simm.s32 $_size__tile_overlayer_lowered;
	s8 =	simm.s32 $_tile_overlayer_lowered  }
0x9d: {  	s23 =	simm.s32 $0x1BFF;
	s22 =	sshll.u32 s8, $0x1;
	s5 =	sadd.s32 s6, s20  }
0x9e: {  	s9 =	simm.s32 $0x0;
	s21 =	sshll.u32 s7, $0x1;
	s7 =	sadd.s32 s22, s5  }
0x9f: {  	[timem:s9], [sflag:s23] =	dma.local [hbm:s7], s21  }
0xa0: {  	_ =	swait.ge [sflag:s23], s21  }
0xa1: {  	s6 =	ssub.s32 $0x0, s21;
	[sflag:s23] =	ssyncset.done $0x0  }
0xa2: {  	[sflag:s23] =	ssyncadd.s32 s6;
	_ =	sdelay $0x1  }
0xa3: {  	s24 =	simm.s32 $0x1B8B  }
0xa4: {  	_ =	swait.ge [sflag:s24], $0x1  }
0xa5: {  	[sflag:s24] =	ssyncset.done $0x0  }
0xa6: {  	s25 =	simm.s32 $0x1B8E;
	[sflag:s24] =	ssyncadd.s32 $0xFFFFFFFF  }
0xa7: {  	s26 =	simm.s32 $execute0_lowered;
	[smem:$0x3FD2] =	sst s25  }
0xa8: {  	s6 =	sshll.u32 s26, $0x1;
	_ =	strace $0x80000046;
	[dreg:$0x1] =	wrdreg $0xFFFFFFFF  }
0xa9: {  	s28 =	simm.s32 $_size_execute0_lowered;
	s5 =	sadd.s32 s5, s6;
	[dreg:$0x0] =	wrdreg $0x0  }
0xaa: {  	s6 =	sshll.u32 s28, $0x1;
	[dreg:$0x2] =	wrdreg s5  }
0xab: {  	[dreg:$0x3] =	wrdreg s6  }
0xac: {  	[dreg:$0x4] =	wrdreg $0xC0  }
0xad: {  	_ =	task [dreg:s9], $0x5FFFF  }
0xae: {  	[dreg:$0x1] =	wrdreg $0xFFFFFFFF  }
0xaf: {  	[dreg:$0x0] =	wrdreg $0x60  }
0xb0: {  	[dreg:$0x2] =	wrdreg s2  }
0xb1: {  	[dreg:$0x3] =	wrdreg s19  }
0xb2: {  	[dreg:$0x4] =	wrdreg s4  }
0xb3: {  	[dreg:$0x5] =	wrdreg $0x9  }
0xb4: {  	_ =	task.clear_ibuf [dreg:s9], $0x6FFFF;
	_ =	strace $0x90000046  }
0xb5: {  	s29 =	simm.s32 $0x9;
	_ =	strace $0x8000004F  }
0xb6: {  	_ =	swait.ge [sflag:s29], $0x1  }
0xb7: {  	[sflag:s29] =	ssyncadd.s32 $0xFFFFFFFF  }
0xb8: {  	_ =	strace $0x9000004F  }
0xb9: {  	_ =	sfence  }
0xba: {  	s30 =	sld [smem:$0x0];
	_ =	sdelay $0x2  }
0xbb: {  	s31 =	sshll.u32 s1, $0xD;
	s1 =	sshrl.u32 s1, $0x2  }
0xbc: {  	s3 =	sand.u32 $0x4000, s31;
	s1 =	sadd.s32 s1, s30  }
0xbd: {  	s0 =	sor.u32 s3, s0;
	s1 =	sshll.u32 s1, $0x11  }
0xbe: {  	s0 =	sor.u32 s1, s0  }
0xbf: {  	s0 =	sadd.s32 $0x8F2B, s0  }
0xc0: {  	[sflag:s0] =	ssyncadd.remote.s32 $0x1  }
0xc1: {  	_ =	sfence.sel $0xFFFF  }
0xc2: {  	[dreg:$0x0] =	wrdreg $0xFFFFFFFF;
	(pc) =	sbr.abs _section_cstart, $3  }
0xc3: {  	[dreg:$0x1] =	wrdreg $0xFFFFFFFF  }
0xc4: {  	_ =	task.clear_ibuf [dreg:s9], $0x2FFFF;
	_ =	strace $0x9FFFFFFF  }
0xc5: {  	(tm) =	ssettm $0x7FFFFFFF  }
tec
execute0_lowered:
.L_overlay_start_1:
0x0: {  	(tag) =	ssettag $0x1  }
0x1: {  	s0 =	srdreg.scid  }
0x2: {  	s1 =	rddreg [dreg:$0x0];
	s0 =	sand.u32 $0x1, s0  }
0x3: {  	s5 =	stileid.u32;
	s30 =	ssub.s32 $0x2, s0;
	s0 =	sshll.u32 s0, $0x4  }
0x4: {  	s3 =	rddreg [dreg:$0x2];
	s2 =	simm.s32 $0x0;
	s0 =	sor.u32 s5, s0  }
0x5: {  	s4 =	sshrl.u32 s30, $0x1;
	s6 =	sshll.u32 s0, $0x6;
	s0 =	sshll.u32 s0, $0x11  }
0x6: {  	[smem:$0x7FF] =	sst s2;
	s2 =	ssub.s32 s30, s4;
	s0 =	sadd.s32 s1, s0  }
0x7: {  	_ =	strace $0x80000047;
	s31 =	smax.u32 s2, $0x1;
	[dreg:$0x4] =	wrdreg s0  }
0x8: {  	s11 =	simm.s32 $0x5;
	s12 =	simm.s32 $0x0;
	[dreg:$0x5] =	wrdreg s31  }
.LBB2_1:
0x9: {  	s0 =	rddreg [dreg:$0x1];
	s2 =	simm.s32 $0x0;
	s30 =	simm.s32 $0x1  }
0xa: {  	[tilespmem:s2], [sflag:$0x1] =	stream.linear.gather [hbm4b:s0+s2], $0x800, $0x38;
	[tilespmem:$0x10800] =	vst v63  }
0xb: {  	_ =	swait.ge [sflag:s30], $0x800  }
0xc: {  	[sflag:s30] =	ssyncset.done $0x0  }
0xd: {  	s4 =	simm.s32 $0x800;
	[sflag:s30] =	ssyncadd.s32 $0xFFFFF800  }
0xe: {  	s13 =	simm.s32 $0x0;
	s14 =	simm.s32 $0x0;
	_ =	strace $0x80000048  }
0xf: {  	s15 =	simm.s32 $0x0;
	s16 =	simm.s32 $0x0;
	s31 =	rddreg [dreg:$0x4]  }
0x10: {  	[tilespmem:s4], [sflag:$0x2] =	stream.linear.gather [hbm4b:s31+s2], $0x4000, $0x200038;
	[tilespmem:$0x10800] =	vst v63  }
0x11: {  	s17 =	simm.s32 $0x1;
	s18 =	simm.s32 $0x0;
	_ =	strace $0x90000048  }
.LBB2_2:
0x12: {  	s5 =	smov.u32 s13;
	s13 =	sadd.s32 $0x1, s13  }
0x13: {  	p0 =	seq.s32 s13, $0x40  }
0x14: {  	s13 =	simm.s32 @p0 $0x0  }
0x15: {  	p6 =	sne.s32 s18, $0x3F;
	p1 =	sne.s32 s5, s13  }
0x16: {  	p0 =	por !p6, !p1  }
0x17: {  	p0 =	por !p0, !p0  }
0x18: {  	s2 =	sadd.s32 @p0 s6, s13  }
0x19: {  	s0 =	sand.u32 @p0 $0x1, s17;
	_ =	strace @p0 $0x80000049;
	s2 =	sshll.u32 @p0 s2, $0xB  }
0x1a: {  	s7 =	simm.s32 @p0 $0x0;
	s4 =	sshll.u32 @p0 s0, $0xE;
	s2 =	sand.u32 @p0 $0x1FFFF800, s2  }
0x1b: {  	s0 =	sor.u32 @p0 $0x2, s0;
	s4 =	sor.u32 @p0 $0x800, s4;
	s2 =	sadd.s32 @p0 s1, s2  }
0x1c: {  	[tilespmem:s4], [sflag:s0] =	stream.linear.gather @p0 [hbm4b:s2+s7], $0x4000, $0x200038;
	[tilespmem:$0x10800] =	vst v63  }
0x1d: {  	s7 =	sand.u32 $0x1, s16;
	_ =	strace @p0 $0x90000049  }
0x1e: {  	s0 =	sor.u32 $0x2, s7;
	_ =	strace $0x8000004A  }
0x1f: {  	_ =	swait.ge [sflag:s0], $0x4000  }
0x20: {  	[sflag:s0] =	ssyncset.done $0x0  }
0x21: {  	[sflag:s0] =	ssyncadd.s32 $0xFFFFC000  }
0x22: {  	_ =	strace $0x9000004A  }
0x23: {  	s8 =	simm.s32 $0x0;
	_ =	strace $0x8000004B  }
0x24: {  	v0 =	vld [tilespmem:s8+$0x0];
	_ =	sdelay $0x4  }
0x25: {  	v1 =	vshll.u32 v0, $0x3  }
0x26: {  	v0 =	vand.u32 $0x7F, v0;
	v1 =	vand.u32 $0xFFFFFC00, v1  }
0x27: {  	v0 =	vor.u32 v0, v1;
	_ =	sdelay $0x1  }
0x28: {  	s26 =	sshll.u32 s16, $0xE  }
0x29: {  	s0 =	sand.u32 $0x4000, s26  }
0x2a: {  	s20 =	sor.u32 $0x800, s0  }
0x2b: {  	v1 =	vld.idx.msk [tilespmem:v0+s20+$0x0], $0xffff  }
0x2c: {  	v2 =	vor.u32 $0x80, v0  }
0x2d: {  	s19 =	sand.u32 $0x1, s15  }
0x2e: {  	s10 =	sshll.u32 s19, $0xE  }
0x2f: {  	s4 =	sor.u32 $0x8A00, s10  }
0x30: {  	[tilespmem:s4+$0xFFFFFE00] =	vst v1  }
0x31: {  	v1 =	vld.idx.msk [tilespmem:v2+s20+$0x0], $0xffff  }
0x32: {  	v2 =	vor.u32 $0x100, v0;
	_ =	sdelay $0x3  }
0x33: {  	[tilespmem:s4+$0xFFFFFE80] =	vst v1  }
0x34: {  	v1 =	vld.idx.msk [tilespmem:v2+s20+$0x0], $0xffff  }
0x35: {  	v2 =	vor.u32 $0x180, v0;
	_ =	sdelay $0x3  }
0x36: {  	[tilespmem:s4+$0xFFFFFF00] =	vst v1  }
0x37: {  	v1 =	vld.idx.msk [tilespmem:v2+s20+$0x0], $0xffff  }
0x38: {  	v2 =	vor.u32 $0x200, v0;
	_ =	sdelay $0x3  }
0x39: {  	[tilespmem:s4+$0xFFFFFF80] =	vst v1  }
0x3a: {  	v1 =	vld.idx.msk [tilespmem:v2+s20+$0x0], $0xffff  }
0x3b: {  	v2 =	vor.u32 $0x280, v0;
	_ =	sdelay $0x3  }
0x3c: {  	[tilespmem:s4+$0x0] =	vst v1  }
0x3d: {  	v1 =	vld.idx.msk [tilespmem:v2+s20+$0x0], $0xffff  }
0x3e: {  	v2 =	vor.u32 $0x300, v0;
	_ =	sdelay $0x3  }
0x3f: {  	[tilespmem:s4+$0x80] =	vst v1  }
0x40: {  	v1 =	vld.idx.msk [tilespmem:v2+s20+$0x0], $0xffff  }
0x41: {  	v0 =	vor.u32 $0x380, v0;
	_ =	sdelay $0x3  }
0x42: {  	[tilespmem:s4+$0x100] =	vst v1  }
0x43: {  	v0 =	vld.idx.msk [tilespmem:v0+s20+$0x0], $0xffff;
	_ =	sdelay $0x4  }
0x44: {  	[tilespmem:s4+$0x180] =	vst v0  }
0x45: {  	v0 =	vld [tilespmem:s8+$0x10];
	_ =	sdelay $0x2  }
0x46: {  	s9 =	simm.s32 $0x80  }
0x47: {  	v1 =	vld [tilespmem:s9+$0x0]  }
0x48: {  	v2 =	vshll.u32 v0, $0x3  }
0x49: {  	v0 =	vand.u32 $0x7F, v0;
	v2 =	vand.u32 $0xFFFFFC00, v2  }
0x4a: {  	v0 =	vor.u32 v0, v2;
	_ =	sdelay $0x1  }
0x4b: {  	v2 =	vshll.u32 v1, $0x3  }
0x4c: {  	v1 =	vand.u32 $0x7F, v1;
	v2 =	vand.u32 $0xFFFFFC00, v2  }
0x4d: {  	v1 =	vor.u32 v1, v2  }
0x4e: {  	v2 =	vld.idx.msk [tilespmem:v0+s20+$0x0], $0xffff  }
0x4f: {  	v3 =	vor.u32 $0x80, v0;
	_ =	sdelay $0x2  }
0x50: {  	v4 =	vld.idx.msk [tilespmem:v1+s20+$0x0], $0xffff  }
0x51: {  	v5 =	vor.u32 $0x80, v1;
	[tilespmem:s4+$0xFFFFFE10] =	vst v2  }
0x52: {  	v2 =	vld.idx.msk [tilespmem:v3+s20+$0x0], $0xffff  }
0x53: {  	v3 =	vor.u32 $0x100, v0  }
0x54: {  	s22 =	sadd.s32 $0x400, s4  }
0x55: {  	[tilespmem:s22+$0xFFFFFE00] =	vst v4  }
0x56: {  	v4 =	vld.idx.msk [tilespmem:v5+s20+$0x0], $0xffff  }
0x57: {  	v5 =	vor.u32 $0x100, v1;
	[tilespmem:s4+$0xFFFFFE90] =	vst v2  }
0x58: {  	v2 =	vld.idx.msk [tilespmem:v3+s20+$0x0], $0xffff  }
0x59: {  	v3 =	vor.u32 $0x180, v0;
	_ =	sdelay $0x1  }
0x5a: {  	[tilespmem:s22+$0xFFFFFE80] =	vst v4  }
0x5b: {  	v4 =	vld.idx.msk [tilespmem:v5+s20+$0x0], $0xffff  }
0x5c: {  	[tilespmem:s4+$0xFFFFFF10] =	vst v2;
	v2 =	vor.u32 $0x180, v1  }
0x5d: {  	v3 =	vld.idx.msk [tilespmem:v3+s20+$0x0], $0xffff  }
0x5e: {  	v5 =	vor.u32 $0x200, v0;
	_ =	sdelay $0x1  }
0x5f: {  	[tilespmem:s22+$0xFFFFFF00] =	vst v4  }
0x60: {  	v2 =	vld.idx.msk [tilespmem:v2+s20+$0x0], $0xffff  }
0x61: {  	[tilespmem:s4+$0xFFFFFF90] =	vst v3;
	v3 =	vor.u32 $0x200, v1  }
0x62: {  	v4 =	vld.idx.msk [tilespmem:v5+s20+$0x0], $0xffff  }
0x63: {  	v5 =	vor.u32 $0x280, v0;
	_ =	sdelay $0x1  }
0x64: {  	[tilespmem:s22+$0xFFFFFF80] =	vst v2  }
0x65: {  	v2 =	vld.idx.msk [tilespmem:v3+s20+$0x0], $0xffff  }
0x66: {  	v3 =	vor.u32 $0x280, v1;
	[tilespmem:s4+$0x10] =	vst v4  }
0x67: {  	v4 =	vld.idx.msk [tilespmem:v5+s20+$0x0], $0xffff  }
0x68: {  	v5 =	vor.u32 $0x300, v0;
	_ =	sdelay $0x1  }
0x69: {  	[tilespmem:s22+$0x0] =	vst v2  }
0x6a: {  	v2 =	vld.idx.msk [tilespmem:v3+s20+$0x0], $0xffff  }
0x6b: {  	v3 =	vor.u32 $0x300, v1;
	[tilespmem:s4+$0x90] =	vst v4  }
0x6c: {  	v4 =	vld.idx.msk [tilespmem:v5+s20+$0x0], $0xffff  }
0x6d: {  	v0 =	vor.u32 $0x380, v0;
	_ =	sdelay $0x1  }
0x6e: {  	[tilespmem:s22+$0x80] =	vst v2  }
0x6f: {  	v2 =	vld.idx.msk [tilespmem:v3+s20+$0x0], $0xffff  }
0x70: {  	v1 =	vor.u32 $0x380, v1;
	[tilespmem:s4+$0x110] =	vst v4  }
0x71: {  	v0 =	vld.idx.msk [tilespmem:v0+s20+$0x0], $0xffff;
	_ =	sdelay $0x2  }
0x72: {  	[tilespmem:s22+$0x100] =	vst v2  }
0x73: {  	v1 =	vld.idx.msk [tilespmem:v1+s20+$0x0], $0xffff  }
0x74: {  	[tilespmem:s4+$0x190] =	vst v0  }
0x75: {  	v0 =	vld [tilespmem:s8+$0x20];
	_ =	sdelay $0x2  }
0x76: {  	[tilespmem:s22+$0x180] =	vst v1  }
0x77: {  	v1 =	vld [tilespmem:s9+$0x10]  }
0x78: {  	v2 =	vshll.u32 v0, $0x3  }
0x79: {  	v0 =	vand.u32 $0x7F, v0;
	v2 =	vand.u32 $0xFFFFFC00, v2  }
0x7a: {  	s24 =	simm.s32 $0x100;
	v0 =	vor.u32 v0, v2  }
0x7b: {  	v2 =	vld [tilespmem:s24+$0x0]  }
0x7c: {  	v3 =	vshll.u32 v1, $0x3  }
0x7d: {  	v1 =	vand.u32 $0x7F, v1;
	v3 =	vand.u32 $0xFFFFFC00, v3  }
0x7e: {  	v1 =	vor.u32 v1, v3  }
0x7f: {  	v3 =	vld.idx.msk [tilespmem:v0+s20+$0x0], $0xffff  }
0x80: {  	v5 =	vor.u32 $0x80, v0;
	v4 =	vshll.u32 v2, $0x3  }
0x81: {  	v2 =	vand.u32 $0x7F, v2;
	v4 =	vand.u32 $0xFFFFFC00, v4  }
0x82: {  	v2 =	vor.u32 v2, v4  }
0x83: {  	v4 =	vld.idx.msk [tilespmem:v1+s20+$0x0], $0xffff  }
0x84: {  	[tilespmem:s4+$0xFFFFFE20] =	vst v3;
	v3 =	vor.u32 $0x80, v1  }
0x85: {  	v5 =	vld.idx.msk [tilespmem:v5+s20+$0x0], $0xffff  }
0x86: {  	v6 =	vor.u32 $0x100, v0  }
0x87: {  	v7 =	vld.idx.msk [tilespmem:v2+s20+$0x0], $0xffff  }
0x88: {  	v8 =	vor.u32 $0x80, v2;
	[tilespmem:s22+$0xFFFFFE10] =	vst v4  }
0x89: {  	v3 =	vld.idx.msk [tilespmem:v3+s20+$0x0], $0xffff  }
0x8a: {  	v4 =	vor.u32 $0x100, v1;
	[tilespmem:s4+$0xFFFFFEA0] =	vst v5  }
0x8b: {  	s21 =	sadd.s32 $0x400, s22;
	v5 =	vld.idx.msk [tilespmem:v6+s20+$0x0], $0xffff  }
0x8c: {  	[tilespmem:s21+$0xFFFFFE00] =	vst v7;
	v6 =	vor.u32 $0x180, v0  }
0x8d: {  	v7 =	vld.idx.msk [tilespmem:v8+s20+$0x0], $0xffff  }
0x8e: {  	v8 =	vor.u32 $0x100, v2;
	[tilespmem:s22+$0xFFFFFE90] =	vst v3  }
0x8f: {  	v3 =	vld.idx.msk [tilespmem:v4+s20+$0x0], $0xffff  }
0x90: {  	v4 =	vor.u32 $0x180, v1;
	[tilespmem:s4+$0xFFFFFF20] =	vst v5  }
0x91: {  	v5 =	vld.idx.msk [tilespmem:v6+s20+$0x0], $0xffff  }
0x92: {  	[tilespmem:s21+$0xFFFFFE80] =	vst v7;
	v6 =	vor.u32 $0x200, v0  }
0x93: {  	v7 =	vld.idx.msk [tilespmem:v8+s20+$0x0], $0xffff  }
0x94: {  	[tilespmem:s22+$0xFFFFFF10] =	vst v3;
	v3 =	vor.u32 $0x180, v2  }
0x95: {  	v4 =	vld.idx.msk [tilespmem:v4+s20+$0x0], $0xffff  }
0x96: {  	[tilespmem:s4+$0xFFFFFFA0] =	vst v5;
	v5 =	vor.u32 $0x200, v1  }
0x97: {  	v6 =	vld.idx.msk [tilespmem:v6+s20+$0x0], $0xffff  }
0x98: {  	[tilespmem:s21+$0xFFFFFF00] =	vst v7;
	v7 =	vor.u32 $0x280, v0  }
0x99: {  	v3 =	vld.idx.msk [tilespmem:v3+s20+$0x0], $0xffff  }
0x9a: {  	[tilespmem:s22+$0xFFFFFF90] =	vst v4;
	v4 =	vor.u32 $0x200, v2  }
0x9b: {  	v5 =	vld.idx.msk [tilespmem:v5+s20+$0x0], $0xffff  }
0x9c: {  	[tilespmem:s4+$0x20] =	vst v6;
	v6 =	vor.u32 $0x280, v1  }
0x9d: {  	v7 =	vld.idx.msk [tilespmem:v7+s20+$0x0], $0xffff  }
0x9e: {  	[tilespmem:s21+$0xFFFFFF80] =	vst v3;
	v3 =	vor.u32 $0x300, v0  }
0x9f: {  	v4 =	vld.idx.msk [tilespmem:v4+s20+$0x0], $0xffff  }
0xa0: {  	[tilespmem:s22+$0x10] =	vst v5;
	v5 =	vor.u32 $0x280, v2  }
0xa1: {  	v6 =	vld.idx.msk [tilespmem:v6+s20+$0x0], $0xffff  }
0xa2: {  	[tilespmem:s4+$0xA0] =	vst v7;
	v7 =	vor.u32 $0x300, v1  }
0xa3: {  	v3 =	vld.idx.msk [tilespmem:v3+s20+$0x0], $0xffff  }
0xa4: {  	v0 =	vor.u32 $0x380, v0;
	[tilespmem:s21+$0x0] =	vst v4  }
0xa5: {  	v4 =	vld.idx.msk [tilespmem:v5+s20+$0x0], $0xffff  }
0xa6: {  	v5 =	vor.u32 $0x300, v2;
	[tilespmem:s22+$0x90] =	vst v6  }
0xa7: {  	v6 =	vld.idx.msk [tilespmem:v7+s20+$0x0], $0xffff  }
0xa8: {  	v1 =	vor.u32 $0x380, v1;
	[tilespmem:s4+$0x120] =	vst v3  }
0xa9: {  	v0 =	vld.idx.msk [tilespmem:v0+s20+$0x0], $0xffff  }
0xaa: {  	[tilespmem:s21+$0x80] =	vst v4  }
0xab: {  	v3 =	vld.idx.msk [tilespmem:v5+s20+$0x0], $0xffff  }
0xac: {  	v2 =	vor.u32 $0x380, v2;
	[tilespmem:s22+$0x110] =	vst v6  }
0xad: {  	v1 =	vld.idx.msk [tilespmem:v1+s20+$0x0], $0xffff  }
0xae: {  	[tilespmem:s4+$0x1A0] =	vst v0  }
0xaf: {  	v0 =	vld [tilespmem:s8+$0x30]  }
0xb0: {  	[tilespmem:s21+$0x100] =	vst v3  }
0xb1: {  	v2 =	vld.idx.msk [tilespmem:v2+s20+$0x0], $0xffff  }
0xb2: {  	[tilespmem:s22+$0x190] =	vst v1  }
0xb3: {  	v1 =	vld [tilespmem:s9+$0x20]  }
0xb4: {  	v3 =	vshll.u32 v0, $0x3  }
0xb5: {  	v0 =	vand.u32 $0x7F, v0;
	v3 =	vand.u32 $0xFFFFFC00, v3  }
0xb6: {  	v0 =	vor.u32 v0, v3;
	[tilespmem:s21+$0x180] =	vst v2  }
0xb7: {  	v2 =	vld [tilespmem:s24+$0x10]  }
0xb8: {  	v3 =	vshll.u32 v1, $0x3  }
0xb9: {  	v1 =	vand.u32 $0x7F, v1;
	v3 =	vand.u32 $0xFFFFFC00, v3  }
0xba: {  	v1 =	vor.u32 v1, v3  }
0xbb: {  	s26 =	simm.s32 $0x180;
	v3 =	vld.idx.msk [tilespmem:v0+s20+$0x0], $0xffff  }
0xbc: {  	v4 =	vld [tilespmem:s26+$0x0];
	v5 =	vor.u32 $0x80, v0;
	v6 =	vshll.u32 v2, $0x3  }
0xbd: {  	v2 =	vand.u32 $0x7F, v2;
	v6 =	vand.u32 $0xFFFFFC00, v6  }
0xbe: {  	v2 =	vor.u32 v2, v6  }
0xbf: {  	v6 =	vld.idx.msk [tilespmem:v1+s20+$0x0], $0xffff  }
0xc0: {  	[tilespmem:s4+$0xFFFFFE30] =	vst v3;
	v3 =	vor.u32 $0x80, v1  }
0xc1: {  	v7 =	vshll.u32 v4, $0x3;
	v5 =	vld.idx.msk [tilespmem:v5+s20+$0x0], $0xffff  }
0xc2: {  	v4 =	vand.u32 $0x7F, v4;
	v7 =	vand.u32 $0xFFFFFC00, v7;
	v8 =	vor.u32 $0x100, v0  }
0xc3: {  	v4 =	vor.u32 v4, v7;
	v7 =	vld.idx.msk [tilespmem:v2+s20+$0x0], $0xffff  }
0xc4: {  	[tilespmem:s22+$0xFFFFFE20] =	vst v6;
	v6 =	vor.u32 $0x80, v2  }
0xc5: {  	v3 =	vld.idx.msk [tilespmem:v3+s20+$0x0], $0xffff  }
0xc6: {  	[tilespmem:s4+$0xFFFFFEB0] =	vst v5;
	v5 =	vor.u32 $0x100, v1  }
0xc7: {  	v8 =	vld.idx.msk [tilespmem:v8+s20+$0x0], $0xffff  }
0xc8: {  	v9 =	vld.idx.msk [tilespmem:v4+s20+$0x0], $0xffff;
	[tilespmem:s21+$0xFFFFFE10] =	vst v7;
	v7 =	vor.u32 $0x180, v0  }
0xc9: {  	v10 =	vor.u32 $0x80, v4;
	v6 =	vld.idx.msk [tilespmem:v6+s20+$0x0], $0xffff  }
0xca: {  	[tilespmem:s22+$0xFFFFFEA0] =	vst v3;
	v3 =	vor.u32 $0x100, v2  }
0xcb: {  	v5 =	vld.idx.msk [tilespmem:v5+s20+$0x0], $0xffff  }
0xcc: {  	s23 =	sadd.s32 $0x400, s21;
	[tilespmem:s4+$0xFFFFFF30] =	vst v8;
	v8 =	vor.u32 $0x180, v1  }
0xcd: {  	[tilespmem:s23+$0xFFFFFE00] =	vst v9;
	v7 =	vld.idx.msk [tilespmem:v7+s20+$0x0], $0xffff  }
0xce: {  	v9 =	vld.idx.msk [tilespmem:v10+s20+$0x0], $0xffff;
	[tilespmem:s21+$0xFFFFFE90] =	vst v6;
	v6 =	vor.u32 $0x200, v0  }
0xcf: {  	v10 =	vor.u32 $0x100, v4;
	v3 =	vld.idx.msk [tilespmem:v3+s20+$0x0], $0xffff  }
0xd0: {  	[tilespmem:s22+$0xFFFFFF20] =	vst v5;
	v5 =	vor.u32 $0x180, v2  }
0xd1: {  	v8 =	vld.idx.msk [tilespmem:v8+s20+$0x0], $0xffff  }
0xd2: {  	[tilespmem:s4+$0xFFFFFFB0] =	vst v7;
	v7 =	vor.u32 $0x200, v1  }
0xd3: {  	[tilespmem:s23+$0xFFFFFE80] =	vst v9;
	v6 =	vld.idx.msk [tilespmem:v6+s20+$0x0], $0xffff  }
0xd4: {  	v9 =	vld.idx.msk [tilespmem:v10+s20+$0x0], $0xffff;
	[tilespmem:s21+$0xFFFFFF10] =	vst v3;
	v3 =	vor.u32 $0x280, v0  }
0xd5: {  	v10 =	vor.u32 $0x180, v4;
	v5 =	vld.idx.msk [tilespmem:v5+s20+$0x0], $0xffff  }
0xd6: {  	[tilespmem:s22+$0xFFFFFFA0] =	vst v8;
	v8 =	vor.u32 $0x200, v2  }
0xd7: {  	v7 =	vld.idx.msk [tilespmem:v7+s20+$0x0], $0xffff  }
0xd8: {  	[tilespmem:s4+$0x30] =	vst v6;
	v6 =	vor.u32 $0x280, v1  }
0xd9: {  	[tilespmem:s23+$0xFFFFFF00] =	vst v9;
	v3 =	vld.idx.msk [tilespmem:v3+s20+$0x0], $0xffff  }
0xda: {  	v9 =	vld.idx.msk [tilespmem:v10+s20+$0x0], $0xffff;
	[tilespmem:s21+$0xFFFFFF90] =	vst v5;
	v5 =	vor.u32 $0x300, v0  }
0xdb: {  	v10 =	vor.u32 $0x200, v4;
	v8 =	vld.idx.msk [tilespmem:v8+s20+$0x0], $0xffff  }
0xdc: {  	[tilespmem:s22+$0x20] =	vst v7;
	v7 =	vor.u32 $0x280, v2  }
0xdd: {  	v6 =	vld.idx.msk [tilespmem:v6+s20+$0x0], $0xffff  }
0xde: {  	[tilespmem:s4+$0xB0] =	vst v3;
	v3 =	vor.u32 $0x300, v1  }
0xdf: {  	[tilespmem:s23+$0xFFFFFF80] =	vst v9;
	v5 =	vld.idx.msk [tilespmem:v5+s20+$0x0], $0xffff  }
0xe0: {  	v9 =	vld.idx.msk [tilespmem:v10+s20+$0x0], $0xffff;
	v0 =	vor.u32 $0x380, v0;
	[tilespmem:s21+$0x10] =	vst v8  }
0xe1: {  	v8 =	vor.u32 $0x280, v4;
	v7 =	vld.idx.msk [tilespmem:v7+s20+$0x0], $0xffff  }
0xe2: {  	[tilespmem:s22+$0xA0] =	vst v6;
	v6 =	vor.u32 $0x300, v2  }
0xe3: {  	v3 =	vld.idx.msk [tilespmem:v3+s20+$0x0], $0xffff  }
0xe4: {  	v1 =	vor.u32 $0x380, v1;
	[tilespmem:s4+$0x130] =	vst v5  }
0xe5: {  	[tilespmem:s23+$0x0] =	vst v9;
	v0 =	vld.idx.msk [tilespmem:v0+s20+$0x0], $0xffff  }
0xe6: {  	v5 =	vld.idx.msk [tilespmem:v8+s20+$0x0], $0xffff;
	[tilespmem:s21+$0x90] =	vst v7  }
0xe7: {  	v7 =	vor.u32 $0x300, v4;
	v6 =	vld.idx.msk [tilespmem:v6+s20+$0x0], $0xffff  }
0xe8: {  	v2 =	vor.u32 $0x380, v2;
	[tilespmem:s22+$0x120] =	vst v3  }
0xe9: {  	v1 =	vld.idx.msk [tilespmem:v1+s20+$0x0], $0xffff  }
0xea: {  	[tilespmem:s4+$0x1B0] =	vst v0  }
0xeb: {  	[tilespmem:s23+$0x80] =	vst v5;
	v0 =	vld [tilespmem:s8+$0x40]  }
0xec: {  	v3 =	vld.idx.msk [tilespmem:v7+s20+$0x0], $0xffff;
	[tilespmem:s21+$0x110] =	vst v6  }
0xed: {  	v4 =	vor.u32 $0x380, v4;
	v2 =	vld.idx.msk [tilespmem:v2+s20+$0x0], $0xffff  }
0xee: {  	[tilespmem:s22+$0x1A0] =	vst v1  }
0xef: {  	v1 =	vld [tilespmem:s9+$0x30]  }
0xf0: {  	v5 =	vshll.u32 v0, $0x3  }
0xf1: {  	v0 =	vand.u32 $0x7F, v0;
	[tilespmem:s23+$0x100] =	vst v3;
	v5 =	vand.u32 $0xFFFFFC00, v5  }
0xf2: {  	v3 =	vld.idx.msk [tilespmem:v4+s20+$0x0], $0xffff;
	v0 =	vor.u32 v0, v5;
	[tilespmem:s21+$0x190] =	vst v2  }
0xf3: {  	v2 =	vld [tilespmem:s24+$0x20]  }
0xf4: {  	v4 =	vshll.u32 v1, $0x3  }
0xf5: {  	v1 =	vand.u32 $0x7F, v1;
	v4 =	vand.u32 $0xFFFFFC00, v4  }
0xf6: {  	v1 =	vor.u32 v1, v4  }
0xf7: {  	[tilespmem:s23+$0x180] =	vst v3;
	v4 =	vld.idx.msk [tilespmem:v0+s20+$0x0], $0xffff  }
0xf8: {  	v3 =	vor.u32 $0x80, v0;
	v5 =	vld [tilespmem:s26+$0x10];
	v6 =	vshll.u32 v2, $0x3  }
0xf9: {  	v2 =	vand.u32 $0x7F, v2;
	v6 =	vand.u32 $0xFFFFFC00, v6  }
0xfa: {  	v2 =	vor.u32 v2, v6  }
0xfb: {  	s28 =	simm.s32 $0x200;
	v6 =	vld.idx.msk [tilespmem:v1+s20+$0x0], $0xffff  }
0xfc: {  	v7 =	vld [tilespmem:s28+$0x0];
	[tilespmem:s4+$0xFFFFFE40] =	vst v4;
	v4 =	vor.u32 $0x80, v1  }
0xfd: {  	v8 =	vshll.u32 v5, $0x3;
	v3 =	vld.idx.msk [tilespmem:v3+s20+$0x0], $0xffff  }
0xfe: {  	v9 =	vor.u32 $0x100, v0;
	v5 =	vand.u32 $0x7F, v5;
	v8 =	vand.u32 $0xFFFFFC00, v8  }
0xff: {  	v5 =	vor.u32 v5, v8;
	v8 =	vld.idx.msk [tilespmem:v2+s20+$0x0], $0xffff  }
0x100: {  	[tilespmem:s22+$0xFFFFFE30] =	vst v6;
	v6 =	vor.u32 $0x80, v2  }
0x101: {  	v10 =	vshll.u32 v7, $0x3;
	v4 =	vld.idx.msk [tilespmem:v4+s20+$0x0], $0xffff  }
0x102: {  	v7 =	vand.u32 $0x7F, v7;
	v10 =	vand.u32 $0xFFFFFC00, v10;
	[tilespmem:s4+$0xFFFFFEC0] =	vst v3;
	v3 =	vor.u32 $0x100, v1  }
0x103: {  	v7 =	vor.u32 v7, v10;
	v9 =	vld.idx.msk [tilespmem:v9+s20+$0x0], $0xffff  }
0x104: {  	v10 =	vld.idx.msk [tilespmem:v5+s20+$0x0], $0xffff;
	[tilespmem:s21+$0xFFFFFE20] =	vst v8;
	v8 =	vor.u32 $0x180, v0  }
0x105: {  	v11 =	vor.u32 $0x80, v5;
	v6 =	vld.idx.msk [tilespmem:v6+s20+$0x0], $0xffff  }
0x106: {  	[tilespmem:s22+$0xFFFFFEB0] =	vst v4;
	v4 =	vor.u32 $0x100, v2  }
0x107: {  	v3 =	vld.idx.msk [tilespmem:v3+s20+$0x0], $0xffff  }
0x108: {  	v12 =	vld.idx.msk [tilespmem:v7+s20+$0x0], $0xffff;
	[tilespmem:s4+$0xFFFFFF40] =	vst v9;
	v9 =	vor.u32 $0x180, v1  }
0x109: {  	v13 =	vor.u32 $0x80, v7;
	[tilespmem:s23+$0xFFFFFE10] =	vst v10;
	v8 =	vld.idx.msk [tilespmem:v8+s20+$0x0], $0xffff  }
0x10a: {  	v10 =	vld.idx.msk [tilespmem:v11+s20+$0x0], $0xffff;
	[tilespmem:s21+$0xFFFFFEA0] =	vst v6;
	v6 =	vor.u32 $0x200, v0  }
0x10b: {  	v11 =	vor.u32 $0x100, v5;
	v4 =	vld.idx.msk [tilespmem:v4+s20+$0x0], $0xffff  }
0x10c: {  	s25 =	sadd.s32 $0x400, s23;
	[tilespmem:s22+$0xFFFFFF30] =	vst v3;
	v3 =	vor.u32 $0x180, v2  }
0x10d: {  	[tilespmem:s25+$0xFFFFFE00] =	vst v12;
	v9 =	vld.idx.msk [tilespmem:v9+s20+$0x0], $0xffff  }
0x10e: {  	v12 =	vld.idx.msk [tilespmem:v13+s20+$0x0], $0xffff;
	[tilespmem:s4+$0xFFFFFFC0] =	vst v8;
	v8 =	vor.u32 $0x200, v1  }
0x10f: {  	v13 =	vor.u32 $0x100, v7;
	[tilespmem:s23+$0xFFFFFE90] =	vst v10;
	v6 =	vld.idx.msk [tilespmem:v6+s20+$0x0], $0xffff  }
0x110: {  	v10 =	vld.idx.msk [tilespmem:v11+s20+$0x0], $0xffff;
	[tilespmem:s21+$0xFFFFFF20] =	vst v4;
	v4 =	vor.u32 $0x280, v0  }
0x111: {  	v11 =	vor.u32 $0x180, v5;
	v3 =	vld.idx.msk [tilespmem:v3+s20+$0x0], $0xffff  }
0x112: {  	[tilespmem:s22+$0xFFFFFFB0] =	vst v9;
	v9 =	vor.u32 $0x200, v2  }
0x113: {  	[tilespmem:s25+$0xFFFFFE80] =	vst v12;
	v8 =	vld.idx.msk [tilespmem:v8+s20+$0x0], $0xffff  }
0x114: {  	v12 =	vld.idx.msk [tilespmem:v13+s20+$0x0], $0xffff;
	[tilespmem:s4+$0x40] =	vst v6;
	v6 =	vor.u32 $0x280, v1  }
0x115: {  	[tilespmem:s23+$0xFFFFFF10] =	vst v10;
	v10 =	vor.u32 $0x180, v7;
	v4 =	vld.idx.msk [tilespmem:v4+s20+$0x0], $0xffff  }
0x116: {  	v11 =	vld.idx.msk [tilespmem:v11+s20+$0x0], $0xffff;
	[tilespmem:s21+$0xFFFFFFA0] =	vst v3;
	v3 =	vor.u32 $0x300, v0  }
0x117: {  	v13 =	vor.u32 $0x200, v5;
	v9 =	vld.idx.msk [tilespmem:v9+s20+$0x0], $0xffff  }
0x118: {  	[tilespmem:s22+$0x30] =	vst v8;
	v8 =	vor.u32 $0x280, v2  }
0x119: {  	[tilespmem:s25+$0xFFFFFF00] =	vst v12;
	v6 =	vld.idx.msk [tilespmem:v6+s20+$0x0], $0xffff  }
0x11a: {  	v10 =	vld.idx.msk [tilespmem:v10+s20+$0x0], $0xffff;
	[tilespmem:s4+$0xC0] =	vst v4;
	v4 =	vor.u32 $0x300, v1  }
0x11b: {  	[tilespmem:s23+$0xFFFFFF90] =	vst v11;
	v11 =	vor.u32 $0x200, v7;
	v3 =	vld.idx.msk [tilespmem:v3+s20+$0x0], $0xffff  }
0x11c: {  	v0 =	vor.u32 $0x380, v0;
	v12 =	vld.idx.msk [tilespmem:v13+s20+$0x0], $0xffff;
	[tilespmem:s21+$0x20] =	vst v9  }
0x11d: {  	v9 =	vor.u32 $0x280, v5;
	v8 =	vld.idx.msk [tilespmem:v8+s20+$0x0], $0xffff  }
0x11e: {  	[tilespmem:s22+$0xB0] =	vst v6;
	v6 =	vor.u32 $0x300, v2  }
0x11f: {  	[tilespmem:s25+$0xFFFFFF80] =	vst v10;
	v4 =	vld.idx.msk [tilespmem:v4+s20+$0x0], $0xffff  }
0x120: {  	v1 =	vor.u32 $0x380, v1;
	v10 =	vld.idx.msk [tilespmem:v11+s20+$0x0], $0xffff;
	[tilespmem:s4+$0x140] =	vst v3  }
0x121: {  	[tilespmem:s23+$0x10] =	vst v12;
	v3 =	vor.u32 $0x280, v7;
	v0 =	vld.idx.msk [tilespmem:v0+s20+$0x0], $0xffff  }
0x122: {  	v9 =	vld.idx.msk [tilespmem:v9+s20+$0x0], $0xffff;
	[tilespmem:s21+$0xA0] =	vst v8  }
0x123: {  	v8 =	vor.u32 $0x300, v5;
	v6 =	vld.idx.msk [tilespmem:v6+s20+$0x0], $0xffff  }
0x124: {  	v2 =	vor.u32 $0x380, v2;
	[tilespmem:s22+$0x130] =	vst v4  }
0x125: {  	[tilespmem:s25+$0x0] =	vst v10;
	v1 =	vld.idx.msk [tilespmem:v1+s20+$0x0], $0xffff  }
0x126: {  	v3 =	vld.idx.msk [tilespmem:v3+s20+$0x0], $0xffff;
	[tilespmem:s4+$0x1C0] =	vst v0  }
0x127: {  	v4 =	vor.u32 $0x300, v7;
	[tilespmem:s23+$0x90] =	vst v9;
	v0 =	vld [tilespmem:s8+$0x50]  }
0x128: {  	v8 =	vld.idx.msk [tilespmem:v8+s20+$0x0], $0xffff;
	[tilespmem:s21+$0x120] =	vst v6  }
0x129: {  	v5 =	vor.u32 $0x380, v5;
	v2 =	vld.idx.msk [tilespmem:v2+s20+$0x0], $0xffff  }
0x12a: {  	[tilespmem:s22+$0x1B0] =	vst v1  }
0x12b: {  	[tilespmem:s25+$0x80] =	vst v3;
	v1 =	vld [tilespmem:s9+$0x40]  }
0x12c: {  	v4 =	vld.idx.msk [tilespmem:v4+s20+$0x0], $0xffff;
	v3 =	vshll.u32 v0, $0x3  }
0x12d: {  	v6 =	vor.u32 $0x380, v7;
	v0 =	vand.u32 $0x7F, v0;
	[tilespmem:s23+$0x110] =	vst v8;
	v3 =	vand.u32 $0xFFFFFC00, v3  }
0x12e: {  	v0 =	vor.u32 v0, v3;
	v3 =	vld.idx.msk [tilespmem:v5+s20+$0x0], $0xffff;
	[tilespmem:s21+$0x1A0] =	vst v2  }
0x12f: {  	v2 =	vld [tilespmem:s24+$0x30]  }
0x130: {  	v5 =	vshll.u32 v1, $0x3  }
0x131: {  	v1 =	vand.u32 $0x7F, v1;
	[tilespmem:s25+$0x100] =	vst v4;
	v5 =	vand.u32 $0xFFFFFC00, v5  }
0x132: {  	v4 =	vld.idx.msk [tilespmem:v6+s20+$0x0], $0xffff;
	v1 =	vor.u32 v1, v5  }
0x133: {  	v5 =	vld.idx.msk [tilespmem:v0+s20+$0x0], $0xffff;
	[tilespmem:s23+$0x190] =	vst v3  }
0x134: {  	v3 =	vor.u32 $0x80, v0;
	v6 =	vld [tilespmem:s26+$0x20];
	v7 =	vshll.u32 v2, $0x3  }
0x135: {  	v2 =	vand.u32 $0x7F, v2;
	v7 =	vand.u32 $0xFFFFFC00, v7  }
0x136: {  	v2 =	vor.u32 v2, v7  }
0x137: {  	[tilespmem:s25+$0x180] =	vst v4;
	v7 =	vld.idx.msk [tilespmem:v1+s20+$0x0], $0xffff  }
0x138: {  	v4 =	vor.u32 $0x80, v1;
	[tilespmem:s4+$0xFFFFFE50] =	vst v5;
	v5 =	vld [tilespmem:s28+$0x10]  }
0x139: {  	v3 =	vld.idx.msk [tilespmem:v3+s20+$0x0], $0xffff;
	v8 =	vshll.u32 v6, $0x3  }
0x13a: {  	v9 =	vor.u32 $0x100, v0;
	v6 =	vand.u32 $0x7F, v6;
	v8 =	vand.u32 $0xFFFFFC00, v8  }
0x13b: {  	s30 =	simm.s32 $0x280;
	v6 =	vor.u32 v6, v8;
	v8 =	vld.idx.msk [tilespmem:v2+s20+$0x0], $0xffff  }
0x13c: {  	v10 =	vld [tilespmem:s30+$0x0];
	[tilespmem:s22+$0xFFFFFE40] =	vst v7;
	v7 =	vor.u32 $0x80, v2  }
0x13d: {  	v4 =	vld.idx.msk [tilespmem:v4+s20+$0x0], $0xffff;
	v11 =	vshll.u32 v5, $0x3  }
0x13e: {  	[tilespmem:s4+$0xFFFFFED0] =	vst v3;
	v3 =	vand.u32 $0x7F, v5;
	v5 =	vand.u32 $0xFFFFFC00, v11;
	v11 =	vor.u32 $0x100, v1  }
0x13f: {  	v9 =	vld.idx.msk [tilespmem:v9+s20+$0x0], $0xffff;
	v3 =	vor.u32 v3, v5  }
0x140: {  	v5 =	vld.idx.msk [tilespmem:v6+s20+$0x0], $0xffff;
	[tilespmem:s21+$0xFFFFFE30] =	vst v8;
	v8 =	vor.u32 $0x180, v0  }
0x141: {  	v12 =	vshll.u32 v10, $0x3;
	v13 =	vor.u32 $0x80, v6;
	v7 =	vld.idx.msk [tilespmem:v7+s20+$0x0], $0xffff  }
0x142: {  	v10 =	vand.u32 $0x7F, v10;
	v12 =	vand.u32 $0xFFFFFC00, v12;
	[tilespmem:s22+$0xFFFFFEC0] =	vst v4;
	v4 =	vor.u32 $0x100, v2  }
0x143: {  	v10 =	vor.u32 v10, v12;
	v11 =	vld.idx.msk [tilespmem:v11+s20+$0x0], $0xffff  }
0x144: {  	v12 =	vld.idx.msk [tilespmem:v3+s20+$0x0], $0xffff;
	[tilespmem:s4+$0xFFFFFF50] =	vst v9;
	v9 =	vor.u32 $0x180, v1  }
0x145: {  	[tilespmem:s23+$0xFFFFFE20] =	vst v5;
	v5 =	vld.idx.msk [tilespmem:v8+s20+$0x0], $0xffff;
	v8 =	vor.u32 $0x80, v3  }
0x146: {  	v13 =	vld.idx.msk [tilespmem:v13+s20+$0x0], $0xffff;
	[tilespmem:s21+$0xFFFFFEB0] =	vst v7;
	v7 =	vor.u32 $0x200, v0  }
0x147: {  	v14 =	vor.u32 $0x100, v6;
	v4 =	vld.idx.msk [tilespmem:v4+s20+$0x0], $0xffff  }
0x148: {  	v15 =	vld.idx.msk [tilespmem:v10+s20+$0x0], $0xffff;
	[tilespmem:s22+$0xFFFFFF40] =	vst v11;
	v11 =	vor.u32 $0x180, v2  }
0x149: {  	v16 =	vor.u32 $0x80, v10;
	[tilespmem:s25+$0xFFFFFE10] =	vst v12;
	v9 =	vld.idx.msk [tilespmem:v9+s20+$0x0], $0xffff  }
0x14a: {  	v8 =	vld.idx.msk [tilespmem:v8+s20+$0x0], $0xffff;
	[tilespmem:s4+$0xFFFFFFD0] =	vst v5;
	v5 =	vor.u32 $0x200, v1  }
0x14b: {  	v12 =	vor.u32 $0x100, v3;
	[tilespmem:s23+$0xFFFFFEA0] =	vst v13;
	v7 =	vld.idx.msk [tilespmem:v7+s20+$0x0], $0xffff  }
0x14c: {  	s29 =	sadd.s32 $0x400, s25;
	v13 =	vld.idx.msk [tilespmem:v14+s20+$0x0], $0xffff;
	[tilespmem:s21+$0xFFFFFF30] =	vst v4;
	v4 =	vor.u32 $0x280, v0  }
0x14d: {  	[tilespmem:s29+$0xFFFFFE00] =	vst v15;
	v14 =	vor.u32 $0x180, v6;
	v11 =	vld.idx.msk [tilespmem:v11+s20+$0x0], $0xffff  }
0x14e: {  	v15 =	vld.idx.msk [tilespmem:v16+s20+$0x0], $0xffff;
	[tilespmem:s22+$0xFFFFFFC0] =	vst v9;
	v9 =	vor.u32 $0x200, v2  }
0x14f: {  	v16 =	vor.u32 $0x100, v10;
	[tilespmem:s25+$0xFFFFFE90] =	vst v8;
	v5 =	vld.idx.msk [tilespmem:v5+s20+$0x0], $0xffff  }
0x150: {  	v8 =	vld.idx.msk [tilespmem:v12+s20+$0x0], $0xffff;
	[tilespmem:s4+$0x50] =	vst v7;
	v7 =	vor.u32 $0x280, v1  }
0x151: {  	v12 =	vor.u32 $0x180, v3;
	[tilespmem:s23+$0xFFFFFF20] =	vst v13;
	v4 =	vld.idx.msk [tilespmem:v4+s20+$0x0], $0xffff  }
0x152: {  	v13 =	vld.idx.msk [tilespmem:v14+s20+$0x0], $0xffff;
	[tilespmem:s21+$0xFFFFFFB0] =	vst v11;
	v11 =	vor.u32 $0x300, v0  }
0x153: {  	[tilespmem:s29+$0xFFFFFE80] =	vst v15;
	v14 =	vor.u32 $0x200, v6;
	v9 =	vld.idx.msk [tilespmem:v9+s20+$0x0], $0xffff  }
0x154: {  	v15 =	vld.idx.msk [tilespmem:v16+s20+$0x0], $0xffff;
	[tilespmem:s22+$0x40] =	vst v5;
	v5 =	vor.u32 $0x280, v2  }
0x155: {  	[tilespmem:s25+$0xFFFFFF10] =	vst v8;
	v7 =	vld.idx.msk [tilespmem:v7+s20+$0x0], $0xffff;
	v8 =	vor.u32 $0x180, v10  }
0x156: {  	v12 =	vld.idx.msk [tilespmem:v12+s20+$0x0], $0xffff;
	[tilespmem:s4+$0xD0] =	vst v4;
	v4 =	vor.u32 $0x300, v1  }
0x157: {  	[tilespmem:s23+$0xFFFFFFA0] =	vst v13;
	v11 =	vld.idx.msk [tilespmem:v11+s20+$0x0], $0xffff;
	v13 =	vor.u32 $0x200, v3  }
0x158: {  	v0 =	vor.u32 $0x380, v0;
	v14 =	vld.idx.msk [tilespmem:v14+s20+$0x0], $0xffff;
	[tilespmem:s21+$0x30] =	vst v9  }
0x159: {  	[tilespmem:s29+$0xFFFFFF00] =	vst v15;
	v9 =	vor.u32 $0x280, v6;
	v5 =	vld.idx.msk [tilespmem:v5+s20+$0x0], $0xffff  }
0x15a: {  	v8 =	vld.idx.msk [tilespmem:v8+s20+$0x0], $0xffff;
	[tilespmem:s22+$0xC0] =	vst v7;
	v7 =	vor.u32 $0x300, v2  }
0x15b: {  	[tilespmem:s25+$0xFFFFFF90] =	vst v12;
	v4 =	vld.idx.msk [tilespmem:v4+s20+$0x0], $0xffff;
	v12 =	vor.u32 $0x200, v10  }
0x15c: {  	v1 =	vor.u32 $0x380, v1;
	v13 =	vld.idx.msk [tilespmem:v13+s20+$0x0], $0xffff;
	[tilespmem:s4+$0x150] =	vst v11  }
0x15d: {  	v11 =	vor.u32 $0x280, v3;
	[tilespmem:s23+$0x20] =	vst v14;
	v0 =	vld.idx.msk [tilespmem:v0+s20+$0x0], $0xffff  }
0x15e: {  	v9 =	vld.idx.msk [tilespmem:v9+s20+$0x0], $0xffff;
	[tilespmem:s21+$0xB0] =	vst v5  }
0x15f: {  	v5 =	vor.u32 $0x300, v6;
	[tilespmem:s29+$0xFFFFFF80] =	vst v8;
	v7 =	vld.idx.msk [tilespmem:v7+s20+$0x0], $0xffff  }
0x160: {  	v2 =	vor.u32 $0x380, v2;
	v8 =	vld.idx.msk [tilespmem:v12+s20+$0x0], $0xffff;
	[tilespmem:s22+$0x140] =	vst v4  }
0x161: {  	[tilespmem:s25+$0x10] =	vst v13;
	v1 =	vld.idx.msk [tilespmem:v1+s20+$0x0], $0xffff  }
0x162: {  	v4 =	vor.u32 $0x280, v10;
	v11 =	vld.idx.msk [tilespmem:v11+s20+$0x0], $0xffff;
	[tilespmem:s4+$0x1D0] =	vst v0  }
0x163: {  	[tilespmem:s23+$0xA0] =	vst v9;
	v0 =	vld [tilespmem:s8+$0x60]  }
0x164: {  	v9 =	vor.u32 $0x300, v3;
	v5 =	vld.idx.msk [tilespmem:v5+s20+$0x0], $0xffff;
	[tilespmem:s21+$0x130] =	vst v7  }
0x165: {  	s0 =	simm.s32 $0x300;
	v6 =	vor.u32 $0x380, v6;
	v2 =	vld.idx.msk [tilespmem:v2+s20+$0x0], $0xffff  }
0x166: {  	v7 =	vld [tilespmem:s0+$0x0];
	[tilespmem:s29+$0x0] =	vst v8  }
0x167: {  	v4 =	vld.idx.msk [tilespmem:v4+s20+$0x0], $0xffff;
	[tilespmem:s22+$0x1C0] =	vst v1  }
0x168: {  	v8 =	vor.u32 $0x300, v10;
	[tilespmem:s25+$0x90] =	vst v11;
	v1 =	vld [tilespmem:s9+$0x50]  }
0x169: {  	v11 =	vshll.u32 v0, $0x3;
	v9 =	vld.idx.msk [tilespmem:v9+s20+$0x0], $0xffff;
	[tilespmem:s23+$0x120] =	vst v5  }
0x16a: {  	v0 =	vand.u32 $0x7F, v0;
	v5 =	vand.u32 $0xFFFFFC00, v11;
	v11 =	vor.u32 $0x380, v3;
	v12 =	vld.idx.msk [tilespmem:v6+s20+$0x0], $0xffff;
	[tilespmem:s21+$0x1B0] =	vst v2  }
0x16b: {  	v6 =	vor.u32 v0, v5;
	v0 =	vshll.u32 v7, $0x3;
	v2 =	vld [tilespmem:s24+$0x40]  }
0x16c: {  	v3 =	vand.u32 $0x7F, v7;
	v0 =	vand.u32 $0xFFFFFC00, v0;
	[tilespmem:s29+$0x80] =	vst v4  }
0x16d: {  	v4 =	vshll.u32 v1, $0x3;
	v0 =	vor.u32 v3, v0;
	v5 =	vld.idx.msk [tilespmem:v8+s20+$0x0], $0xffff  }
0x16e: {  	v1 =	vand.u32 $0x7F, v1;
	v3 =	vand.u32 $0xFFFFFC00, v4;
	[tilespmem:s25+$0x110] =	vst v9;
	v4 =	vor.u32 $0x380, v10  }
0x16f: {  	v3 =	vor.u32 v1, v3;
	v1 =	vld.idx.msk [tilespmem:v11+s20+$0x0], $0xffff  }
0x170: {  	v7 =	vld.idx.msk [tilespmem:v6+s20+$0x0], $0xffff;
	[tilespmem:s23+$0x1A0] =	vst v12;
	v8 =	vshll.u32 v2, $0x3  }
0x171: {  	v9 =	vor.u32 $0x80, v6;
	v10 =	vld [tilespmem:s26+$0x30];
	v2 =	vand.u32 $0x7F, v2;
	v8 =	vand.u32 $0xFFFFFC00, v8  }
0x172: {  	v11 =	vld.idx.msk [tilespmem:v0+s20+$0x0], $0xffff;
	[tilespmem:s29+$0x100] =	vst v5;
	v2 =	vor.u32 v2, v8  }
0x173: {  	v5 =	vor.u32 $0x80, v0;
	v8 =	vld.idx.msk [tilespmem:v4+s20+$0x0], $0xffff  }
0x174: {  	v12 =	vld.idx.msk [tilespmem:v3+s20+$0x0], $0xffff;
	[tilespmem:s25+$0x190] =	vst v1  }
0x175: {  	v1 =	vor.u32 $0x80, v3;
	[tilespmem:s4+$0xFFFFFE60] =	vst v7;
	v7 =	vld [tilespmem:s28+$0x20]  }
0x176: {  	s31 =	sadd.s32 $0x400, s29;
	v9 =	vld.idx.msk [tilespmem:v9+s20+$0x0], $0xffff;
	v4 =	vshll.u32 v10, $0x3  }
0x177: {  	v13 =	vor.u32 $0x100, v6;
	v10 =	vand.u32 $0x7F, v10;
	v4 =	vand.u32 $0xFFFFFC00, v4;
	[tilespmem:s31+$0xFFFFFE00] =	vst v11;
	v11 =	vld.idx.msk [tilespmem:v2+s20+$0x0], $0xffff  }
0x178: {  	v4 =	vor.u32 v10, v4;
	v5 =	vld.idx.msk [tilespmem:v5+s20+$0x0], $0xffff;
	[tilespmem:s29+$0x180] =	vst v8  }
0x179: {  	v8 =	vor.u32 $0x80, v2;
	[tilespmem:s22+$0xFFFFFE50] =	vst v12;
	v10 =	vld [tilespmem:s30+$0x10]  }
0x17a: {  	v14 =	vor.u32 $0x100, v0;
	v12 =	vld.idx.msk [tilespmem:v1+s20+$0x0], $0xffff;
	v1 =	vshll.u32 v7, $0x3  }
0x17b: {  	v7 =	vand.u32 $0x7F, v7;
	[tilespmem:s4+$0xFFFFFEE0] =	vst v9;
	v1 =	vand.u32 $0xFFFFFC00, v1;
	v9 =	vor.u32 $0x100, v3  }
0x17c: {  	v13 =	vld.idx.msk [tilespmem:v13+s20+$0x0], $0xffff;
	v1 =	vor.u32 v7, v1  }
0x17d: {  	v7 =	vld.idx.msk [tilespmem:v4+s20+$0x0], $0xffff;
	[tilespmem:s21+$0xFFFFFE40] =	vst v11;
	v11 =	vor.u32 $0x180, v6  }
0x17e: {  	v15 =	vor.u32 $0x80, v4;
	[tilespmem:s31+$0xFFFFFE80] =	vst v5;
	v8 =	vld.idx.msk [tilespmem:v8+s20+$0x0], $0xffff;
	v5 =	vshll.u32 v10, $0x3  }
0x17f: {  	v14 =	vld.idx.msk [tilespmem:v14+s20+$0x0], $0xffff;
	v10 =	vand.u32 $0x7F, v10;
	[tilespmem:s22+$0xFFFFFED0] =	vst v12;
	v5 =	vand.u32 $0xFFFFFC00, v5;
	v12 =	vor.u32 $0x100, v2  }
0x180: {  	v9 =	vld.idx.msk [tilespmem:v9+s20+$0x0], $0xffff;
	v5 =	vor.u32 v10, v5  }
0x181: {  	v10 =	vld.idx.msk [tilespmem:v1+s20+$0x0], $0xffff;
	[tilespmem:s4+$0xFFFFFF60] =	vst v13;
	v13 =	vor.u32 $0x180, v3  }
0x182: {  	[tilespmem:s23+$0xFFFFFE30] =	vst v7;
	v7 =	vld.idx.msk [tilespmem:v11+s20+$0x0], $0xffff;
	v11 =	vor.u32 $0x80, v1  }
0x183: {  	v15 =	vld.idx.msk [tilespmem:v15+s20+$0x0], $0xffff;
	[tilespmem:s21+$0xFFFFFEC0] =	vst v8;
	v8 =	vor.u32 $0x200, v6  }
0x184: {  	v16 =	vor.u32 $0x100, v4;
	v12 =	vld.idx.msk [tilespmem:v12+s20+$0x0], $0xffff  }
0x185: {  	v17 =	vld.idx.msk [tilespmem:v5+s20+$0x0], $0xffff;
	[tilespmem:s22+$0xFFFFFF50] =	vst v9;
	v9 =	vor.u32 $0x180, v2  }
0x186: {  	[tilespmem:s25+$0xFFFFFE20] =	vst v10;
	v10 =	vld.idx.msk [tilespmem:v13+s20+$0x0], $0xffff;
	v13 =	vor.u32 $0x80, v5  }
0x187: {  	v11 =	vld.idx.msk [tilespmem:v11+s20+$0x0], $0xffff;
	[tilespmem:s4+$0xFFFFFFE0] =	vst v7;
	v7 =	vor.u32 $0x200, v3  }
0x188: {  	[tilespmem:s23+$0xFFFFFEB0] =	vst v15;
	v8 =	vld.idx.msk [tilespmem:v8+s20+$0x0], $0xffff;
	v15 =	vor.u32 $0x100, v1  }
0x189: {  	v16 =	vld.idx.msk [tilespmem:v16+s20+$0x0], $0xffff;
	[tilespmem:s21+$0xFFFFFF40] =	vst v12;
	v12 =	vor.u32 $0x280, v6  }
0x18a: {  	[tilespmem:s29+$0xFFFFFE10] =	vst v17;
	v17 =	vor.u32 $0x180, v4;
	v9 =	vld.idx.msk [tilespmem:v9+s20+$0x0], $0xffff  }
0x18b: {  	v13 =	vld.idx.msk [tilespmem:v13+s20+$0x0], $0xffff;
	[tilespmem:s22+$0xFFFFFFD0] =	vst v10;
	v10 =	vor.u32 $0x200, v2  }
0x18c: {  	[tilespmem:s25+$0xFFFFFEA0] =	vst v11;
	v7 =	vld.idx.msk [tilespmem:v7+s20+$0x0], $0xffff;
	v11 =	vor.u32 $0x100, v5  }
0x18d: {  	v15 =	vld.idx.msk [tilespmem:v15+s20+$0x0], $0xffff;
	[tilespmem:s4+$0x60] =	vst v8;
	v8 =	vor.u32 $0x280, v3  }
0x18e: {  	[tilespmem:s23+$0xFFFFFF30] =	vst v16;
	v12 =	vld.idx.msk [tilespmem:v12+s20+$0x0], $0xffff;
	v16 =	vor.u32 $0x180, v1  }
0x18f: {  	v17 =	vld.idx.msk [tilespmem:v17+s20+$0x0], $0xffff;
	[tilespmem:s21+$0xFFFFFFC0] =	vst v9;
	v9 =	vor.u32 $0x300, v6  }
0x190: {  	[tilespmem:s29+$0xFFFFFE90] =	vst v13;
	v13 =	vor.u32 $0x200, v4;
	v10 =	vld.idx.msk [tilespmem:v10+s20+$0x0], $0xffff  }
0x191: {  	v11 =	vld.idx.msk [tilespmem:v11+s20+$0x0], $0xffff;
	[tilespmem:s22+$0x50] =	vst v7;
	v7 =	vor.u32 $0x280, v2  }
0x192: {  	[tilespmem:s25+$0xFFFFFF20] =	vst v15;
	v8 =	vld.idx.msk [tilespmem:v8+s20+$0x0], $0xffff;
	v15 =	vor.u32 $0x180, v5  }
0x193: {  	v16 =	vld.idx.msk [tilespmem:v16+s20+$0x0], $0xffff;
	[tilespmem:s4+$0xE0] =	vst v12;
	v12 =	vor.u32 $0x300, v3  }
0x194: {  	[tilespmem:s23+$0xFFFFFFB0] =	vst v17;
	v9 =	vld.idx.msk [tilespmem:v9+s20+$0x0], $0xffff;
	v17 =	vor.u32 $0x200, v1  }
0x195: {  	v6 =	vor.u32 $0x380, v6;
	v13 =	vld.idx.msk [tilespmem:v13+s20+$0x0], $0xffff;
	[tilespmem:s21+$0x40] =	vst v10  }
0x196: {  	v10 =	vor.u32 $0x280, v4;
	[tilespmem:s29+$0xFFFFFF10] =	vst v11;
	v7 =	vld.idx.msk [tilespmem:v7+s20+$0x0], $0xffff  }
0x197: {  	v11 =	vor.u32 $0x180, v0;
	v15 =	vld.idx.msk [tilespmem:v15+s20+$0x0], $0xffff;
	[tilespmem:s22+$0xD0] =	vst v8  }
0x198: {  	v8 =	vor.u32 $0x300, v2;
	[tilespmem:s25+$0xFFFFFFA0] =	vst v16;
	v12 =	vld.idx.msk [tilespmem:v12+s20+$0x0], $0xffff  }
0x199: {  	v16 =	vor.u32 $0x200, v5;
	v17 =	vld.idx.msk [tilespmem:v17+s20+$0x0], $0xffff;
	[tilespmem:s4+$0x160] =	vst v9  }
0x19a: {  	v3 =	vor.u32 $0x380, v3;
	[tilespmem:s23+$0x30] =	vst v13;
	v6 =	vld.idx.msk [tilespmem:v6+s20+$0x0], $0xffff  }
0x19b: {  	[tilespmem:s31+$0xFFFFFF00] =	vst v14;
	v9 =	vor.u32 $0x280, v1;
	v10 =	vld.idx.msk [tilespmem:v10+s20+$0x0], $0xffff  }
0x19c: {  	v11 =	vld.idx.msk [tilespmem:v11+s20+$0x0], $0xffff;
	[tilespmem:s21+$0xC0] =	vst v7  }
0x19d: {  	v7 =	vor.u32 $0x300, v4;
	[tilespmem:s29+$0xFFFFFF90] =	vst v15;
	v8 =	vld.idx.msk [tilespmem:v8+s20+$0x0], $0xffff  }
0x19e: {  	v13 =	vor.u32 $0x200, v0;
	v14 =	vld.idx.msk [tilespmem:v16+s20+$0x0], $0xffff;
	[tilespmem:s22+$0x150] =	vst v12  }
0x19f: {  	v2 =	vor.u32 $0x380, v2;
	[tilespmem:s25+$0x20] =	vst v17;
	v3 =	vld.idx.msk [tilespmem:v3+s20+$0x0], $0xffff  }
0x1a0: {  	v9 =	vld.idx.msk [tilespmem:v9+s20+$0x0], $0xffff;
	[tilespmem:s4+$0x1E0] =	vst v6  }
0x1a1: {  	[tilespmem:s23+$0xB0] =	vst v10;
	v6 =	vld [tilespmem:s8+$0x70]  }
0x1a2: {  	v12 =	vor.u32 $0x280, v5;
	[tilespmem:s31+$0xFFFFFF80] =	vst v11;
	v7 =	vld.idx.msk [tilespmem:v7+s20+$0x0], $0xffff  }
0x1a3: {  	v10 =	vor.u32 $0x300, v1;
	v11 =	vld.idx.msk [tilespmem:v13+s20+$0x0], $0xffff;
	[tilespmem:s21+$0x140] =	vst v8  }
0x1a4: {  	s8 =	simm.s32 $0x380;
	v8 =	vor.u32 $0x380, v4;
	[tilespmem:s29+$0x10] =	vst v14;
	v2 =	vld.idx.msk [tilespmem:v2+s20+$0x0], $0xffff  }
0x1a5: {  	v13 =	vor.u32 $0x280, v0;
	v14 =	vld [tilespmem:s8+$0x0];
	[tilespmem:s22+$0x1D0] =	vst v3  }
0x1a6: {  	v3 =	vld [tilespmem:s9+$0x60]  }
0x1a7: {  	v12 =	vld.idx.msk [tilespmem:v12+s20+$0x0], $0xffff;
	[tilespmem:s25+$0xA0] =	vst v9;
	v4 =	vshll.u32 v6, $0x3  }
0x1a8: {  	v9 =	vld.idx.msk [tilespmem:v10+s20+$0x0], $0xffff;
	v10 =	vor.u32 $0x300, v5;
	v6 =	vand.u32 $0x7F, v6;
	v4 =	vand.u32 $0xFFFFFC00, v4;
	[tilespmem:s23+$0x130] =	vst v7  }
0x1a9: {  	[tilespmem:s31+$0x0] =	vst v11;
	v4 =	vor.u32 v6, v4;
	v6 =	vld.idx.msk [tilespmem:v8+s20+$0x0], $0xffff  }
0x1aa: {  	v1 =	vor.u32 $0x380, v1;
	v7 =	vld.idx.msk [tilespmem:v13+s20+$0x0], $0xffff;
	[tilespmem:s21+$0x1C0] =	vst v2  }
0x1ab: {  	v2 =	vld [tilespmem:s24+$0x50];
	v8 =	vshll.u32 v3, $0x3  }
0x1ac: {  	v11 =	vor.u32 $0x300, v0;
	[tilespmem:s29+$0x90] =	vst v12;
	v3 =	vand.u32 $0x7F, v3;
	v8 =	vand.u32 $0xFFFFFC00, v8  }
0x1ad: {  	v10 =	vld.idx.msk [tilespmem:v10+s20+$0x0], $0xffff;
	v3 =	vor.u32 v3, v8  }
0x1ae: {  	v5 =	vor.u32 $0x380, v5;
	[tilespmem:s25+$0x120] =	vst v9;
	v8 =	vld.idx.msk [tilespmem:v4+s20+$0x0], $0xffff  }
0x1af: {  	v12 =	vor.u32 $0x80, v4;
	v9 =	vld.idx.msk [tilespmem:v1+s20+$0x0], $0xffff;
	v1 =	vshll.u32 v14, $0x3;
	[tilespmem:s23+$0x1B0] =	vst v6  }
0x1b0: {  	v6 =	vand.u32 $0x7F, v14;
	v1 =	vand.u32 $0xFFFFFC00, v1;
	[tilespmem:s31+$0x80] =	vst v7;
	v7 =	vld [tilespmem:s26+$0x40];
	v13 =	vshll.u32 v2, $0x3  }
0x1b1: {  	v1 =	vor.u32 v6, v1;
	v11 =	vld.idx.msk [tilespmem:v11+s20+$0x0], $0xffff;
	v2 =	vand.u32 $0x7F, v2;
	v6 =	vand.u32 $0xFFFFFC00, v13  }
0x1b2: {  	v0 =	vor.u32 $0x380, v0;
	[tilespmem:s29+$0x110] =	vst v10;
	v6 =	vor.u32 v2, v6;
	v2 =	vld.idx.msk [tilespmem:v3+s20+$0x0], $0xffff  }
0x1b3: {  	v10 =	vld.idx.msk [tilespmem:v5+s20+$0x0], $0xffff;
	[tilespmem:s4+$0xFFFFFE70] =	vst v8  }
0x1b4: {  	[tilespmem:s25+$0x1A0] =	vst v9;
	v8 =	vor.u32 $0x80, v3;
	v9 =	vld.idx.msk [tilespmem:v12+s20+$0x0], $0xffff  }
0x1b5: {  	v12 =	vld [tilespmem:s28+$0x30]  }
0x1b6: {  	v14 =	vor.u32 $0x100, v4;
	v5 =	vshll.u32 v7, $0x3;
	v13 =	vld.idx.msk [tilespmem:v1+s20+$0x0], $0xffff;
	[tilespmem:s31+$0x100] =	vst v11  }
0x1b7: {  	v7 =	vand.u32 $0x7F, v7;
	v11 =	vor.u32 $0x80, v1;
	v5 =	vand.u32 $0xFFFFFC00, v5;
	v15 =	vld.idx.msk [tilespmem:v0+s20+$0x0], $0xffff  }
0x1b8: {  	v5 =	vor.u32 v7, v5;
	v7 =	vld.idx.msk [tilespmem:v6+s20+$0x0], $0xffff;
	[tilespmem:s22+$0xFFFFFE60] =	vst v2  }
0x1b9: {  	[tilespmem:s29+$0x190] =	vst v10;
	v8 =	vld.idx.msk [tilespmem:v8+s20+$0x0], $0xffff  }
0x1ba: {  	s2 =	sadd.s32 $0x400, s31;
	v2 =	vor.u32 $0x80, v6;
	v10 =	vld [tilespmem:s30+$0x20];
	v0 =	vshll.u32 v12, $0x3;
	[tilespmem:s4+$0xFFFFFEF0] =	vst v9  }
0x1bb: {  	v9 =	vand.u32 $0x7F, v12;
	v12 =	vor.u32 $0x100, v3;
	[tilespmem:s2+$0xFFFFFE00] =	vst v13;
	v0 =	vand.u32 $0xFFFFFC00, v0;
	v14 =	vld.idx.msk [tilespmem:v14+s20+$0x0], $0xffff  }
0x1bc: {  	v16 =	vld.idx.msk [tilespmem:v11+s20+$0x0], $0xffff;
	v0 =	vor.u32 v9, v0  }
0x1bd: {  	v17 =	vor.u32 $0x180, v4;
	[tilespmem:s31+$0x180] =	vst v15;
	v13 =	vld.idx.msk [tilespmem:v5+s20+$0x0], $0xffff  }
0x1be: {  	v18 =	vor.u32 $0x80, v5;
	[tilespmem:s21+$0xFFFFFE50] =	vst v7;
	v7 =	vld [tilespmem:s0+$0x10]  }
0x1bf: {  	v15 =	vor.u32 $0x100, v1;
	v11 =	vld.idx.msk [tilespmem:v2+s20+$0x0], $0xffff;
	[tilespmem:s22+$0xFFFFFEE0] =	vst v8;
	v2 =	vshll.u32 v10, $0x3  }
0x1c0: {  	v8 =	vld.idx.msk [tilespmem:v12+s20+$0x0], $0xffff;
	v2 =	vand.u32 $0xFFFFFC00, v2;
	v12 =	vor.u32 $0x100, v6;
	[tilespmem:s4+$0xFFFFFF70] =	vst v14;
	v14 =	vand.u32 $0x7F, v10  }
0x1c1: {  	v9 =	vld.idx.msk [tilespmem:v0+s20+$0x0], $0xffff;
	v2 =	vor.u32 v14, v2  }
0x1c2: {  	[tilespmem:s23+$0xFFFFFE40] =	vst v13;
	v10 =	vld.idx.msk [tilespmem:v17+s20+$0x0], $0xffff;
	v13 =	vor.u32 $0x180, v3  }
0x1c3: {  	s7 =	sadd.s32 s6, s5;
	s5 =	sor.u32 $0x8800, s10;
	s10 =	simm.s32 $0x1000;
	[tilespmem:s2+$0xFFFFFE80] =	vst v16;
	v16 =	vor.u32 $0x80, v0;
	v14 =	vld.idx.msk [tilespmem:v18+s20+$0x0], $0xffff  }
.LBB2_3:
0x1c4: {  	p2 =	sne.s32 s10, $0x1E00;
	v15 =	vld.idx.msk [tilespmem:v15+s20+$0x0], $0xffff;
	v17 =	vshll.u32 v7, $0x3;
	[tilespmem:s21+$0xFFFFFED0] =	vst v11;
	v11 =	vor.u32 $0x200, v4  }
0x1c5: {  	v7 =	vand.u32 $0x7F, v7;
	v18 =	vor.u32 $0x100, v5;
	v17 =	vand.u32 $0xFFFFFC00, v17;
	v12 =	vld.idx.msk [tilespmem:v12+s20+$0x0], $0xffff  }
0x1c6: {  	v7 =	vor.u32 v7, v17;
	v17 =	vld.idx.msk [tilespmem:v2+s20+$0x0], $0xffff;
	[tilespmem:s22+$0xFFFFFF60] =	vst v8  }
0x1c7: {  	v8 =	vor.u32 $0x180, v6;
	[tilespmem:s25+$0xFFFFFE30] =	vst v9;
	v9 =	vld.idx.msk [tilespmem:v13+s20+$0x0], $0xffff  }
0x1c8: {  	v13 =	vor.u32 $0x80, v2;
	v16 =	vld.idx.msk [tilespmem:v16+s20+$0x0], $0xffff;
	[tilespmem:s4+$0xFFFFFFF0] =	vst v10  }
0x1c9: {  	v10 =	vor.u32 $0x200, v3;
	[tilespmem:s23+$0xFFFFFEC0] =	vst v14;
	v11 =	vld.idx.msk [tilespmem:v11+s20+$0x0], $0xffff  }
0x1ca: {  	v14 =	vor.u32 $0x100, v0;
	[tilespmem:s2+$0xFFFFFF00] =	vst v15;
	v15 =	vld.idx.msk [tilespmem:v18+s20+$0x0], $0xffff  }
0x1cb: {  	v18 =	vld.idx.msk [tilespmem:v7+s20+$0x0], $0xffff;
	[tilespmem:s21+$0xFFFFFF50] =	vst v12;
	v12 =	vor.u32 $0x280, v4  }
0x1cc: {  	[tilespmem:s29+$0xFFFFFE20] =	vst v17;
	v17 =	vor.u32 $0x180, v5;
	v8 =	vld.idx.msk [tilespmem:v8+s20+$0x0], $0xffff  }
0x1cd: {  	v19 =	vor.u32 $0x80, v7;
	v13 =	vld.idx.msk [tilespmem:v13+s20+$0x0], $0xffff;
	[tilespmem:s22+$0xFFFFFFE0] =	vst v9  }
0x1ce: {  	v9 =	vor.u32 $0x200, v6;
	[tilespmem:s25+$0xFFFFFEB0] =	vst v16;
	v10 =	vld.idx.msk [tilespmem:v10+s20+$0x0], $0xffff  }
0x1cf: {  	v16 =	vor.u32 $0x100, v2;
	v14 =	vld.idx.msk [tilespmem:v14+s20+$0x0], $0xffff;
	[tilespmem:s4+$0x70] =	vst v11  }
0x1d0: {  	v11 =	vor.u32 $0x280, v3;
	[tilespmem:s23+$0xFFFFFF40] =	vst v15;
	v12 =	vld.idx.msk [tilespmem:v12+s20+$0x0], $0xffff  }
0x1d1: {  	v15 =	vor.u32 $0x180, v0;
	[tilespmem:s31+$0xFFFFFE10] =	vst v18;
	v17 =	vld.idx.msk [tilespmem:v17+s20+$0x0], $0xffff  }
0x1d2: {  	v18 =	vld.idx.msk [tilespmem:v19+s20+$0x0], $0xffff;
	[tilespmem:s21+$0xFFFFFFD0] =	vst v8;
	v8 =	vor.u32 $0x300, v4  }
0x1d3: {  	[tilespmem:s29+$0xFFFFFEA0] =	vst v13;
	v13 =	vor.u32 $0x200, v5;
	v9 =	vld.idx.msk [tilespmem:v9+s20+$0x0], $0xffff  }
0x1d4: {  	v19 =	vor.u32 $0x100, v7;
	v16 =	vld.idx.msk [tilespmem:v16+s20+$0x0], $0xffff;
	[tilespmem:s22+$0x60] =	vst v10  }
0x1d5: {  	v10 =	vor.u32 $0x280, v6;
	[tilespmem:s25+$0xFFFFFF30] =	vst v14;
	v11 =	vld.idx.msk [tilespmem:v11+s20+$0x0], $0xffff  }
0x1d6: {  	v14 =	vor.u32 $0x180, v2;
	v15 =	vld.idx.msk [tilespmem:v15+s20+$0x0], $0xffff;
	[tilespmem:s4+$0xF0] =	vst v12  }
0x1d7: {  	v12 =	vor.u32 $0x300, v3;
	[tilespmem:s23+$0xFFFFFFC0] =	vst v17;
	v8 =	vld.idx.msk [tilespmem:v8+s20+$0x0], $0xffff  }
0x1d8: {  	v17 =	vor.u32 $0x200, v0;
	[tilespmem:s31+$0xFFFFFE90] =	vst v18;
	v13 =	vld.idx.msk [tilespmem:v13+s20+$0x0], $0xffff  }
0x1d9: {  	v4 =	vor.u32 $0x380, v4;
	v18 =	vld.idx.msk [tilespmem:v19+s20+$0x0], $0xffff;
	[tilespmem:s21+$0x50] =	vst v9  }
0x1da: {  	v9 =	vor.u32 $0x280, v5;
	[tilespmem:s29+$0xFFFFFF20] =	vst v16;
	v10 =	vld.idx.msk [tilespmem:v10+s20+$0x0], $0xffff  }
0x1db: {  	v16 =	vor.u32 $0x180, v7;
	v14 =	vld.idx.msk [tilespmem:v14+s20+$0x0], $0xffff;
	[tilespmem:s22+$0xE0] =	vst v11  }
0x1dc: {  	v11 =	vor.u32 $0x300, v6;
	[tilespmem:s25+$0xFFFFFFB0] =	vst v15;
	v12 =	vld.idx.msk [tilespmem:v12+s20+$0x0], $0xffff  }
0x1dd: {  	v15 =	vor.u32 $0x200, v2;
	v17 =	vld.idx.msk [tilespmem:v17+s20+$0x0], $0xffff;
	[tilespmem:s4+$0x170] =	vst v8  }
0x1de: {  	v3 =	vor.u32 $0x380, v3;
	[tilespmem:s23+$0x40] =	vst v13;
	v4 =	vld.idx.msk [tilespmem:v4+s20+$0x0], $0xffff  }
0x1df: {  	v8 =	vor.u32 $0x280, v0;
	[tilespmem:s31+$0xFFFFFF10] =	vst v18;
	v9 =	vld.idx.msk [tilespmem:v9+s20+$0x0], $0xffff  }
0x1e0: {  	v13 =	vor.u32 $0x180, v1;
	v16 =	vld.idx.msk [tilespmem:v16+s20+$0x0], $0xffff;
	[tilespmem:s21+$0xD0] =	vst v10  }
0x1e1: {  	v10 =	vor.u32 $0x300, v5;
	[tilespmem:s29+$0xFFFFFFA0] =	vst v14;
	v11 =	vld.idx.msk [tilespmem:v11+s20+$0x0], $0xffff  }
0x1e2: {  	v14 =	vor.u32 $0x200, v7;
	v15 =	vld.idx.msk [tilespmem:v15+s20+$0x0], $0xffff;
	[tilespmem:s22+$0x160] =	vst v12  }
0x1e3: {  	v6 =	vor.u32 $0x380, v6;
	[tilespmem:s25+$0x30] =	vst v17;
	v3 =	vld.idx.msk [tilespmem:v3+s20+$0x0], $0xffff  }
0x1e4: {  	v12 =	vor.u32 $0x280, v2;
	v8 =	vld.idx.msk [tilespmem:v8+s20+$0x0], $0xffff;
	[tilespmem:s4+$0x1F0] =	vst v4;
	s4 =	smov.u32 s22;
	s22 =	smov.u32 s21;
	s21 =	smov.u32 s23  }
0x1e5: {  	s23 =	smov.u32 s25;
	s25 =	smov.u32 s29;
	s29 =	smov.u32 s31;
	v4 =	vld.idx.msk [tilespmem:v13+s20+$0x0], $0xffff;
	[tilespmem:s21+$0xC0] =	vst v9  }
0x1e6: {  	s31 =	smov.u32 s2;
	v9 =	vor.u32 $0x300, v0;
	[tilespmem:s29+$0xFFFFFF90] =	vst v16;
	v10 =	vld.idx.msk [tilespmem:v10+s20+$0x0], $0xffff  }
0x1e7: {  	v13 =	vor.u32 $0x200, v1;
	v14 =	vld.idx.msk [tilespmem:v14+s20+$0x0], $0xffff;
	[tilespmem:s22+$0x150] =	vst v11  }
0x1e8: {  	v5 =	vor.u32 $0x380, v5;
	[tilespmem:s25+$0x20] =	vst v15;
	v6 =	vld.idx.msk [tilespmem:v6+s20+$0x0], $0xffff  }
0x1e9: {  	v11 =	vor.u32 $0x280, v7;
	v12 =	vld.idx.msk [tilespmem:v12+s20+$0x0], $0xffff;
	[tilespmem:s4+$0x1E0] =	vst v3  }
0x1ea: {  	[tilespmem:s23+$0xB0] =	vst v8;
	v3 =	vld [tilespmem:s9+$0x70];
	s9 =	smov.u32 s24;
	s24 =	smov.u32 s26;
	s26 =	smov.u32 s28  }
0x1eb: {  	s28 =	smov.u32 s30;
	s30 =	smov.u32 s0;
	s0 =	smov.u32 s8;
	[tilespmem:s2+$0xFFFFFF80] =	vst v4;
	v4 =	vor.u32 $0x300, v2;
	v8 =	vld.idx.msk [tilespmem:v9+s20+$0x0], $0xffff  }
0x1ec: {  	v9 =	vld.idx.msk [tilespmem:v13+s20+$0x0], $0xffff;
	[tilespmem:s21+$0x140] =	vst v10  }
0x1ed: {  	v0 =	vor.u32 $0x380, v0;
	[tilespmem:s29+$0x10] =	vst v14;
	v5 =	vld.idx.msk [tilespmem:v5+s20+$0x0], $0xffff  }
0x1ee: {  	v10 =	vor.u32 $0x280, v1;
	v11 =	vld.idx.msk [tilespmem:v11+s20+$0x0], $0xffff;
	[tilespmem:s22+$0x1D0] =	vst v6  }
0x1ef: {  	[tilespmem:s25+$0xA0] =	vst v12;
	v6 =	vld [tilespmem:s9+$0x60];
	v12 =	vshll.u32 v3, $0x3  }
0x1f0: {  	s8 =	sshra.s32 s10, $0x2;
	v13 =	vor.u32 $0x300, v7;
	v3 =	vand.u32 $0x7F, v3;
	v14 =	vld.idx.msk [tilespmem:v4+s20+$0x0], $0xffff;
	v4 =	vand.u32 $0xFFFFFC00, v12  }
0x1f1: {  	v12 =	vld [tilespmem:s8+$0x0];
	[tilespmem:s23+$0x130] =	vst v8;
	v4 =	vor.u32 v3, v4  }
0x1f2: {  	v2 =	vor.u32 $0x380, v2;
	[tilespmem:s2+$0x0] =	vst v9;
	v0 =	vld.idx.msk [tilespmem:v0+s20+$0x0], $0xffff  }
0x1f3: {  	v8 =	vld.idx.msk [tilespmem:v10+s20+$0x0], $0xffff;
	[tilespmem:s21+$0x1C0] =	vst v5  }
0x1f4: {  	[tilespmem:s29+$0x90] =	vst v11;
	v5 =	vld [tilespmem:s24+$0x50];
	v3 =	vshll.u32 v6, $0x3  }
0x1f5: {  	v9 =	vor.u32 $0x300, v1;
	v6 =	vand.u32 $0x7F, v6;
	v10 =	vld.idx.msk [tilespmem:v13+s20+$0x0], $0xffff;
	v3 =	vand.u32 $0xFFFFFC00, v3  }
0x1f6: {  	[tilespmem:s25+$0x120] =	vst v14;
	v3 =	vor.u32 v6, v3;
	v11 =	vld.idx.msk [tilespmem:v4+s20+$0x0], $0xffff  }
0x1f7: {  	v7 =	vor.u32 $0x380, v7;
	v2 =	vld.idx.msk [tilespmem:v2+s20+$0x0], $0xffff  }
0x1f8: {  	v6 =	vshll.u32 v12, $0x3;
	[tilespmem:s23+$0x1B0] =	vst v0;
	v0 =	vor.u32 $0x80, v4  }
0x1f9: {  	v12 =	vand.u32 $0x7F, v12;
	v6 =	vand.u32 $0xFFFFFC00, v6;
	[tilespmem:s2+$0x80] =	vst v8;
	v8 =	vld [tilespmem:s26+$0x40];
	v13 =	vshll.u32 v5, $0x3  }
0x1fa: {  	v12 =	vor.u32 v12, v6;
	v5 =	vand.u32 $0x7F, v5;
	v9 =	vld.idx.msk [tilespmem:v9+s20+$0x0], $0xffff;
	v6 =	vand.u32 $0xFFFFFC00, v13  }
0x1fb: {  	[tilespmem:s29+$0x110] =	vst v10;
	v6 =	vor.u32 v5, v6;
	v10 =	vld.idx.msk [tilespmem:v3+s20+$0x0], $0xffff  }
0x1fc: {  	v13 =	vor.u32 $0x380, v1;
	v1 =	vmov v12;
	v7 =	vld.idx.msk [tilespmem:v7+s20+$0x0], $0xffff;
	[tilespmem:s4+$0xFFFFFE70] =	vst v11  }
0x1fd: {  	[tilespmem:s25+$0x1A0] =	vst v2;
	v2 =	vor.u32 $0x80, v3;
	v0 =	vld.idx.msk [tilespmem:v0+s20+$0x0], $0xffff  }
0x1fe: {  	v11 =	vld [tilespmem:s28+$0x30];
	v5 =	vshll.u32 v8, $0x3  }
0x1ff: {  	v14 =	vor.u32 $0x100, v4;
	v8 =	vand.u32 $0x7F, v8;
	v12 =	vld.idx.msk [tilespmem:v12+s20+$0x0], $0xffff;
	v5 =	vand.u32 $0xFFFFFC00, v5  }
0x200: {  	[tilespmem:s2+$0x100] =	vst v9;
	v5 =	vor.u32 v8, v5;
	v8 =	vld.idx.msk [tilespmem:v6+s20+$0x0], $0xffff  }
0x201: {  	v9 =	vor.u32 $0x80, v1;
	v13 =	vld.idx.msk [tilespmem:v13+s20+$0x0], $0xffff;
	[tilespmem:s22+$0xFFFFFE60] =	vst v10  }
0x202: {  	[tilespmem:s29+$0x190] =	vst v7;
	v7 =	vor.u32 $0x80, v6;
	v2 =	vld.idx.msk [tilespmem:v2+s20+$0x0], $0xffff  }
0x203: {  	v10 =	vld [tilespmem:s30+$0x20];
	v15 =	vshll.u32 v11, $0x3;
	[tilespmem:s4+$0xFFFFFEF0] =	vst v0  }
0x204: {  	v16 =	vor.u32 $0x100, v3;
	s2 =	sadd.s32 $0x400, s2;
	v0 =	vand.u32 $0x7F, v11;
	v11 =	vand.u32 $0xFFFFFC00, v15;
	v14 =	vld.idx.msk [tilespmem:v14+s20+$0x0], $0xffff  }
0x205: {  	[tilespmem:s2+$0xFFFFFE00] =	vst v12;
	v0 =	vor.u32 v0, v11;
	v17 =	vld.idx.msk [tilespmem:v5+s20+$0x0], $0xffff  }
0x206: {  	v19 =	vor.u32 $0x180, v4;
	v18 =	vld.idx.msk [tilespmem:v9+s20+$0x0], $0xffff;
	[tilespmem:s21+$0xFFFFFE50] =	vst v8  }
0x207: {  	v20 =	vor.u32 $0x80, v5;
	[tilespmem:s31+$0x180] =	vst v13;
	v11 =	vld.idx.msk [tilespmem:v7+s20+$0x0], $0xffff  }
.Ltmp0:
0x208: {  	v15 =	vor.u32 $0x100, v1;
	v7 =	vld [tilespmem:s0+$0x10];
	v8 =	vshll.u32 v10, $0x3;
	[tilespmem:s22+$0xFFFFFEE0] =	vst v2;
	(pc) =	sbr.rel @p2 .LBB2_3-.Ltmp0, $4  }
0x209: {  	v12 =	vor.u32 $0x100, v6;
	v2 =	vand.u32 $0x7F, v10;
	v9 =	vand.u32 $0xFFFFFC00, v8;
	v8 =	vld.idx.msk [tilespmem:v16+s20+$0x0], $0xffff  }
0x20a: {  	v2 =	vor.u32 v2, v9;
	v9 =	vld.idx.msk [tilespmem:v0+s20+$0x0], $0xffff;
	[tilespmem:s4+$0xFFFFFF70] =	vst v14  }
0x20b: {  	v13 =	vor.u32 $0x180, v3;
	[tilespmem:s23+$0xFFFFFE40] =	vst v17;
	v10 =	vld.idx.msk [tilespmem:v19+s20+$0x0], $0xffff  }
0x20c: {  	s10 =	sadd.s32 $0x200, s10;
	v16 =	vor.u32 $0x80, v0;
	[tilespmem:s2+$0xFFFFFE80] =	vst v18;
	v14 =	vld.idx.msk [tilespmem:v20+s20+$0x0], $0xffff  }
0x20d: {  	_ =	sdelay $0x3  }
0x20e: {  	v15 =	vld.idx.msk [tilespmem:v15+s20+$0x0], $0xffff;
	v62 =	vor.u32 $0x200, v4  }
0x20f: {  	v17 =	vshll.u32 v7, $0x3;
	[tilespmem:s21+$0xFFFFFED0] =	vst v11;
	v18 =	vor.u32 $0x100, v5;
	v21 =	vld.idx.msk [tilespmem:v2+s20+$0x0], $0xffff  }
0x210: {  	v63 =	vand.u32 $0x7F, v7;
	v24 =	vor.u32 $0x80, v2;
	v17 =	vand.u32 $0xFFFFFC00, v17;
	v12 =	vld.idx.msk [tilespmem:v12+s20+$0x0], $0xffff;
	[tilespmem:s22+$0xFFFFFF60] =	vst v8  }
0x211: {  	v7 =	vor.u32 v63, v17;
	[tilespmem:s25+$0xFFFFFE30] =	vst v9;
	v23 =	vld.idx.msk [tilespmem:v13+s20+$0x0], $0xffff  }
0x212: {  	v22 =	vor.u32 $0x180, v6;
	v16 =	vld.idx.msk [tilespmem:v16+s20+$0x0], $0xffff;
	[tilespmem:s4+$0xFFFFFFF0] =	vst v10  }
0x213: {  	v25 =	vor.u32 $0x200, v3;
	[tilespmem:s23+$0xFFFFFEC0] =	vst v14;
	v11 =	vld.idx.msk [tilespmem:v62+s20+$0x0], $0xffff  }
0x214: {  	v26 =	vor.u32 $0x100, v0;
	v18 =	vld.idx.msk [tilespmem:v18+s20+$0x0], $0xffff;
	[tilespmem:s29+$0xFFFFFE20] =	vst v21  }
0x215: {  	v27 =	vor.u32 $0x280, v4;
	[tilespmem:s2+$0xFFFFFF00] =	vst v15;
	v13 =	vld.idx.msk [tilespmem:v24+s20+$0x0], $0xffff  }
0x216: {  	v28 =	vor.u32 $0x180, v5;
	[tilespmem:s21+$0xFFFFFF50] =	vst v12;
	v19 =	vld.idx.msk [tilespmem:v7+s20+$0x0], $0xffff  }
0x217: {  	v31 =	vor.u32 $0x100, v2;
	v8 =	vld.idx.msk [tilespmem:v22+s20+$0x0], $0xffff;
	[tilespmem:s22+$0xFFFFFFE0] =	vst v23  }
0x218: {  	v29 =	vor.u32 $0x80, v7;
	[tilespmem:s25+$0xFFFFFEB0] =	vst v16;
	v10 =	vld.idx.msk [tilespmem:v25+s20+$0x0], $0xffff  }
0x219: {  	v30 =	vor.u32 $0x200, v6;
	v14 =	vld.idx.msk [tilespmem:v26+s20+$0x0], $0xffff;
	[tilespmem:s4+$0x70] =	vst v11  }
0x21a: {  	v32 =	vor.u32 $0x280, v3;
	[tilespmem:s23+$0xFFFFFF40] =	vst v18;
	v12 =	vld.idx.msk [tilespmem:v27+s20+$0x0], $0xffff  }
0x21b: {  	v33 =	vor.u32 $0x180, v0;
	v17 =	vld.idx.msk [tilespmem:v28+s20+$0x0], $0xffff;
	[tilespmem:s29+$0xFFFFFEA0] =	vst v13  }
0x21c: {  	v34 =	vor.u32 $0x300, v4;
	[tilespmem:s31+$0xFFFFFE10] =	vst v19;
	v11 =	vld.idx.msk [tilespmem:v31+s20+$0x0], $0xffff  }
0x21d: {  	v35 =	vor.u32 $0x200, v5;
	[tilespmem:s21+$0xFFFFFFD0] =	vst v8;
	v9 =	vld.idx.msk [tilespmem:v29+s20+$0x0], $0xffff  }
0x21e: {  	v49 =	vor.u32 $0x180, v1;
	v16 =	vld.idx.msk [tilespmem:v30+s20+$0x0], $0xffff;
	[tilespmem:s22+$0x60] =	vst v10  }
0x21f: {  	v38 =	vor.u32 $0x180, v2;
	[tilespmem:s25+$0xFFFFFF30] =	vst v14;
	v18 =	vld.idx.msk [tilespmem:v32+s20+$0x0], $0xffff  }
0x220: {  	v36 =	vor.u32 $0x100, v7;
	v19 =	vld.idx.msk [tilespmem:v33+s20+$0x0], $0xffff;
	[tilespmem:s4+$0xF0] =	vst v12  }
0x221: {  	v37 =	vor.u32 $0x280, v6;
	[tilespmem:s23+$0xFFFFFFC0] =	vst v17;
	v8 =	vld.idx.msk [tilespmem:v34+s20+$0x0], $0xffff  }
0x222: {  	v39 =	vor.u32 $0x300, v3;
	v13 =	vld.idx.msk [tilespmem:v35+s20+$0x0], $0xffff;
	[tilespmem:s29+$0xFFFFFF20] =	vst v11  }
0x223: {  	v40 =	vor.u32 $0x200, v0;
	v11 =	vld.idx.msk [tilespmem:v49+s20+$0x0], $0xffff;
	[tilespmem:s31+$0xFFFFFE90] =	vst v9  }
0x224: {  	v41 =	vor.u32 $0x380, v4;
	[tilespmem:s21+$0x50] =	vst v16;
	v12 =	vld.idx.msk [tilespmem:v38+s20+$0x0], $0xffff  }
0x225: {  	v42 =	vor.u32 $0x280, v5;
	v10 =	vld.idx.msk [tilespmem:v36+s20+$0x0], $0xffff;
	[tilespmem:s22+$0xE0] =	vst v18  }
0x226: {  	v56 =	vor.u32 $0x200, v1;
	v14 =	vld.idx.msk [tilespmem:v37+s20+$0x0], $0xffff;
	[tilespmem:s25+$0xFFFFFFB0] =	vst v19  }
0x227: {  	v43 =	vor.u32 $0x180, v7;
	v17 =	vld.idx.msk [tilespmem:v39+s20+$0x0], $0xffff;
	[tilespmem:s4+$0x170] =	vst v8  }
0x228: {  	v44 =	vor.u32 $0x300, v6;
	v9 =	vld.idx.msk [tilespmem:v40+s20+$0x0], $0xffff;
	[tilespmem:s23+$0x40] =	vst v13  }
0x229: {  	v45 =	vor.u32 $0x200, v2;
	[tilespmem:s2+$0xFFFFFF80] =	vst v11;
	v8 =	vld.idx.msk [tilespmem:v41+s20+$0x0], $0xffff  }
0x22a: {  	v46 =	vor.u32 $0x380, v3;
	v48 =	vld.idx.msk [tilespmem:v42+s20+$0x0], $0xffff;
	[tilespmem:s29+$0xFFFFFFA0] =	vst v12  }
0x22b: {  	v47 =	vor.u32 $0x280, v0;
	v11 =	vld.idx.msk [tilespmem:v56+s20+$0x0], $0xffff;
	[tilespmem:s31+$0xFFFFFF10] =	vst v10  }
0x22c: {  	v51 =	vor.u32 $0x300, v5;
	[tilespmem:s21+$0xD0] =	vst v14;
	v50 =	vld.idx.msk [tilespmem:v43+s20+$0x0], $0xffff  }
0x22d: {  	v52 =	vor.u32 $0x200, v7;
	v14 =	vld.idx.msk [tilespmem:v44+s20+$0x0], $0xffff;
	[tilespmem:s22+$0x160] =	vst v17  }
0x22e: {  	v54 =	vor.u32 $0x380, v6;
	v53 =	vld.idx.msk [tilespmem:v45+s20+$0x0], $0xffff;
	[tilespmem:s25+$0x30] =	vst v9  }
0x22f: {  	v55 =	vor.u32 $0x280, v2;
	v3 =	vld.idx.msk [tilespmem:v46+s20+$0x0], $0xffff;
	[tilespmem:s23+$0xC0] =	vst v48  }
0x230: {  	v4 =	vld.idx.msk [tilespmem:v47+s20+$0x0], $0xffff;
	[tilespmem:s4+$0x1F0] =	vst v8  }
0x231: {  	v57 =	vor.u32 $0x300, v0;
	v10 =	vld.idx.msk [tilespmem:v51+s20+$0x0], $0xffff;
	[tilespmem:s31+$0xFFFFFF90] =	vst v50  }
0x232: {  	v59 =	vor.u32 $0x380, v5;
	[tilespmem:s21+$0x150] =	vst v14;
	v58 =	vld.idx.msk [tilespmem:v52+s20+$0x0], $0xffff  }
0x233: {  	v60 =	vor.u32 $0x280, v7;
	[tilespmem:s29+$0x20] =	vst v53;
	v6 =	vld.idx.msk [tilespmem:v54+s20+$0x0], $0xffff  }
0x234: {  	v9 =	vld.idx.msk [tilespmem:v55+s20+$0x0], $0xffff;
	[tilespmem:s22+$0x1E0] =	vst v3  }
0x235: {  	v61 =	vor.u32 $0x280, v1;
	v3 =	vld [tilespmem:s9+$0x70];
	[tilespmem:s25+$0xB0] =	vst v4  }
0x236: {  	v5 =	vld.idx.msk [tilespmem:v57+s20+$0x0], $0xffff;
	[tilespmem:s23+$0x140] =	vst v10  }
0x237: {  	v4 =	vld.idx.msk [tilespmem:v59+s20+$0x0], $0xffff;
	[tilespmem:s31+$0x10] =	vst v58  }
0x238: {  	v62 =	vld.idx.msk [tilespmem:v60+s20+$0x0], $0xffff;
	[tilespmem:s21+$0x1D0] =	vst v6  }
0x239: {  	[tilespmem:s2+$0x0] =	vst v11  }
0x23a: {  	v6 =	vld.idx.msk [tilespmem:v61+s20+$0x0], $0xffff  }
0x23b: {  	v63 =	vor.u32 $0x300, v1;
	_ =	sdelay $0x3  }
0x23c: {  	[tilespmem:s2+$0x80] =	vst v6  }
0x23d: {  	v6 =	vld.idx.msk [tilespmem:v63+s20+$0x0], $0xffff  }
0x23e: {  	v10 =	vor.u32 $0x380, v1;
	_ =	sdelay $0x3  }
0x23f: {  	[tilespmem:s2+$0x100] =	vst v6  }
0x240: {  	v1 =	vld.idx.msk [tilespmem:v10+s20+$0x0], $0xffff;
	_ =	sdelay $0x4  }
0x241: {  	[tilespmem:s2+$0x180] =	vst v1  }
0x242: {  	v1 =	vld [tilespmem:s8+$0x10];
	_ =	sdelay $0x4  }
0x243: {  	v11 =	vshll.u32 v1, $0x3  }
0x244: {  	v1 =	vand.u32 $0x7F, v1;
	v6 =	vand.u32 $0xFFFFFC00, v11  }
0x245: {  	v1 =	vor.u32 v1, v6;
	_ =	sdelay $0x4  }
0x246: {  	v6 =	vld.idx.msk [tilespmem:v1+s20+$0x0], $0xffff  }
0x247: {  	v12 =	vor.u32 $0x80, v1;
	_ =	sdelay $0x3  }
0x248: {  	[tilespmem:s2+$0xFFFFFE10] =	vst v6  }
0x249: {  	v6 =	vld.idx.msk [tilespmem:v12+s20+$0x0], $0xffff  }
0x24a: {  	v13 =	vor.u32 $0x100, v1;
	_ =	sdelay $0x3  }
0x24b: {  	[tilespmem:s2+$0xFFFFFE90] =	vst v6  }
0x24c: {  	v6 =	vld.idx.msk [tilespmem:v13+s20+$0x0], $0xffff  }
0x24d: {  	v14 =	vor.u32 $0x180, v1;
	_ =	sdelay $0x3  }
0x24e: {  	[tilespmem:s2+$0xFFFFFF10] =	vst v6  }
0x24f: {  	v6 =	vld.idx.msk [tilespmem:v14+s20+$0x0], $0xffff  }
0x250: {  	v15 =	vor.u32 $0x200, v1;
	_ =	sdelay $0x3  }
0x251: {  	[tilespmem:s2+$0xFFFFFF90] =	vst v6  }
0x252: {  	v6 =	vld.idx.msk [tilespmem:v15+s20+$0x0], $0xffff  }
0x253: {  	v16 =	vor.u32 $0x280, v1;
	_ =	sdelay $0x3  }
0x254: {  	[tilespmem:s2+$0x10] =	vst v6  }
0x255: {  	v17 =	vor.u32 $0x300, v7;
	v10 =	vld.idx.msk [tilespmem:v16+s20+$0x0], $0xffff  }
0x256: {  	v18 =	vor.u32 $0x300, v1;
	_ =	sdelay $0x2  }
0x257: {  	[tilespmem:s31+$0x90] =	vst v62  }
0x258: {  	v6 =	vld.idx.msk [tilespmem:v17+s20+$0x0], $0xffff;
	[tilespmem:s2+$0x90] =	vst v10  }
0x259: {  	v7 =	vor.u32 $0x380, v7;
	v19 =	vld.idx.msk [tilespmem:v18+s20+$0x0], $0xffff  }
0x25a: {  	v1 =	vor.u32 $0x380, v1;
	_ =	sdelay $0x2  }
0x25b: {  	[tilespmem:s31+$0x110] =	vst v6  }
0x25c: {  	v6 =	vld.idx.msk [tilespmem:v7+s20+$0x0], $0xffff;
	[tilespmem:s2+$0x110] =	vst v19  }
0x25d: {  	v1 =	vld.idx.msk [tilespmem:v1+s20+$0x0], $0xffff;
	_ =	sdelay $0x3  }
0x25e: {  	[tilespmem:s31+$0x190] =	vst v6  }
0x25f: {  	v6 =	vld [tilespmem:s0+$0x20];
	[tilespmem:s2+$0x190] =	vst v1  }
0x260: {  	v1 =	vld [tilespmem:s8+$0x20];
	_ =	sdelay $0x3  }
0x261: {  	v20 =	vshll.u32 v6, $0x3  }
0x262: {  	v6 =	vand.u32 $0x7F, v6;
	v7 =	vand.u32 $0xFFFFFC00, v20;
	v21 =	vshll.u32 v1, $0x3  }
0x263: {  	v6 =	vor.u32 v6, v7;
	v1 =	vand.u32 $0x7F, v1;
	v22 =	vand.u32 $0xFFFFFC00, v21  }
0x264: {  	v1 =	vor.u32 v1, v22;
	_ =	sdelay $0x3  }
0x265: {  	v23 =	vld.idx.msk [tilespmem:v6+s20+$0x0], $0xffff  }
0x266: {  	v24 =	vor.u32 $0x80, v6;
	v10 =	vld.idx.msk [tilespmem:v1+s20+$0x0], $0xffff  }
0x267: {  	v25 =	vor.u32 $0x80, v1;
	_ =	sdelay $0x2  }
0x268: {  	[tilespmem:s31+$0xFFFFFE20] =	vst v23  }
0x269: {  	v7 =	vld.idx.msk [tilespmem:v24+s20+$0x0], $0xffff;
	[tilespmem:s2+$0xFFFFFE20] =	vst v10  }
0x26a: {  	v26 =	vor.u32 $0x100, v6;
	v10 =	vld.idx.msk [tilespmem:v25+s20+$0x0], $0xffff  }
0x26b: {  	v27 =	vor.u32 $0x100, v1;
	_ =	sdelay $0x2  }
0x26c: {  	[tilespmem:s31+$0xFFFFFEA0] =	vst v7  }
0x26d: {  	v7 =	vld.idx.msk [tilespmem:v26+s20+$0x0], $0xffff;
	[tilespmem:s2+$0xFFFFFEA0] =	vst v10  }
0x26e: {  	v28 =	vor.u32 $0x180, v6;
	v10 =	vld.idx.msk [tilespmem:v27+s20+$0x0], $0xffff  }
0x26f: {  	v29 =	vor.u32 $0x180, v1;
	_ =	sdelay $0x2  }
0x270: {  	[tilespmem:s31+$0xFFFFFF20] =	vst v7  }
0x271: {  	v7 =	vld.idx.msk [tilespmem:v28+s20+$0x0], $0xffff;
	[tilespmem:s2+$0xFFFFFF20] =	vst v10  }
0x272: {  	v30 =	vor.u32 $0x200, v6;
	v10 =	vld.idx.msk [tilespmem:v29+s20+$0x0], $0xffff  }
0x273: {  	v31 =	vor.u32 $0x200, v1;
	_ =	sdelay $0x2  }
0x274: {  	[tilespmem:s31+$0xFFFFFFA0] =	vst v7  }
0x275: {  	v34 =	vor.u32 $0x300, v2;
	v7 =	vld.idx.msk [tilespmem:v30+s20+$0x0], $0xffff;
	[tilespmem:s2+$0xFFFFFFA0] =	vst v10  }
0x276: {  	v32 =	vor.u32 $0x280, v6;
	v10 =	vld.idx.msk [tilespmem:v31+s20+$0x0], $0xffff  }
0x277: {  	v33 =	vor.u32 $0x280, v1;
	_ =	sdelay $0x1  }
0x278: {  	[tilespmem:s29+$0xA0] =	vst v9  }
0x279: {  	v9 =	vld.idx.msk [tilespmem:v34+s20+$0x0], $0xffff;
	[tilespmem:s31+$0x20] =	vst v7  }
0x27a: {  	v37 =	vor.u32 $0x380, v2;
	v7 =	vld.idx.msk [tilespmem:v32+s20+$0x0], $0xffff;
	[tilespmem:s2+$0x20] =	vst v10  }
0x27b: {  	v35 =	vor.u32 $0x300, v6;
	v10 =	vld.idx.msk [tilespmem:v33+s20+$0x0], $0xffff  }
0x27c: {  	v36 =	vor.u32 $0x300, v1;
	_ =	sdelay $0x1  }
0x27d: {  	[tilespmem:s29+$0x120] =	vst v9  }
0x27e: {  	v2 =	vld.idx.msk [tilespmem:v37+s20+$0x0], $0xffff;
	[tilespmem:s31+$0xA0] =	vst v7  }
0x27f: {  	v7 =	vld.idx.msk [tilespmem:v35+s20+$0x0], $0xffff;
	[tilespmem:s2+$0xA0] =	vst v10  }
0x280: {  	v6 =	vor.u32 $0x380, v6;
	v38 =	vld.idx.msk [tilespmem:v36+s20+$0x0], $0xffff  }
0x281: {  	v1 =	vor.u32 $0x380, v1;
	_ =	sdelay $0x1  }
0x282: {  	[tilespmem:s29+$0x1A0] =	vst v2  }
0x283: {  	v2 =	vld [tilespmem:s30+$0x30];
	[tilespmem:s31+$0x120] =	vst v7  }
0x284: {  	v6 =	vld.idx.msk [tilespmem:v6+s20+$0x0], $0xffff;
	[tilespmem:s2+$0x120] =	vst v38  }
0x285: {  	v1 =	vld.idx.msk [tilespmem:v1+s20+$0x0], $0xffff;
	_ =	sdelay $0x2  }
0x286: {  	v39 =	vshll.u32 v2, $0x3  }
0x287: {  	v2 =	vand.u32 $0x7F, v2;
	v7 =	vand.u32 $0xFFFFFC00, v39;
	[tilespmem:s31+$0x1A0] =	vst v6  }
0x288: {  	v2 =	vor.u32 v2, v7;
	v6 =	vld [tilespmem:s0+$0x30];
	[tilespmem:s2+$0x1A0] =	vst v1  }
0x289: {  	v1 =	vld [tilespmem:s8+$0x30];
	_ =	sdelay $0x3  }
0x28a: {  	v44 =	vor.u32 $0x80, v2;
	v43 =	vld.idx.msk [tilespmem:v2+s20+$0x0], $0xffff;
	v40 =	vshll.u32 v6, $0x3  }
0x28b: {  	v6 =	vand.u32 $0x7F, v6;
	v7 =	vand.u32 $0xFFFFFC00, v40;
	v41 =	vshll.u32 v1, $0x3  }
0x28c: {  	v6 =	vor.u32 v6, v7;
	v1 =	vand.u32 $0x7F, v1;
	v42 =	vand.u32 $0xFFFFFC00, v41  }
0x28d: {  	v1 =	vor.u32 v1, v42;
	_ =	sdelay $0x1  }
0x28e: {  	[tilespmem:s29+$0xFFFFFE30] =	vst v43  }
0x28f: {  	v7 =	vld.idx.msk [tilespmem:v44+s20+$0x0], $0xffff  }
0x290: {  	v49 =	vor.u32 $0x100, v2;
	v45 =	vld.idx.msk [tilespmem:v6+s20+$0x0], $0xffff  }
0x291: {  	v46 =	vor.u32 $0x80, v6;
	v47 =	vld.idx.msk [tilespmem:v1+s20+$0x0], $0xffff  }
0x292: {  	v48 =	vor.u32 $0x80, v1;
	_ =	sdelay $0x1  }
0x293: {  	[tilespmem:s29+$0xFFFFFEB0] =	vst v7  }
0x294: {  	v7 =	vld.idx.msk [tilespmem:v49+s20+$0x0], $0xffff;
	[tilespmem:s31+$0xFFFFFE30] =	vst v45  }
0x295: {  	v52 =	vor.u32 $0x180, v2;
	v9 =	vld.idx.msk [tilespmem:v46+s20+$0x0], $0xffff;
	[tilespmem:s2+$0xFFFFFE30] =	vst v47  }
0x296: {  	v50 =	vor.u32 $0x100, v6;
	v11 =	vld.idx.msk [tilespmem:v48+s20+$0x0], $0xffff  }
0x297: {  	v51 =	vor.u32 $0x100, v1;
	_ =	sdelay $0x1  }
0x298: {  	[tilespmem:s29+$0xFFFFFF30] =	vst v7  }
0x299: {  	v7 =	vld.idx.msk [tilespmem:v52+s20+$0x0], $0xffff;
	[tilespmem:s31+$0xFFFFFEB0] =	vst v9  }
0x29a: {  	v55 =	vor.u32 $0x200, v2;
	v9 =	vld.idx.msk [tilespmem:v50+s20+$0x0], $0xffff;
	[tilespmem:s2+$0xFFFFFEB0] =	vst v11  }
0x29b: {  	v53 =	vor.u32 $0x180, v6;
	v11 =	vld.idx.msk [tilespmem:v51+s20+$0x0], $0xffff  }
0x29c: {  	v54 =	vor.u32 $0x180, v1;
	_ =	sdelay $0x1  }
0x29d: {  	[tilespmem:s29+$0xFFFFFFB0] =	vst v7  }
0x29e: {  	v7 =	vld.idx.msk [tilespmem:v55+s20+$0x0], $0xffff;
	[tilespmem:s31+$0xFFFFFF30] =	vst v9  }
0x29f: {  	v58 =	vor.u32 $0x280, v2;
	v9 =	vld.idx.msk [tilespmem:v53+s20+$0x0], $0xffff;
	[tilespmem:s2+$0xFFFFFF30] =	vst v11  }
0x2a0: {  	v56 =	vor.u32 $0x200, v6;
	v11 =	vld.idx.msk [tilespmem:v54+s20+$0x0], $0xffff  }
0x2a1: {  	v57 =	vor.u32 $0x200, v1;
	_ =	sdelay $0x1  }
0x2a2: {  	[tilespmem:s29+$0x30] =	vst v7  }
0x2a3: {  	v7 =	vld.idx.msk [tilespmem:v58+s20+$0x0], $0xffff;
	[tilespmem:s31+$0xFFFFFFB0] =	vst v9  }
0x2a4: {  	v61 =	vor.u32 $0x300, v2;
	v9 =	vld.idx.msk [tilespmem:v56+s20+$0x0], $0xffff;
	[tilespmem:s2+$0xFFFFFFB0] =	vst v11  }
0x2a5: {  	v59 =	vor.u32 $0x280, v6;
	v11 =	vld.idx.msk [tilespmem:v57+s20+$0x0], $0xffff  }
0x2a6: {  	v60 =	vor.u32 $0x280, v1;
	_ =	sdelay $0x1  }
0x2a7: {  	[tilespmem:s29+$0xB0] =	vst v7  }
0x2a8: {  	v7 =	vld.idx.msk [tilespmem:v61+s20+$0x0], $0xffff;
	[tilespmem:s31+$0x30] =	vst v9  }
0x2a9: {  	v2 =	vor.u32 $0x380, v2;
	v9 =	vld.idx.msk [tilespmem:v59+s20+$0x0], $0xffff;
	[tilespmem:s2+$0x30] =	vst v11  }
0x2aa: {  	v62 =	vor.u32 $0x300, v6;
	v11 =	vld.idx.msk [tilespmem:v60+s20+$0x0], $0xffff  }
0x2ab: {  	v63 =	vor.u32 $0x300, v1;
	_ =	sdelay $0x1  }
0x2ac: {  	v16 =	vor.u32 $0x380, v0;
	[tilespmem:s29+$0x130] =	vst v7  }
0x2ad: {  	v2 =	vld.idx.msk [tilespmem:v2+s20+$0x0], $0xffff;
	[tilespmem:s31+$0xB0] =	vst v9  }
0x2ae: {  	v17 =	vld.idx.msk [tilespmem:v62+s20+$0x0], $0xffff;
	[tilespmem:s2+$0xB0] =	vst v11  }
0x2af: {  	v6 =	vor.u32 $0x380, v6;
	v18 =	vld.idx.msk [tilespmem:v63+s20+$0x0], $0xffff  }
0x2b0: {  	[tilespmem:s25+$0x130] =	vst v5;
	v1 =	vor.u32 $0x380, v1  }
0x2b1: {  	v0 =	vld.idx.msk [tilespmem:v16+s20+$0x0], $0xffff  }
0x2b2: {  	[tilespmem:s29+$0x1B0] =	vst v2  }
0x2b3: {  	v2 =	vld [tilespmem:s30+$0x40];
	[tilespmem:s31+$0x130] =	vst v17  }
0x2b4: {  	v19 =	vld.idx.msk [tilespmem:v6+s20+$0x0], $0xffff;
	[tilespmem:s2+$0x130] =	vst v18  }
0x2b5: {  	v1 =	vld.idx.msk [tilespmem:v1+s20+$0x0], $0xffff  }
0x2b6: {  	[tilespmem:s25+$0x1B0] =	vst v0  }
0x2b7: {  	v0 =	vld [tilespmem:s28+$0x40]  }
0x2b8: {  	v21 =	vshll.u32 v2, $0x3  }
0x2b9: {  	v2 =	vand.u32 $0x7F, v2;
	v22 =	vand.u32 $0xFFFFFC00, v21;
	[tilespmem:s31+$0x1B0] =	vst v19  }
0x2ba: {  	v2 =	vor.u32 v2, v22;
	v5 =	vld [tilespmem:s0+$0x40];
	[tilespmem:s2+$0x1B0] =	vst v1  }
0x2bb: {  	v1 =	vld [tilespmem:s8+$0x40]  }
0x2bc: {  	v20 =	vshll.u32 v0, $0x3  }
0x2bd: {  	v0 =	vand.u32 $0x7F, v0;
	v6 =	vand.u32 $0xFFFFFC00, v20  }
0x2be: {  	v0 =	vor.u32 v0, v6  }
0x2bf: {  	v29 =	vor.u32 $0x80, v2;
	v28 =	vld.idx.msk [tilespmem:v2+s20+$0x0], $0xffff;
	v23 =	vshll.u32 v5, $0x3  }
0x2c0: {  	v5 =	vand.u32 $0x7F, v5;
	v6 =	vand.u32 $0xFFFFFC00, v23;
	v24 =	vshll.u32 v1, $0x3  }
0x2c1: {  	v5 =	vor.u32 v5, v6;
	v1 =	vand.u32 $0x7F, v1;
	v25 =	vand.u32 $0xFFFFFC00, v24  }
0x2c2: {  	v1 =	vor.u32 v1, v25  }
0x2c3: {  	v26 =	vld.idx.msk [tilespmem:v0+s20+$0x0], $0xffff  }
0x2c4: {  	v27 =	vor.u32 $0x80, v0;
	[tilespmem:s29+$0xFFFFFE40] =	vst v28  }
0x2c5: {  	v9 =	vld.idx.msk [tilespmem:v29+s20+$0x0], $0xffff  }
0x2c6: {  	v35 =	vor.u32 $0x100, v2;
	v30 =	vld.idx.msk [tilespmem:v5+s20+$0x0], $0xffff  }
0x2c7: {  	v31 =	vor.u32 $0x80, v5;
	v32 =	vld.idx.msk [tilespmem:v1+s20+$0x0], $0xffff  }
0x2c8: {  	[tilespmem:s25+$0xFFFFFE40] =	vst v26;
	v33 =	vor.u32 $0x80, v1  }
0x2c9: {  	v7 =	vld.idx.msk [tilespmem:v27+s20+$0x0], $0xffff  }
0x2ca: {  	v34 =	vor.u32 $0x100, v0;
	[tilespmem:s29+$0xFFFFFEC0] =	vst v9  }
0x2cb: {  	v39 =	vld.idx.msk [tilespmem:v35+s20+$0x0], $0xffff;
	[tilespmem:s31+$0xFFFFFE40] =	vst v30  }
0x2cc: {  	v40 =	vor.u32 $0x180, v2;
	v10 =	vld.idx.msk [tilespmem:v31+s20+$0x0], $0xffff;
	[tilespmem:s2+$0xFFFFFE40] =	vst v32  }
0x2cd: {  	v36 =	vor.u32 $0x100, v5;
	v6 =	vld.idx.msk [tilespmem:v33+s20+$0x0], $0xffff  }
0x2ce: {  	[tilespmem:s25+$0xFFFFFEC0] =	vst v7;
	v37 =	vor.u32 $0x100, v1  }
0x2cf: {  	v8 =	vld.idx.msk [tilespmem:v34+s20+$0x0], $0xffff  }
0x2d0: {  	v38 =	vor.u32 $0x180, v0;
	[tilespmem:s29+$0xFFFFFF40] =	vst v39  }
0x2d1: {  	v12 =	vld.idx.msk [tilespmem:v40+s20+$0x0], $0xffff;
	[tilespmem:s31+$0xFFFFFEC0] =	vst v10  }
0x2d2: {  	v44 =	vor.u32 $0x200, v2;
	v10 =	vld.idx.msk [tilespmem:v36+s20+$0x0], $0xffff;
	[tilespmem:s2+$0xFFFFFEC0] =	vst v6  }
0x2d3: {  	v41 =	vor.u32 $0x180, v5;
	v7 =	vld.idx.msk [tilespmem:v37+s20+$0x0], $0xffff  }
0x2d4: {  	v42 =	vor.u32 $0x180, v1;
	[tilespmem:s25+$0xFFFFFF40] =	vst v8  }
0x2d5: {  	v9 =	vld.idx.msk [tilespmem:v38+s20+$0x0], $0xffff  }
0x2d6: {  	v43 =	vor.u32 $0x200, v0;
	[tilespmem:s29+$0xFFFFFFC0] =	vst v12  }
0x2d7: {  	v12 =	vld.idx.msk [tilespmem:v44+s20+$0x0], $0xffff;
	[tilespmem:s31+$0xFFFFFF40] =	vst v10  }
0x2d8: {  	v49 =	vor.u32 $0x280, v2;
	v6 =	vld.idx.msk [tilespmem:v41+s20+$0x0], $0xffff;
	[tilespmem:s2+$0xFFFFFF40] =	vst v7  }
0x2d9: {  	v45 =	vor.u32 $0x200, v5;
	v8 =	vld.idx.msk [tilespmem:v42+s20+$0x0], $0xffff  }
0x2da: {  	v46 =	vor.u32 $0x200, v1;
	[tilespmem:s25+$0xFFFFFFC0] =	vst v9  }
0x2db: {  	v47 =	vld.idx.msk [tilespmem:v43+s20+$0x0], $0xffff  }
0x2dc: {  	v48 =	vor.u32 $0x280, v0;
	[tilespmem:s29+$0x40] =	vst v12  }
0x2dd: {  	v12 =	vld.idx.msk [tilespmem:v49+s20+$0x0], $0xffff;
	[tilespmem:s31+$0xFFFFFFC0] =	vst v6  }
0x2de: {  	v53 =	vor.u32 $0x300, v2;
	v6 =	vld.idx.msk [tilespmem:v45+s20+$0x0], $0xffff;
	[tilespmem:s2+$0xFFFFFFC0] =	vst v8  }
0x2df: {  	v50 =	vor.u32 $0x280, v5;
	v8 =	vld.idx.msk [tilespmem:v46+s20+$0x0], $0xffff  }
0x2e0: {  	v51 =	vor.u32 $0x280, v1;
	[tilespmem:s25+$0x40] =	vst v47  }
0x2e1: {  	v10 =	vld.idx.msk [tilespmem:v48+s20+$0x0], $0xffff  }
0x2e2: {  	v52 =	vor.u32 $0x300, v0;
	[tilespmem:s29+$0xC0] =	vst v12  }
0x2e3: {  	v56 =	vld.idx.msk [tilespmem:v53+s20+$0x0], $0xffff;
	[tilespmem:s31+$0x40] =	vst v6  }
0x2e4: {  	v2 =	vor.u32 $0x380, v2;
	v6 =	vld.idx.msk [tilespmem:v50+s20+$0x0], $0xffff;
	[tilespmem:s2+$0x40] =	vst v8  }
0x2e5: {  	v54 =	vor.u32 $0x300, v5;
	v8 =	vld.idx.msk [tilespmem:v51+s20+$0x0], $0xffff  }
0x2e6: {  	v55 =	vor.u32 $0x300, v1;
	[tilespmem:s25+$0xC0] =	vst v10  }
0x2e7: {  	v10 =	vld.idx.msk [tilespmem:v52+s20+$0x0], $0xffff  }
0x2e8: {  	v0 =	vor.u32 $0x380, v0;
	[tilespmem:s29+$0x140] =	vst v56  }
0x2e9: {  	v2 =	vld.idx.msk [tilespmem:v2+s20+$0x0], $0xffff;
	[tilespmem:s31+$0xC0] =	vst v6  }
0x2ea: {  	v6 =	vld.idx.msk [tilespmem:v54+s20+$0x0], $0xffff;
	[tilespmem:s2+$0xC0] =	vst v8  }
0x2eb: {  	v5 =	vor.u32 $0x380, v5;
	v57 =	vld.idx.msk [tilespmem:v55+s20+$0x0], $0xffff  }
0x2ec: {  	v1 =	vor.u32 $0x380, v1;
	[tilespmem:s25+$0x140] =	vst v10  }
0x2ed: {  	[tilespmem:s23+$0x1C0] =	vst v4;
	v0 =	vld.idx.msk [tilespmem:v0+s20+$0x0], $0xffff  }
0x2ee: {  	v4 =	vld [tilespmem:s26+$0x50];
	[tilespmem:s29+$0x1C0] =	vst v2  }
0x2ef: {  	v59 =	vld [tilespmem:s30+$0x50];
	[tilespmem:s31+$0x140] =	vst v6  }
0x2f0: {  	v5 =	vld.idx.msk [tilespmem:v5+s20+$0x0], $0xffff;
	[tilespmem:s2+$0x140] =	vst v57  }
0x2f1: {  	v1 =	vld.idx.msk [tilespmem:v1+s20+$0x0], $0xffff  }
0x2f2: {  	[tilespmem:s25+$0x1C0] =	vst v0  }
0x2f3: {  	v58 =	vshll.u32 v4, $0x3;
	v0 =	vld [tilespmem:s28+$0x50]  }
0x2f4: {  	v4 =	vand.u32 $0x7F, v4;
	v2 =	vand.u32 $0xFFFFFC00, v58;
	v62 =	vshll.u32 v59, $0x3  }
0x2f5: {  	v2 =	vor.u32 v4, v2;
	v63 =	vand.u32 $0x7F, v59;
	v12 =	vand.u32 $0xFFFFFC00, v62;
	[tilespmem:s31+$0x1C0] =	vst v5  }
0x2f6: {  	v6 =	vor.u32 v63, v12;
	v60 =	vld [tilespmem:s0+$0x50];
	[tilespmem:s2+$0x1C0] =	vst v1  }
0x2f7: {  	v1 =	vld [tilespmem:s8+$0x50]  }
0x2f8: {  	v61 =	vshll.u32 v0, $0x3  }
0x2f9: {  	v0 =	vand.u32 $0x7F, v0;
	v5 =	vand.u32 $0xFFFFFC00, v61  }
0x2fa: {  	v13 =	vld.idx.msk [tilespmem:v2+s20+$0x0], $0xffff;
	v5 =	vor.u32 v0, v5  }
0x2fb: {  	v14 =	vor.u32 $0x80, v2;
	v22 =	vor.u32 $0x80, v6;
	v21 =	vld.idx.msk [tilespmem:v6+s20+$0x0], $0xffff;
	v15 =	vshll.u32 v60, $0x3  }
0x2fc: {  	v4 =	vand.u32 $0x7F, v60;
	v0 =	vand.u32 $0xFFFFFC00, v15;
	v16 =	vshll.u32 v1, $0x3  }
0x2fd: {  	v4 =	vor.u32 v4, v0;
	v17 =	vand.u32 $0x7F, v1;
	v18 =	vand.u32 $0xFFFFFC00, v16  }
0x2fe: {  	v9 =	vor.u32 v17, v18  }
0x2ff: {  	[tilespmem:s23+$0xFFFFFE50] =	vst v13;
	v19 =	vld.idx.msk [tilespmem:v5+s20+$0x0], $0xffff  }
0x300: {  	v8 =	vld.idx.msk [tilespmem:v14+s20+$0x0], $0xffff;
	v20 =	vor.u32 $0x80, v5;
	[tilespmem:s29+$0xFFFFFE50] =	vst v21  }
0x301: {  	v23 =	vor.u32 $0x100, v2;
	v29 =	vld.idx.msk [tilespmem:v22+s20+$0x0], $0xffff  }
0x302: {  	v31 =	vor.u32 $0x100, v6;
	v24 =	vld.idx.msk [tilespmem:v4+s20+$0x0], $0xffff  }
0x303: {  	v25 =	vor.u32 $0x80, v4;
	v26 =	vld.idx.msk [tilespmem:v9+s20+$0x0], $0xffff  }
0x304: {  	[tilespmem:s25+$0xFFFFFE50] =	vst v19;
	v27 =	vor.u32 $0x80, v9  }
0x305: {  	[tilespmem:s23+$0xFFFFFED0] =	vst v8;
	v1 =	vld.idx.msk [tilespmem:v20+s20+$0x0], $0xffff  }
0x306: {  	v28 =	vor.u32 $0x100, v5;
	v30 =	vld.idx.msk [tilespmem:v23+s20+$0x0], $0xffff;
	[tilespmem:s29+$0xFFFFFED0] =	vst v29  }
0x307: {  	v32 =	vor.u32 $0x180, v2;
	v36 =	vld.idx.msk [tilespmem:v31+s20+$0x0], $0xffff;
	[tilespmem:s31+$0xFFFFFE50] =	vst v24  }
0x308: {  	v38 =	vor.u32 $0x180, v6;
	v13 =	vld.idx.msk [tilespmem:v25+s20+$0x0], $0xffff;
	[tilespmem:s2+$0xFFFFFE50] =	vst v26  }
0x309: {  	v33 =	vor.u32 $0x100, v4;
	v0 =	vld.idx.msk [tilespmem:v27+s20+$0x0], $0xffff  }
0x30a: {  	v34 =	vor.u32 $0x100, v9;
	[tilespmem:s25+$0xFFFFFED0] =	vst v1  }
0x30b: {  	[tilespmem:s23+$0xFFFFFF50] =	vst v30;
	v7 =	vld.idx.msk [tilespmem:v28+s20+$0x0], $0xffff  }
0x30c: {  	v35 =	vor.u32 $0x180, v5;
	v37 =	vld.idx.msk [tilespmem:v32+s20+$0x0], $0xffff;
	[tilespmem:s29+$0xFFFFFF50] =	vst v36  }
0x30d: {  	v39 =	vor.u32 $0x200, v2;
	v43 =	vld.idx.msk [tilespmem:v38+s20+$0x0], $0xffff;
	[tilespmem:s31+$0xFFFFFED0] =	vst v13  }
0x30e: {  	v45 =	vor.u32 $0x200, v6;
	v14 =	vld.idx.msk [tilespmem:v33+s20+$0x0], $0xffff;
	[tilespmem:s2+$0xFFFFFED0] =	vst v0  }
0x30f: {  	v40 =	vor.u32 $0x180, v4;
	v1 =	vld.idx.msk [tilespmem:v34+s20+$0x0], $0xffff  }
0x310: {  	v41 =	vor.u32 $0x180, v9;
	[tilespmem:s25+$0xFFFFFF50] =	vst v7  }
0x311: {  	[tilespmem:s23+$0xFFFFFFD0] =	vst v37;
	v8 =	vld.idx.msk [tilespmem:v35+s20+$0x0], $0xffff  }
0x312: {  	v42 =	vor.u32 $0x200, v5;
	v44 =	vld.idx.msk [tilespmem:v39+s20+$0x0], $0xffff;
	[tilespmem:s29+$0xFFFFFFD0] =	vst v43  }
0x313: {  	v46 =	vor.u32 $0x280, v2;
	v11 =	vld.idx.msk [tilespmem:v45+s20+$0x0], $0xffff;
	[tilespmem:s31+$0xFFFFFF50] =	vst v14  }
0x314: {  	v54 =	vor.u32 $0x280, v6;
	v47 =	vld.idx.msk [tilespmem:v40+s20+$0x0], $0xffff;
	[tilespmem:s2+$0xFFFFFF50] =	vst v1  }
0x315: {  	v49 =	vor.u32 $0x200, v4;
	v7 =	vld.idx.msk [tilespmem:v41+s20+$0x0], $0xffff  }
0x316: {  	v51 =	vor.u32 $0x200, v9;
	[tilespmem:s25+$0xFFFFFFD0] =	vst v8  }
0x317: {  	[tilespmem:s23+$0x50] =	vst v44;
	v52 =	vld.idx.msk [tilespmem:v42+s20+$0x0], $0xffff  }
0x318: {  	v53 =	vor.u32 $0x280, v5;
	v12 =	vld.idx.msk [tilespmem:v46+s20+$0x0], $0xffff;
	[tilespmem:s29+$0x50] =	vst v11  }
0x319: {  	v55 =	vor.u32 $0x300, v2;
	v61 =	vld.idx.msk [tilespmem:v54+s20+$0x0], $0xffff;
	[tilespmem:s31+$0xFFFFFFD0] =	vst v47  }
0x31a: {  	v63 =	vor.u32 $0x300, v6;
	v15 =	vld.idx.msk [tilespmem:v49+s20+$0x0], $0xffff;
	[tilespmem:s2+$0xFFFFFFD0] =	vst v7  }
0x31b: {  	v48 =	vshll.u32 v3, $0x3;
	v57 =	vor.u32 $0x280, v4;
	v8 =	vld.idx.msk [tilespmem:v51+s20+$0x0], $0xffff  }
0x31c: {  	v3 =	vand.u32 $0x7F, v3;
	v50 =	vld [tilespmem:s24+$0x60];
	v59 =	vor.u32 $0x280, v9;
	v0 =	vand.u32 $0xFFFFFC00, v48;
	[tilespmem:s25+$0x50] =	vst v52  }
0x31d: {  	[tilespmem:s23+$0xD0] =	vst v12;
	v0 =	vor.u32 v3, v0;
	v10 =	vld.idx.msk [tilespmem:v53+s20+$0x0], $0xffff  }
0x31e: {  	v60 =	vor.u32 $0x300, v5;
	v62 =	vld.idx.msk [tilespmem:v55+s20+$0x0], $0xffff;
	[tilespmem:s29+$0xD0] =	vst v61  }
0x31f: {  	v2 =	vor.u32 $0x380, v2;
	v12 =	vld.idx.msk [tilespmem:v63+s20+$0x0], $0xffff;
	[tilespmem:s31+$0x50] =	vst v15  }
0x320: {  	v6 =	vor.u32 $0x380, v6;
	v7 =	vld.idx.msk [tilespmem:v57+s20+$0x0], $0xffff;
	[tilespmem:s2+$0x50] =	vst v8  }
0x321: {  	v56 =	vshll.u32 v50, $0x3;
	v20 =	vor.u32 $0x300, v4;
	v3 =	vld.idx.msk [tilespmem:v59+s20+$0x0], $0xffff  }
0x322: {  	v16 =	vand.u32 $0x7F, v50;
	v22 =	vor.u32 $0x300, v9;
	v1 =	vand.u32 $0xFFFFFC00, v56;
	v58 =	vld.idx.msk [tilespmem:v0+s20+$0x0], $0xffff;
	[tilespmem:s25+$0xD0] =	vst v10  }
0x323: {  	[tilespmem:s23+$0x150] =	vst v62;
	v1 =	vor.u32 v16, v1;
	v11 =	vld.idx.msk [tilespmem:v60+s20+$0x0], $0xffff  }
0x324: {  	v5 =	vor.u32 $0x380, v5;
	v2 =	vld.idx.msk [tilespmem:v2+s20+$0x0], $0xffff;
	[tilespmem:s29+$0x150] =	vst v12  }
0x325: {  	v28 =	vld.idx.msk [tilespmem:v6+s20+$0x0], $0xffff;
	[tilespmem:s31+$0xD0] =	vst v7  }
0x326: {  	v7 =	vld.idx.msk [tilespmem:v20+s20+$0x0], $0xffff;
	[tilespmem:s2+$0xD0] =	vst v3  }
0x327: {  	v24 =	vor.u32 $0x380, v4;
	v25 =	vld.idx.msk [tilespmem:v22+s20+$0x0], $0xffff  }
0x328: {  	v9 =	vor.u32 $0x380, v9;
	v21 =	vld.idx.msk [tilespmem:v1+s20+$0x0], $0xffff;
	[tilespmem:s25+$0x150] =	vst v11  }
0x329: {  	v23 =	vor.u32 $0x80, v0;
	[tilespmem:s23+$0x1D0] =	vst v2;
	v5 =	vld.idx.msk [tilespmem:v5+s20+$0x0], $0xffff  }
0x32a: {  	v29 =	vld [tilespmem:s26+$0x60];
	[tilespmem:s29+$0x1D0] =	vst v28  }
0x32b: {  	v35 =	vld [tilespmem:s30+$0x60];
	[tilespmem:s31+$0x150] =	vst v7  }
0x32c: {  	v27 =	vor.u32 $0x80, v1;
	v3 =	vld.idx.msk [tilespmem:v24+s20+$0x0], $0xffff;
	[tilespmem:s2+$0x150] =	vst v25  }
0x32d: {  	[tilespmem:s22+$0xFFFFFE70] =	vst v58;
	v4 =	vld.idx.msk [tilespmem:v9+s20+$0x0], $0xffff  }
0x32e: {  	v26 =	vld.idx.msk [tilespmem:v23+s20+$0x0], $0xffff;
	[tilespmem:s25+$0x1D0] =	vst v5  }
0x32f: {  	v30 =	vor.u32 $0x100, v0;
	v34 =	vshll.u32 v29, $0x3;
	v33 =	vld [tilespmem:s28+$0x60]  }
0x330: {  	[tilespmem:s21+$0xFFFFFE60] =	vst v21;
	v6 =	vand.u32 $0x7F, v29;
	v2 =	vand.u32 $0xFFFFFC00, v34;
	v39 =	vshll.u32 v35, $0x3  }
0x331: {  	v31 =	vld.idx.msk [tilespmem:v27+s20+$0x0], $0xffff;
	v2 =	vor.u32 v6, v2;
	v8 =	vand.u32 $0x7F, v35;
	v40 =	vand.u32 $0xFFFFFC00, v39;
	[tilespmem:s31+$0x1D0] =	vst v3  }
0x332: {  	v8 =	vor.u32 v8, v40;
	v3 =	vld [tilespmem:s0+$0x60];
	[tilespmem:s2+$0x1D0] =	vst v4  }
0x333: {  	[tilespmem:s22+$0xFFFFFEF0] =	vst v26;
	v4 =	vld [tilespmem:s8+$0x60]  }
0x334: {  	v32 =	vor.u32 $0x100, v1;
	v7 =	vld.idx.msk [tilespmem:v30+s20+$0x0], $0xffff;
	v38 =	vshll.u32 v33, $0x3  }
0x335: {  	v36 =	vor.u32 $0x180, v0;
	v10 =	vand.u32 $0x7F, v33;
	v11 =	vand.u32 $0xFFFFFC00, v38  }
0x336: {  	v41 =	vld.idx.msk [tilespmem:v2+s20+$0x0], $0xffff;
	v10 =	vor.u32 v10, v11  }
0x337: {  	v42 =	vor.u32 $0x80, v2;
	v52 =	vor.u32 $0x80, v8;
	v51 =	vld.idx.msk [tilespmem:v8+s20+$0x0], $0xffff;
	v43 =	vshll.u32 v3, $0x3  }
0x338: {  	[tilespmem:s21+$0xFFFFFEE0] =	vst v31;
	v3 =	vand.u32 $0x7F, v3;
	v44 =	vand.u32 $0xFFFFFC00, v43;
	v45 =	vshll.u32 v4, $0x3  }
0x339: {  	v5 =	vld.idx.msk [tilespmem:v32+s20+$0x0], $0xffff;
	[tilespmem:s22+$0xFFFFFF70] =	vst v7;
	v3 =	vor.u32 v3, v44;
	v4 =	vand.u32 $0x7F, v4;
	v46 =	vand.u32 $0xFFFFFC00, v45  }
0x33a: {  	v6 =	vld.idx.msk [tilespmem:v36+s20+$0x0], $0xffff;
	v4 =	vor.u32 v4, v46  }
0x33b: {  	v37 =	vor.u32 $0x180, v1;
	[tilespmem:s23+$0xFFFFFE60] =	vst v41;
	v49 =	vld.idx.msk [tilespmem:v10+s20+$0x0], $0xffff  }
0x33c: {  	v13 =	vld.idx.msk [tilespmem:v42+s20+$0x0], $0xffff;
	v50 =	vor.u32 $0x80, v10;
	[tilespmem:s29+$0xFFFFFE60] =	vst v51  }
0x33d: {  	v53 =	vor.u32 $0x100, v2;
	v60 =	vld.idx.msk [tilespmem:v52+s20+$0x0], $0xffff  }
0x33e: {  	v62 =	vor.u32 $0x100, v8;
	[tilespmem:s21+$0xFFFFFF60] =	vst v5;
	v54 =	vld.idx.msk [tilespmem:v3+s20+$0x0], $0xffff  }
0x33f: {  	[tilespmem:s22+$0xFFFFFFF0] =	vst v6;
	v55 =	vor.u32 $0x80, v3;
	v56 =	vld.idx.msk [tilespmem:v4+s20+$0x0], $0xffff  }
0x340: {  	v47 =	vld.idx.msk [tilespmem:v37+s20+$0x0], $0xffff;
	[tilespmem:s25+$0xFFFFFE60] =	vst v49;
	v57 =	vor.u32 $0x80, v4  }
0x341: {  	v48 =	vor.u32 $0x200, v0;
	[tilespmem:s23+$0xFFFFFEE0] =	vst v13;
	v11 =	vld.idx.msk [tilespmem:v50+s20+$0x0], $0xffff  }
0x342: {  	v59 =	vor.u32 $0x100, v10;
	v61 =	vld.idx.msk [tilespmem:v53+s20+$0x0], $0xffff;
	[tilespmem:s29+$0xFFFFFEE0] =	vst v60  }
0x343: {  	v63 =	vor.u32 $0x180, v2;
	v26 =	vld.idx.msk [tilespmem:v62+s20+$0x0], $0xffff;
	[tilespmem:s31+$0xFFFFFE60] =	vst v54  }
0x344: {  	v28 =	vor.u32 $0x180, v8;
	v6 =	vld.idx.msk [tilespmem:v55+s20+$0x0], $0xffff;
	[tilespmem:s2+$0xFFFFFE60] =	vst v56  }
0x345: {  	[tilespmem:s21+$0xFFFFFFE0] =	vst v47;
	v21 =	vor.u32 $0x100, v3;
	v9 =	vld.idx.msk [tilespmem:v57+s20+$0x0], $0xffff  }
0x346: {  	v5 =	vld.idx.msk [tilespmem:v48+s20+$0x0], $0xffff;
	v23 =	vor.u32 $0x100, v4;
	[tilespmem:s25+$0xFFFFFEE0] =	vst v11  }
0x347: {  	v58 =	vor.u32 $0x200, v1;
	[tilespmem:s23+$0xFFFFFF60] =	vst v61;
	v12 =	vld.idx.msk [tilespmem:v59+s20+$0x0], $0xffff  }
0x348: {  	v25 =	vor.u32 $0x180, v10;
	v27 =	vld.idx.msk [tilespmem:v63+s20+$0x0], $0xffff;
	[tilespmem:s29+$0xFFFFFF60] =	vst v26  }
0x349: {  	v29 =	vor.u32 $0x200, v2;
	v35 =	vld.idx.msk [tilespmem:v28+s20+$0x0], $0xffff;
	[tilespmem:s31+$0xFFFFFEE0] =	vst v6  }
0x34a: {  	v36 =	vor.u32 $0x200, v8;
	v7 =	vld.idx.msk [tilespmem:v21+s20+$0x0], $0xffff;
	[tilespmem:s2+$0xFFFFFEE0] =	vst v9  }
0x34b: {  	v30 =	vor.u32 $0x180, v3;
	[tilespmem:s22+$0x70] =	vst v5;
	v9 =	vld.idx.msk [tilespmem:v23+s20+$0x0], $0xffff  }
0x34c: {  	v22 =	vld.idx.msk [tilespmem:v58+s20+$0x0], $0xffff;
	v32 =	vor.u32 $0x180, v4;
	[tilespmem:s25+$0xFFFFFF60] =	vst v12  }
0x34d: {  	v33 =	vor.u32 $0x280, v1;
	[tilespmem:s23+$0xFFFFFFE0] =	vst v27;
	v13 =	vld.idx.msk [tilespmem:v25+s20+$0x0], $0xffff  }
0x34e: {  	v34 =	vor.u32 $0x200, v10;
	v6 =	vld.idx.msk [tilespmem:v29+s20+$0x0], $0xffff;
	[tilespmem:s29+$0xFFFFFFE0] =	vst v35  }
0x34f: {  	v37 =	vor.u32 $0x280, v2;
	v15 =	vld.idx.msk [tilespmem:v36+s20+$0x0], $0xffff;
	[tilespmem:s31+$0xFFFFFF60] =	vst v7  }
0x350: {  	v42 =	vor.u32 $0x280, v8;
	v5 =	vld.idx.msk [tilespmem:v30+s20+$0x0], $0xffff;
	[tilespmem:s2+$0xFFFFFF60] =	vst v9  }
0x351: {  	v38 =	vor.u32 $0x200, v3;
	[tilespmem:s21+$0x60] =	vst v22;
	v12 =	vld.idx.msk [tilespmem:v32+s20+$0x0], $0xffff  }
0x352: {  	v17 =	vld.idx.msk [tilespmem:v33+s20+$0x0], $0xffff;
	v39 =	vor.u32 $0x200, v4;
	[tilespmem:s25+$0xFFFFFFE0] =	vst v13  }
0x353: {  	v40 =	vor.u32 $0x300, v1;
	[tilespmem:s23+$0x60] =	vst v6;
	v14 =	vld.idx.msk [tilespmem:v34+s20+$0x0], $0xffff  }
0x354: {  	v41 =	vor.u32 $0x280, v10;
	v7 =	vld.idx.msk [tilespmem:v37+s20+$0x0], $0xffff;
	[tilespmem:s29+$0x60] =	vst v15  }
0x355: {  	v43 =	vor.u32 $0x300, v2;
	v15 =	vld.idx.msk [tilespmem:v42+s20+$0x0], $0xffff;
	[tilespmem:s31+$0xFFFFFFE0] =	vst v5  }
0x356: {  	v47 =	vor.u32 $0x300, v8;
	v9 =	vld.idx.msk [tilespmem:v38+s20+$0x0], $0xffff;
	[tilespmem:s2+$0xFFFFFFE0] =	vst v12  }
0x357: {  	v44 =	vor.u32 $0x280, v3;
	[tilespmem:s21+$0xE0] =	vst v17;
	v13 =	vld.idx.msk [tilespmem:v39+s20+$0x0], $0xffff  }
0x358: {  	v45 =	vor.u32 $0x280, v4;
	v17 =	vld.idx.msk [tilespmem:v40+s20+$0x0], $0xffff;
	[tilespmem:s25+$0x60] =	vst v14  }
0x359: {  	v1 =	vor.u32 $0x380, v1;
	[tilespmem:s23+$0xE0] =	vst v7;
	v6 =	vld.idx.msk [tilespmem:v41+s20+$0x0], $0xffff  }
0x35a: {  	v46 =	vor.u32 $0x300, v10;
	v5 =	vld.idx.msk [tilespmem:v43+s20+$0x0], $0xffff;
	[tilespmem:s29+$0xE0] =	vst v15  }
0x35b: {  	v2 =	vor.u32 $0x380, v2;
	v51 =	vld.idx.msk [tilespmem:v47+s20+$0x0], $0xffff;
	[tilespmem:s31+$0x60] =	vst v9  }
0x35c: {  	v8 =	vor.u32 $0x380, v8;
	v9 =	vld.idx.msk [tilespmem:v44+s20+$0x0], $0xffff;
	[tilespmem:s2+$0x60] =	vst v13  }
0x35d: {  	v48 =	vor.u32 $0x300, v3;
	[tilespmem:s21+$0x160] =	vst v17;
	v13 =	vld.idx.msk [tilespmem:v45+s20+$0x0], $0xffff  }
0x35e: {  	v49 =	vor.u32 $0x300, v4;
	v1 =	vld.idx.msk [tilespmem:v1+s20+$0x0], $0xffff;
	[tilespmem:s25+$0xE0] =	vst v6  }
0x35f: {  	v24 =	vor.u32 $0x280, v0;
	[tilespmem:s23+$0x160] =	vst v5;
	v7 =	vld.idx.msk [tilespmem:v46+s20+$0x0], $0xffff  }
0x360: {  	v50 =	vor.u32 $0x380, v10;
	v2 =	vld.idx.msk [tilespmem:v2+s20+$0x0], $0xffff;
	[tilespmem:s29+$0x160] =	vst v51  }
0x361: {  	v55 =	vld.idx.msk [tilespmem:v8+s20+$0x0], $0xffff;
	[tilespmem:s31+$0xE0] =	vst v9  }
0x362: {  	v9 =	vld.idx.msk [tilespmem:v48+s20+$0x0], $0xffff;
	[tilespmem:s2+$0xE0] =	vst v13  }
0x363: {  	v52 =	vor.u32 $0x380, v3;
	[tilespmem:s21+$0x1E0] =	vst v1;
	v53 =	vld.idx.msk [tilespmem:v49+s20+$0x0], $0xffff  }
0x364: {  	v31 =	vld.idx.msk [tilespmem:v24+s20+$0x0], $0xffff;
	v4 =	vor.u32 $0x380, v4;
	[tilespmem:s25+$0x160] =	vst v7  }
0x365: {  	[tilespmem:s23+$0x1E0] =	vst v2;
	v5 =	vld.idx.msk [tilespmem:v50+s20+$0x0], $0xffff  }
0x366: {  	v54 =	vld [tilespmem:s24+$0x70];
	[tilespmem:s29+$0x1E0] =	vst v55  }
0x367: {  	v57 =	vor.u32 $0x300, v0;
	v2 =	vld [tilespmem:s30+$0x70];
	[tilespmem:s31+$0x160] =	vst v9  }
0x368: {  	v1 =	vld.idx.msk [tilespmem:v52+s20+$0x0], $0xffff;
	[tilespmem:s2+$0x160] =	vst v53  }
0x369: {  	v3 =	vld.idx.msk [tilespmem:v4+s20+$0x0], $0xffff  }
0x36a: {  	[tilespmem:s25+$0x1E0] =	vst v5  }
0x36b: {  	[tilespmem:s22+$0xF0] =	vst v31;
	v58 =	vld [tilespmem:s28+$0x70]  }
0x36c: {  	v59 =	vld.idx.msk [tilespmem:v57+s20+$0x0], $0xffff  }
0x36d: {  	v56 =	vld [tilespmem:s26+$0x70];
	[tilespmem:s31+$0x1E0] =	vst v1  }
0x36e: {  	v0 =	vor.u32 $0x380, v0;
	v60 =	vshll.u32 v54, $0x3;
	v14 =	vshll.u32 v2, $0x3;
	v9 =	vld [tilespmem:s0+$0x70];
	[tilespmem:s2+$0x1E0] =	vst v3  }
0x36f: {  	v6 =	vand.u32 $0x7F, v54;
	v2 =	vand.u32 $0x7F, v2;
	v7 =	vand.u32 $0xFFFFFC00, v14;
	v12 =	vld [tilespmem:s8+$0x70]  }
0x370: {  	v2 =	vor.u32 v2, v7;
	v1 =	vand.u32 $0xFFFFFC00, v60;
	v13 =	vshll.u32 v58, $0x3  }
0x371: {  	v1 =	vor.u32 v6, v1;
	v6 =	vand.u32 $0xFFFFFC00, v13;
	v4 =	vand.u32 $0x7F, v58  }
0x372: {  	v61 =	vshll.u32 v56, $0x3;
	v62 =	vand.u32 $0x7F, v56;
	v4 =	vor.u32 v4, v6  }
0x373: {  	v63 =	vand.u32 $0xFFFFFC00, v61;
	v15 =	vshll.u32 v9, $0x3;
	v16 =	vand.u32 $0x7F, v9  }
0x374: {  	[tilespmem:s22+$0x170] =	vst v59;
	v3 =	vor.u32 v62, v63;
	v6 =	vand.u32 $0xFFFFFC00, v15;
	v17 =	vshll.u32 v12, $0x3  }
0x375: {  	v0 =	vld.idx.msk [tilespmem:v0+s20+$0x0], $0xffff;
	v5 =	vor.u32 v16, v6;
	v18 =	vand.u32 $0x7F, v12;
	v7 =	vand.u32 $0xFFFFFC00, v17  }
0x376: {  	v25 =	vld.idx.msk [tilespmem:v2+s20+$0x0], $0xffff;
	v6 =	vor.u32 v18, v7  }
0x377: {  	v26 =	vor.u32 $0x80, v2;
	v23 =	vld.idx.msk [tilespmem:v4+s20+$0x0], $0xffff  }
0x378: {  	v24 =	vor.u32 $0x80, v4;
	v19 =	vld.idx.msk [tilespmem:v1+s20+$0x0], $0xffff  }
0x379: {  	v20 =	vor.u32 $0x80, v1;
	v21 =	vld.idx.msk [tilespmem:v3+s20+$0x0], $0xffff  }
0x37a: {  	[tilespmem:s22+$0x1F0] =	vst v0;
	v22 =	vor.u32 $0x80, v3;
	v27 =	vld.idx.msk [tilespmem:v5+s20+$0x0], $0xffff  }
0x37b: {  	[tilespmem:s29+$0xFFFFFE70] =	vst v25;
	v28 =	vor.u32 $0x80, v5;
	v29 =	vld.idx.msk [tilespmem:v6+s20+$0x0], $0xffff  }
0x37c: {  	v0 =	vld.idx.msk [tilespmem:v26+s20+$0x0], $0xffff;
	[tilespmem:s25+$0xFFFFFE70] =	vst v23;
	v30 =	vor.u32 $0x80, v6  }
0x37d: {  	v34 =	vor.u32 $0x100, v2;
	[tilespmem:s21+$0xFFFFFE70] =	vst v19;
	v12 =	vld.idx.msk [tilespmem:v24+s20+$0x0], $0xffff  }
0x37e: {  	v33 =	vor.u32 $0x100, v4;
	v7 =	vld.idx.msk [tilespmem:v20+s20+$0x0], $0xffff;
	[tilespmem:s23+$0xFFFFFE70] =	vst v21  }
0x37f: {  	v31 =	vor.u32 $0x100, v1;
	v10 =	vld.idx.msk [tilespmem:v22+s20+$0x0], $0xffff;
	[tilespmem:s31+$0xFFFFFE70] =	vst v27  }
0x380: {  	v32 =	vor.u32 $0x100, v3;
	v8 =	vld.idx.msk [tilespmem:v28+s20+$0x0], $0xffff;
	[tilespmem:s2+$0xFFFFFE70] =	vst v29  }
0x381: {  	v35 =	vor.u32 $0x100, v5;
	[tilespmem:s29+$0xFFFFFEF0] =	vst v0;
	v9 =	vld.idx.msk [tilespmem:v30+s20+$0x0], $0xffff  }
0x382: {  	v14 =	vld.idx.msk [tilespmem:v34+s20+$0x0], $0xffff;
	v37 =	vor.u32 $0x100, v6;
	[tilespmem:s25+$0xFFFFFEF0] =	vst v12  }
0x383: {  	v41 =	vor.u32 $0x180, v2;
	[tilespmem:s21+$0xFFFFFEF0] =	vst v7;
	v13 =	vld.idx.msk [tilespmem:v33+s20+$0x0], $0xffff  }
0x384: {  	v40 =	vor.u32 $0x180, v4;
	v36 =	vld.idx.msk [tilespmem:v31+s20+$0x0], $0xffff;
	[tilespmem:s23+$0xFFFFFEF0] =	vst v10  }
0x385: {  	v38 =	vor.u32 $0x180, v1;
	v11 =	vld.idx.msk [tilespmem:v32+s20+$0x0], $0xffff;
	[tilespmem:s31+$0xFFFFFEF0] =	vst v8  }
0x386: {  	v39 =	vor.u32 $0x180, v3;
	v7 =	vld.idx.msk [tilespmem:v35+s20+$0x0], $0xffff;
	[tilespmem:s2+$0xFFFFFEF0] =	vst v9  }
0x387: {  	v42 =	vor.u32 $0x180, v5;
	[tilespmem:s29+$0xFFFFFF70] =	vst v14;
	v10 =	vld.idx.msk [tilespmem:v37+s20+$0x0], $0xffff  }
0x388: {  	v43 =	vor.u32 $0x180, v6;
	v8 =	vld.idx.msk [tilespmem:v41+s20+$0x0], $0xffff;
	[tilespmem:s25+$0xFFFFFF70] =	vst v13  }
0x389: {  	v47 =	vor.u32 $0x200, v2;
	[tilespmem:s21+$0xFFFFFF70] =	vst v36;
	v0 =	vld.idx.msk [tilespmem:v40+s20+$0x0], $0xffff  }
0x38a: {  	v46 =	vor.u32 $0x200, v4;
	v15 =	vld.idx.msk [tilespmem:v38+s20+$0x0], $0xffff;
	[tilespmem:s23+$0xFFFFFF70] =	vst v11  }
0x38b: {  	v44 =	vor.u32 $0x200, v1;
	v12 =	vld.idx.msk [tilespmem:v39+s20+$0x0], $0xffff;
	[tilespmem:s31+$0xFFFFFF70] =	vst v7  }
0x38c: {  	v45 =	vor.u32 $0x200, v3;
	v9 =	vld.idx.msk [tilespmem:v42+s20+$0x0], $0xffff;
	[tilespmem:s2+$0xFFFFFF70] =	vst v10  }
0x38d: {  	v48 =	vor.u32 $0x200, v5;
	[tilespmem:s29+$0xFFFFFFF0] =	vst v8;
	v11 =	vld.idx.msk [tilespmem:v43+s20+$0x0], $0xffff  }
0x38e: {  	v49 =	vor.u32 $0x200, v6;
	v7 =	vld.idx.msk [tilespmem:v47+s20+$0x0], $0xffff;
	[tilespmem:s25+$0xFFFFFFF0] =	vst v0  }
0x38f: {  	v53 =	vor.u32 $0x280, v2;
	[tilespmem:s21+$0xFFFFFFF0] =	vst v15;
	v14 =	vld.idx.msk [tilespmem:v46+s20+$0x0], $0xffff  }
0x390: {  	v52 =	vor.u32 $0x280, v4;
	v15 =	vld.idx.msk [tilespmem:v44+s20+$0x0], $0xffff;
	[tilespmem:s23+$0xFFFFFFF0] =	vst v12  }
0x391: {  	v50 =	vor.u32 $0x280, v1;
	v13 =	vld.idx.msk [tilespmem:v45+s20+$0x0], $0xffff;
	[tilespmem:s31+$0xFFFFFFF0] =	vst v9  }
0x392: {  	v51 =	vor.u32 $0x280, v3;
	v10 =	vld.idx.msk [tilespmem:v48+s20+$0x0], $0xffff;
	[tilespmem:s2+$0xFFFFFFF0] =	vst v11  }
0x393: {  	v54 =	vor.u32 $0x280, v5;
	[tilespmem:s29+$0x70] =	vst v7;
	v12 =	vld.idx.msk [tilespmem:v49+s20+$0x0], $0xffff  }
0x394: {  	v55 =	vor.u32 $0x280, v6;
	v9 =	vld.idx.msk [tilespmem:v53+s20+$0x0], $0xffff;
	[tilespmem:s25+$0x70] =	vst v14  }
0x395: {  	v59 =	vor.u32 $0x300, v2;
	[tilespmem:s21+$0x70] =	vst v15;
	v8 =	vld.idx.msk [tilespmem:v52+s20+$0x0], $0xffff  }
0x396: {  	v58 =	vor.u32 $0x300, v4;
	v15 =	vld.idx.msk [tilespmem:v50+s20+$0x0], $0xffff;
	[tilespmem:s23+$0x70] =	vst v13  }
0x397: {  	v56 =	vor.u32 $0x300, v1;
	v0 =	vld.idx.msk [tilespmem:v51+s20+$0x0], $0xffff;
	[tilespmem:s31+$0x70] =	vst v10  }
0x398: {  	v57 =	vor.u32 $0x300, v3;
	v11 =	vld.idx.msk [tilespmem:v54+s20+$0x0], $0xffff;
	[tilespmem:s2+$0x70] =	vst v12  }
0x399: {  	v60 =	vor.u32 $0x300, v5;
	[tilespmem:s29+$0xF0] =	vst v9;
	v13 =	vld.idx.msk [tilespmem:v55+s20+$0x0], $0xffff  }
0x39a: {  	v61 =	vor.u32 $0x300, v6;
	v62 =	vld.idx.msk [tilespmem:v59+s20+$0x0], $0xffff;
	[tilespmem:s25+$0xF0] =	vst v8  }
0x39b: {  	v2 =	vor.u32 $0x380, v2;
	[tilespmem:s21+$0xF0] =	vst v15;
	v7 =	vld.idx.msk [tilespmem:v58+s20+$0x0], $0xffff  }
0x39c: {  	v4 =	vor.u32 $0x380, v4;
	v15 =	vld.idx.msk [tilespmem:v56+s20+$0x0], $0xffff;
	[tilespmem:s23+$0xF0] =	vst v0  }
0x39d: {  	v1 =	vor.u32 $0x380, v1;
	v14 =	vld.idx.msk [tilespmem:v57+s20+$0x0], $0xffff;
	[tilespmem:s31+$0xF0] =	vst v11  }
0x39e: {  	v3 =	vor.u32 $0x380, v3;
	v63 =	vld.idx.msk [tilespmem:v60+s20+$0x0], $0xffff;
	[tilespmem:s2+$0xF0] =	vst v13  }
0x39f: {  	v5 =	vor.u32 $0x380, v5;
	[tilespmem:s29+$0x170] =	vst v62;
	v0 =	vld.idx.msk [tilespmem:v61+s20+$0x0], $0xffff  }
0x3a0: {  	v6 =	vor.u32 $0x380, v6;
	v2 =	vld.idx.msk [tilespmem:v2+s20+$0x0], $0xffff;
	[tilespmem:s25+$0x170] =	vst v7  }
0x3a1: {  	[tilespmem:s21+$0x170] =	vst v15;
	v4 =	vld.idx.msk [tilespmem:v4+s20+$0x0], $0xffff  }
0x3a2: {  	v1 =	vld.idx.msk [tilespmem:v1+s20+$0x0], $0xffff;
	[tilespmem:s23+$0x170] =	vst v14  }
0x3a3: {  	v3 =	vld.idx.msk [tilespmem:v3+s20+$0x0], $0xffff;
	[tilespmem:s31+$0x170] =	vst v63  }
0x3a4: {  	v5 =	vld.idx.msk [tilespmem:v5+s20+$0x0], $0xffff;
	[tilespmem:s2+$0x170] =	vst v0  }
0x3a5: {  	[tilespmem:s29+$0x1F0] =	vst v2;
	v0 =	vld.idx.msk [tilespmem:v6+s20+$0x0], $0xffff  }
0x3a6: {  	[tilespmem:s25+$0x1F0] =	vst v4  }
0x3a7: {  	[tilespmem:s21+$0x1F0] =	vst v1  }
0x3a8: {  	p2 =	seq.s32 s18, $0x3F;
	s0 =	simm.s32 $0x1;
	[tilespmem:s23+$0x1F0] =	vst v3  }
0x3a9: {  	p1 =	por p2, p1;
	s0 =	simm.s32 @!p0 $0x0;
	[tilespmem:s31+$0x1F0] =	vst v5  }
0x3aa: {  	s4 =	sor.u32 @p1 $0x4, s19;
	s17 =	sadd.s32 s0, s17;
	[tilespmem:s2+$0x1F0] =	vst v0;
	s2 =	sshll.u32 @p1 s7, $0xB  }
0x3ab: {  	s0 =	simm.s32 $0x1;
	_ =	strace $0x9000004B;
	s2 =	sand.u32 @p1 $0x1FFFF800, s2  }
0x3ac: {  	s7 =	simm.s32 @p1 $0x0;
	_ =	strace @p1 $0x8000004C;
	s2 =	sadd.s32 @p1 s3, s2  }
0x3ad: {  	[hbm4b:s2+s7] =	stream.linear.scatter @p1 [tilespmem:s5], [sflag:s4], $0x4000, $0x200038;
	[tilespmem:$0x10800] =	vst v63  }
0x3ae: {  	p0 =	seq.s32 s18, $0x0;
	s0 =	simm.s32 @!p1 $0x0;
	s4 =	simm.s32 $0x1  }
0x3af: {  	_ =	strace @p1 $0x9000004C;
	p1 =	sne.s32 s18, $0x0;
	s18 =	sadd.s32 $0x1, s18  }
0x3b0: {  	s2 =	sand.u32 @!p0 $0x1, s14;
	s4 =	simm.s32 @!p1 $0x0;
	p1 =	sne.s32 s18, $0x40  }
.Ltmp1:
0x3b1: {  	s2 =	sor.u32 @!p0 $0x4, s2;
	_ =	strace @!p0 $0x8000004D;
	(pc) =	sbr.rel @p1 .LBB2_2-.Ltmp1, $4  }
0x3b2: {  	_ =	swait.ge @!p0 [sflag:s2], $0x4000  }
0x3b3: {  	[sflag:s2] =	ssyncset.done @!p0 $0x0  }
0x3b4: {  	s15 =	sadd.s32 s0, s15;
	[sflag:s2] =	ssyncadd.s32 @!p0 $0xFFFFC000  }
0x3b5: {  	s16 =	sadd.s32 s0, s16;
	s14 =	sadd.s32 s4, s14;
	_ =	strace @!p0 $0x9000004D  }
0x3b6: {  	_ =	strace $0x8000004E  }
0x3b7: {  	_ =	swait.ge [sflag:s11], $0x4000  }
0x3b8: {  	s12 =	sadd.s32 $0x1, s12;
	s0 =	rddreg [dreg:$0x5]  }
0x3b9: {  	p0 =	sne.s32 s12, s0  }
.Ltmp2:
0x3ba: {  	_ = 	snop;
	(pc) =	sbr.rel @p0 .LBB2_1-.Ltmp2, $4  }
0x3bb: {  	_ = 	snop  }
0x3bc: {  	[sflag:s11] =	ssyncset.done $0x0  }
0x3bd: {  	[sflag:s11] =	ssyncadd.s32 $0xFFFFC000  }
0x3be: {  	_ =	strace $0x9000004E  }
0x3bf: {  	_ =	sfence.sel $0x180000  }
0x3c0: {  	[bflag:$0x0] =	sbarrier.arrive $0xFFFF  }
0x3c1: {  	_ =	strace $0x90000047  }
0x3c2: {  	s0 =	stileid.u32;
	[bflag:$0x2] =	sbarrier.arrive $0xFFFF  }
0x3c3: {  	p0 =	sne.s32 s0, $0x0;
	s0 =	rddreg [dreg:$0x3]  }
0x3c4: {  	s0 =	sadd.s32 @!p0 $0x100000, s0  }
0x3c5: {  	[sflag:s0] =	ssyncadd.tile.s32 @!p0 $0x1;
	_ =	shalt  }
.Lfunc_end2:
_tile_overlayer_lowered:
.L_overlay_start_2:
0x3c6: {  	(tag) =	ssettag $0x2  }
0x3c7: {  	s0 =	rddreg [dreg:$0x0];
	s2 =	stileid.u32  }
0x3c8: {  	s1 =	rddreg [dreg:$0x1];
	p0 =	sne.s32 s2, $0x0  }
0x3c9: {  	s3 =	rddreg [dreg:$0x2];
	[bflag:$0x3] =	sbarrier.arrive $0xFFFF;
	s2 =	simm.s32 @!p0 $0x1C02  }
0x3ca: {  	[timem:s3], [sflag:s2] =	dma.local @!p0 [hbm:s0], s1  }
0x3cb: {  	s0 =	simm.s32 @!p0 $0x2  }
0x3cc: {  	_ =	swait.ge @!p0 [sflag:s0], s1  }
0x3cd: {  	s1 =	ssub.s32 @!p0 $0x0, s1;
	[sflag:s0] =	ssyncset.done @!p0 $0x0  }
0x3ce: {  	[sflag:s0] =	ssyncadd.s32 @!p0 s1  }
0x3cf: {  	[bflag:$0x3] =	sbarrier.arrive $0xFFFF  }
0x3d0: {  	_ =	shalt  }

</sc_bundles>
